<compile_context>
chip_gen: v7x
topology: tpu7x:2x2x1
jax: 0.10.2.dev20260603
libtpu: 0.0.44.dev20260713+nightly
codegen_flags: <defaults>
</compile_context>

<pallas_src>
import functools

import jax
import jax.numpy as jnp
from jax import lax
from jax.experimental import pallas as pl
from jax.experimental.pallas import tpu as pltpu
from jax.experimental.pallas import tpu_sc as plsc

N = 10000
E = 160000
D = 256
DH = 128
E_PAD = 163840
N_ACC = 10112
ZSPAN = 632
OSPAN = 632
OSPAN_LAST = N - 15 * OSPAN
CHUNK = 128
SEG_CHUNKS = E_PAD // 16 // CHUNK
CNT_CHUNKS = E_PAD // 32 // CHUNK
CNT_W = 128

BN = 400
GRID = N // BN

_mesh = plsc.VectorSubcoreMesh(core_axis_name="c", subcore_axis_name="s")



NBUF = 2
NGRP = SEG_CHUNKS // NBUF


@functools.partial(
    pl.kernel,
    mesh=_mesh,
    out_type=[
        jax.ShapeDtypeStruct((N, DH), jnp.float32),
        jax.ShapeDtypeStruct((N, DH), jnp.float32),
    ],
    scratch_types=[
        pltpu.VMEM_SHARED((N_ACC, DH), jnp.float32),
        pltpu.VMEM((SEG_CHUNKS, CHUNK), jnp.int32),
    ] + [pltpu.VMEM((CHUNK, DH), jnp.float32) for _ in range(NBUF)]
      + [pltpu.VMEM((CHUNK,), jnp.int32) for _ in range(NBUF)] + [
        pltpu.SemaphoreType.DMA for _ in range(3 * NBUF)
    ],
)
def _segsum(xt_lo, xt_hi, row_hbm, col_hbm, s_lo, s_hi,
            acc, col_idx, g0, g1, r0, r1, gs0, gs1, ss0, ss1, is0, is1):
    c = lax.axis_index("c")
    sid = lax.axis_index("s")
    gbufs = (g0, g1)
    rbufs = (r0, r1)
    gsems = (gs0, gs1)
    ssems = (ss0, ss1)
    isems = (is0, is1)

    pltpu.sync_copy(col_hbm.at[pl.ds(sid * SEG_CHUNKS, SEG_CHUNKS)], col_idx)

    def _zrow(i, carry):
        for j in range(DH // 16):
            g0[i, pl.ds(j * 16, 16)] = jnp.zeros((16,), jnp.float32)
        return carry
    lax.fori_loop(0, CHUNK, _zrow, 0)
    zbase = sid * ZSPAN
    for k in range((ZSPAN + CHUNK - 1) // CHUNK):
        n = min(CHUNK, ZSPAN - k * CHUNK)
        pltpu.sync_copy(g0.at[pl.ds(0, n)],
                        acc.at[pl.ds(zbase + k * CHUNK, n)])
    plsc.subcore_barrier()

    ebase = sid * (E_PAD // 16)

    def _pf_row(b, ch):
        pltpu.async_copy(row_hbm.at[pl.ds(ebase + ch * CHUNK, CHUNK)],
                         rbufs[b], isems[b])

    def _wait_row(b):
        pltpu.make_async_copy(row_hbm.at[pl.ds(0, CHUNK)], rbufs[b],
                              isems[b]).wait()

    def _edge_loop(table):
        def _gather(b):
            pltpu.async_copy(table.at[rbufs[b]], gbufs[b], gsems[b])

        def _wait_gather(b):
            pltpu.make_async_copy(table.at[pl.ds(0, CHUNK)], gbufs[b],
                                  gsems[b]).wait()

        def _scatter(b, ch):
            pltpu.async_copy(gbufs[b], acc.at[col_idx.at[ch]], ssems[b],
                             add=True)

        def _wait_scatter(b):
            pltpu.make_async_copy(table.at[pl.ds(0, CHUNK)], gbufs[b],
                                  ssems[b]).wait()

        for b in range(NBUF):
            _pf_row(b, b)
        for b in range(NBUF):
            _wait_row(b)
            _gather(b)

        def _body(i, carry):
            g = i * NBUF
            for b in range(NBUF):
                _wait_gather(b)
                _pf_row(b, g + NBUF + b)
                _scatter(b, g + b)
            for b in range(NBUF):
                _wait_scatter(b)
                _wait_row(b)
                _gather(b)
            return carry
        lax.fori_loop(0, NGRP - 1, _body, 0)

        g = (NGRP - 1) * NBUF
        for b in range(NBUF):
            _wait_gather(b)
            _scatter(b, g + b)
        for b in range(NBUF):
            _wait_scatter(b)

    @pl.when(c == 0)
    def _():
        _edge_loop(xt_lo)

    @pl.when(c == 1)
    def _():
        _edge_loop(xt_hi)

    plsc.subcore_barrier()
    _write_out(c, sid, acc, s_lo, s_hi)


def _write_out(c, sid, acc, out0, out1):
    obase = sid * OSPAN

    @pl.when((c == 0) & (sid < 15))
    def _():
        pltpu.sync_copy(acc.at[pl.ds(obase, OSPAN)],
                        out0.at[pl.ds(obase, OSPAN)])

    @pl.when((c == 0) & (sid == 15))
    def _():
        pltpu.sync_copy(acc.at[pl.ds(15 * OSPAN, OSPAN_LAST)],
                        out0.at[pl.ds(15 * OSPAN, OSPAN_LAST)])

    @pl.when((c == 1) & (sid < 15))
    def _():
        pltpu.sync_copy(acc.at[pl.ds(obase, OSPAN)],
                        out1.at[pl.ds(obase, OSPAN)])

    @pl.when((c == 1) & (sid == 15))
    def _():
        pltpu.sync_copy(acc.at[pl.ds(15 * OSPAN, OSPAN_LAST)],
                        out1.at[pl.ds(15 * OSPAN, OSPAN_LAST)])


@functools.partial(
    pl.kernel,
    mesh=_mesh,
    out_type=[
        jax.ShapeDtypeStruct((N, CNT_W), jnp.float32),
        jax.ShapeDtypeStruct((N, CNT_W), jnp.float32),
    ],
    scratch_types=[
        pltpu.VMEM_SHARED((N_ACC, CNT_W), jnp.float32),
        pltpu.VMEM((CNT_CHUNKS, CHUNK), jnp.int32),
        pltpu.VMEM((CHUNK, CNT_W), jnp.float32),
        pltpu.VMEM((CHUNK, CNT_W), jnp.float32),
    ],
)
def _cnt(col_hbm, cnt_a, cnt_b, acc, col_idx, ones_buf, zbuf):
    c = lax.axis_index("c")
    sid = lax.axis_index("s")

    wid = sid * 2 + c
    cbase = pl.multiple_of(wid * CNT_CHUNKS, 8)
    pltpu.sync_copy(col_hbm.at[pl.ds(cbase, CNT_CHUNKS)], col_idx)

    def _fill(i, carry):
        for j in range(CNT_W // 16):
            ones_buf[i, pl.ds(j * 16, 16)] = jnp.ones((16,), jnp.float32)
            zbuf[i, pl.ds(j * 16, 16)] = jnp.zeros((16,), jnp.float32)
        return carry
    lax.fori_loop(0, CHUNK, _fill, 0)
    zbase = sid * ZSPAN
    for k in range((ZSPAN + CHUNK - 1) // CHUNK):
        n = min(CHUNK, ZSPAN - k * CHUNK)
        pltpu.sync_copy(zbuf.at[pl.ds(0, n)],
                        acc.at[pl.ds(zbase + k * CHUNK, n)])
    plsc.subcore_barrier()

    def _body(ch, carry):
        pltpu.sync_copy(ones_buf, acc.at[col_idx.at[ch]], add=True)
        return carry
    lax.fori_loop(0, CNT_CHUNKS, _body, 0)

    plsc.subcore_barrier()
    _write_out(c, sid, acc, cnt_a, cnt_b)



def _dot_t(x, w):
    return lax.dot_general(x, w, (((1,), (1,)), ((), ())),
                           preferred_element_type=jnp.float32)


def _tc1_body(x_ref, w0_ref, b0_ref, w1_ref, b1_ref, lo_ref, hi_ref):
    h = jnp.maximum(_dot_t(x_ref[...], w0_ref[...]) + b0_ref[...], 0.0)
    xt = _dot_t(h, w1_ref[...]) + b1_ref[...]
    lo_ref[...] = xt[:, :DH]
    hi_ref[...] = xt[:, DH:]


def _tc1(x, in_W, in_b, l0_W, l0_b):
    return pl.pallas_call(
        _tc1_body,
        grid=(GRID,),
        in_specs=[
            pl.BlockSpec((BN, D), lambda i: (i, 0)),
            pl.BlockSpec((D, D), lambda i: (0, 0)),
            pl.BlockSpec((1, D), lambda i: (0, 0)),
            pl.BlockSpec((D, D), lambda i: (0, 0)),
            pl.BlockSpec((1, D), lambda i: (0, 0)),
        ],
        out_specs=[pl.BlockSpec((BN, DH), lambda i: (i, 0))] * 2,
        out_shape=[jax.ShapeDtypeStruct((N, DH), jnp.float32)] * 2,
    )(x, in_W, in_b, l0_W, l0_b)


def _mean_sub(a_ref, ca_ref, cb_ref, xlo_ref, xhi_ref, slo_ref, shi_ref,
              ntW_ref, ntb_ref):
    sig = jax.nn.sigmoid(a_ref[0, 0])
    cnt = ca_ref[...][:, :1] + cb_ref[...][:, :1]
    scale = 1.0 / jnp.maximum(cnt, 1.0)
    ind = (cnt > 0.0).astype(jnp.float32)
    g = jnp.concatenate([slo_ref[...], shi_ref[...]], axis=1) * scale
    mean = _dot_t(g, ntW_ref[...]) + ind * ntb_ref[...]
    xt = jnp.concatenate([xlo_ref[...], xhi_ref[...]], axis=1)
    return jnp.maximum(xt - sig * mean, 0.0)


def _tc2_body(a_ref, ca_ref, cb_ref, xlo_ref, xhi_ref, slo_ref, shi_ref,
              ntW_ref, ntb_ref, feW_ref, feb_ref, l1W_ref, l1b_ref,
              olo_ref, ohi_ref):
    h1 = _mean_sub(a_ref, ca_ref, cb_ref, xlo_ref, xhi_ref, slo_ref, shi_ref,
                   ntW_ref, ntb_ref)
    h2 = jnp.maximum(_dot_t(h1, feW_ref[...]) + feb_ref[...], 0.0)
    xt1 = _dot_t(h2, l1W_ref[...]) + l1b_ref[...]
    olo_ref[...] = xt1[:, :DH]
    ohi_ref[...] = xt1[:, DH:]


_SPEC_SCALAR = pl.BlockSpec(memory_space=pltpu.SMEM)
_SPEC_CNT = pl.BlockSpec((BN, CNT_W), lambda i: (i, 0))
_SPEC_HALF = pl.BlockSpec((BN, DH), lambda i: (i, 0))
_SPEC_W = pl.BlockSpec((D, D), lambda i: (0, 0))
_SPEC_B = pl.BlockSpec((1, D), lambda i: (0, 0))


def _tc2(a, cnt_a, cnt_b, xt_lo, xt_hi, s_lo, s_hi,
         nt_W, nt_b, fe_W, fe_b, l1_W, l1_b):
    return pl.pallas_call(
        _tc2_body,
        grid=(GRID,),
        in_specs=[_SPEC_SCALAR, _SPEC_CNT, _SPEC_CNT,
                  _SPEC_HALF, _SPEC_HALF, _SPEC_HALF, _SPEC_HALF,
                  _SPEC_W, _SPEC_B, _SPEC_W, _SPEC_B, _SPEC_W, _SPEC_B],
        out_specs=[_SPEC_HALF] * 2,
        out_shape=[jax.ShapeDtypeStruct((N, DH), jnp.float32)] * 2,
    )(a, cnt_a, cnt_b, xt_lo, xt_hi, s_lo, s_hi,
      nt_W, nt_b, fe_W, fe_b, l1_W, l1_b)


def _tc3_body(a_ref, ca_ref, cb_ref, xlo_ref, xhi_ref, slo_ref, shi_ref,
              ntW_ref, ntb_ref, oW_ref, ob_ref, o_ref):
    h3 = _mean_sub(a_ref, ca_ref, cb_ref, xlo_ref, xhi_ref, slo_ref, shi_ref,
                   ntW_ref, ntb_ref)
    o_ref[...] = _dot_t(h3, oW_ref[...]) + ob_ref[...]


def _tc3(a, cnt_a, cnt_b, xt_lo, xt_hi, s_lo, s_hi, nt_W, nt_b, out_W, out_b):
    return pl.pallas_call(
        _tc3_body,
        grid=(GRID,),
        in_specs=[_SPEC_SCALAR, _SPEC_CNT, _SPEC_CNT,
                  _SPEC_HALF, _SPEC_HALF, _SPEC_HALF, _SPEC_HALF,
                  _SPEC_W, _SPEC_B, _SPEC_W, _SPEC_B],
        out_specs=pl.BlockSpec((BN, D), lambda i: (i, 0)),
        out_shape=jax.ShapeDtypeStruct((N, D), jnp.float32),
    )(a, cnt_a, cnt_b, xt_lo, xt_hi, s_lo, s_hi, nt_W, nt_b, out_W, out_b)



def kernel(x, edge_index, in_W, in_b, l0_W, l0_b, nt0_W, nt0_b, a0,
           l1_W, l1_b, nt1_W, nt1_b, a1, fe0_W, fe0_b, out_W, out_b):
    row = edge_index[0]
    col = edge_index[1]
    pad = E_PAD - E
    row_p = jnp.concatenate([row, jnp.zeros((pad,), jnp.int32)])
    col_p = jnp.concatenate([col, jnp.full((pad,), N, jnp.int32)])
    col_2d = col_p.reshape(E_PAD // CHUNK, CHUNK)

    def b2(v):
        return v.reshape(1, D)

    a0r = jnp.reshape(a0, (1, 1))
    a1r = jnp.reshape(a1, (1, 1))

    xt_lo, xt_hi = _tc1(x, in_W, b2(in_b), l0_W, b2(l0_b))
    cnt_a, cnt_b = _cnt(col_2d)
    s0_lo, s0_hi = _segsum(xt_lo, xt_hi, row_p, col_2d)
    xt1_lo, xt1_hi = _tc2(a0r, cnt_a, cnt_b, xt_lo, xt_hi, s0_lo, s0_hi,
                          nt0_W, b2(nt0_b), fe0_W, b2(fe0_b), l1_W, b2(l1_b))
    s1_lo, s1_hi = _segsum(xt1_lo, xt1_hi, row_p, col_2d)
    return _tc3(a1r, cnt_a, cnt_b, xt1_lo, xt1_hi, s1_lo, s1_hi,
                nt1_W, b2(nt1_b), out_W, b2(out_b))

# --- scband reference (transcript-rebuilt; emitter-appended) ---
"""Pipeline reference for scband-repulsion-branch-37082747634277 (READ-ONLY COPY).

The authoritative reference and input builder live on the scoring server;
editing this copy changes nothing except your own understanding.
"""

import jax, jax.numpy as jnp
import numpy as np

N = 10000
E = 160000
D = 256

def _lin_params(k, i, o):
    k1, k2 = jax.random.split(k)
    W = jax.random.normal(k1, (o, i), dtype=jnp.float32) * 0.02
    b = jax.random.normal(k2, (o,), dtype=jnp.float32) * 0.02
    return W, b

def setup_inputs(seed: int = 0) -> dict:
    key = jax.random.key(seed)
    ks = jax.random.split(key, 10)
    x = jax.random.normal(ks[0], (N, D), dtype=jnp.float32)
    edge_index = jax.random.randint(ks[1], (2, E), 0, N, dtype=jnp.int32)
    in_W, in_b = _lin_params(ks[2], D, D)
    l0_W, l0_b = _lin_params(ks[3], D, D)
    nt0_W, nt0_b = _lin_params(ks[4], D, D)
    a0 = jnp.float32(0.3)
    l1_W, l1_b = _lin_params(ks[5], D, D)
    nt1_W, nt1_b = _lin_params(ks[6], D, D)
    a1 = jnp.float32(0.5)
    fe0_W, fe0_b = _lin_params(ks[7], D, D)
    out_W, out_b = _lin_params(ks[8], D, D)
    return {"x": x, "edge_index": edge_index, "in_W": in_W, "in_b": in_b,
            "l0_W": l0_W, "l0_b": l0_b, "nt0_W": nt0_W, "nt0_b": nt0_b, "a0": a0,
            "l1_W": l1_W, "l1_b": l1_b, "nt1_W": nt1_W, "nt1_b": nt1_b, "a1": a1,
            "fe0_W": fe0_W, "fe0_b": fe0_b, "out_W": out_W, "out_b": out_b}

def reference(x, edge_index, in_W, in_b, l0_W, l0_b, nt0_W, nt0_b, a0,
              l1_W, l1_b, nt1_W, nt1_b, a1, fe0_W, fe0_b, out_W, out_b):
    row = edge_index[0]
    col = edge_index[1]

    def anti_gcn(h, lW, lb, ntW, ntb, a):
        xt = h @ lW.T + lb
        msgs = xt[row] @ ntW.T + ntb
        s = jax.ops.segment_sum(msgs, col, num_segments=N)
        cnt = jax.ops.segment_sum(jnp.ones((col.shape[0],), dtype=jnp.float32), col, num_segments=N)
        mean = s / jnp.clip(cnt, 1.0, None)[:, None]
        return xt - jax.nn.sigmoid(a) * mean

    h = jax.nn.relu(x @ in_W.T + in_b)
    # dropout is identity in eval mode
    h = anti_gcn(h, l0_W, l0_b, nt0_W, nt0_b, a0)
    h = jax.nn.relu(h)
    h = jax.nn.relu(h @ fe0_W.T + fe0_b)  # feature enhancer 0 (dropout = identity)
    h = anti_gcn(h, l1_W, l1_b, nt1_W, nt1_b, a1)
    h = jax.nn.relu(h)
    return h @ out_W.T + out_b

if __name__ == "__main__":
    import jax
    _d = setup_inputs()
    print(jax.jit(kernel)(*tuple(_d.values())))

</pallas_src>

<mosaic_0001>
#map = affine_map<(d0, d1) -> (0, 0)>
module attributes {stable_mosaic.version = 14 : i64} {
  func.func @_cnt(%arg0: i32, %arg1: i32, %arg2: memref<1280x128xi32, #tpu.memory_space<hbm>>, %arg3: memref<10000x128xf32, #tpu.memory_space<hbm>>, %arg4: memref<10000x128xf32, #tpu.memory_space<hbm>>, %arg5: memref<10112x128xf32, #tpu.memory_space<vmem_shared>>, %arg6: memref<40x128xi32, #tpu.memory_space<vmem>>, %arg7: memref<128x128xf32, #tpu.memory_space<vmem>>, %arg8: memref<128x128xf32, #tpu.memory_space<vmem>>) attributes {dimension_semantics = [#tpu.dimension_semantics<core_parallel>, #tpu.dimension_semantics<subcore_parallel>], iteration_bounds = array<i64: 2, 16>, scalar_prefetch = 0 : i64, scratch_operands = 4 : i64, tpu.core_type = #tpu.core_type<sc_vector_subcore>, window_params = [{transform_indices = #map}, {transform_indices = #map}, {transform_indices = #map}]} {
    %mul3A = arith.constant 2 : i32
    %mul3A_0 = arith.muli %arg1, %mul3A : i32
    %add3A = arith.addi %mul3A_0, %arg0 : i32
    %mul3A_1 = arith.constant 40 : i32
    %mul3A_2 = arith.muli %add3A, %mul3A_1 : i32
    %multiple_of3A = tpu.assume_multiple %mul3A_2, 8 : i32
    "tpu.region"() ({
      %run_scoped3A = tpu.sem_alloc : memref<!tpu.dma_semaphore, #tpu.memory_space<semaphore_mem>>
      %dma_start3A = arith.constant 0 : i32
      %dma_start3A_56 = tpu.memref_slice %arg2[%multiple_of3A, %dma_start3A] : memref<1280x128xi32, #tpu.memory_space<hbm>> -> memref<40x128xi32, #tpu.memory_space<hbm>>
      %dma_start3A_57 = arith.constant 0 : i32
      %dma_start3A_58 = tpu.memref_slice %arg2[%multiple_of3A, %dma_start3A_57] : memref<1280x128xi32, #tpu.memory_space<hbm>> -> memref<40x128xi32, #tpu.memory_space<hbm>>
      tpu.enqueue_dma source(%dma_start3A_58 : memref<40x128xi32, #tpu.memory_space<hbm>>) target(%arg6 : memref<40x128xi32, #tpu.memory_space<vmem>>) target_semaphore(%run_scoped3A : memref<!tpu.dma_semaphore, #tpu.memory_space<semaphore_mem>>)
      %dma_wait3A = arith.constant 0 : i32
      %dma_wait3A_59 = tpu.memref_slice %arg2[%multiple_of3A, %dma_wait3A] : memref<1280x128xi32, #tpu.memory_space<hbm>> -> memref<40x128xi32, #tpu.memory_space<hbm>>
      %dma_wait3A_60 = arith.constant 0 : i32
      %dma_wait3A_61 = tpu.memref_slice %arg2[%multiple_of3A, %dma_wait3A_60] : memref<1280x128xi32, #tpu.memory_space<hbm>> -> memref<40x128xi32, #tpu.memory_space<hbm>>
      tpu.wait_dma2 semaphore(%run_scoped3A : memref<!tpu.dma_semaphore, #tpu.memory_space<semaphore_mem>>) src(%dma_wait3A_61 : memref<40x128xi32, #tpu.memory_space<hbm>>) dst(%arg6 : memref<40x128xi32, #tpu.memory_space<vmem>>)
      tpu.yield
    }) : () -> ()
    %scan3A = arith.constant 0 : i32
    %scan3A_3 = arith.constant 0 : i32
    %scan3A_4 = arith.constant 128 : i32
    %scan3A_5 = arith.addi %scan3A_3, %scan3A_4 : i32
    %scan3A_6 = arith.constant 1 : i32
    scf.for %scan3A_56 = %scan3A_3 to %scan3A_5 step %scan3A_6  : i32 {
      %broadcast_in_dim3A = arith.constant 1.000000e+00 : f32
      %broadcast_in_dim3A_57 = vector.broadcast %broadcast_in_dim3A : f32 to vector<16xf32>
      %swap3A = arith.index_cast %scan3A_56 : i32 to index
      %swap3A_58 = arith.constant 0 : index
      %swap3A_59 = tpu.vector_load %arg7[%swap3A, %swap3A_58] {strides = array<i32>} : memref<128x128xf32, #tpu.memory_space<vmem>>, vector<1x16xf32>,
      %swap3A_60 = vector.shape_cast %swap3A_59 : vector<1x16xf32> to vector<16xf32>
      %swap3A_61 = vector.shape_cast %broadcast_in_dim3A_57 : vector<16xf32> to vector<1x16xf32>
      tpu.vector_store %arg7[%swap3A, %swap3A_58], %swap3A_61 {strides = array<i32>} : memref<128x128xf32, #tpu.memory_space<vmem>>, vector<1x16xf32>,
      %broadcast_in_dim3A_62 = arith.constant 0.000000e+00 : f32
      %broadcast_in_dim3A_63 = vector.broadcast %broadcast_in_dim3A_62 : f32 to vector<16xf32>
      %swap3A_64 = arith.index_cast %scan3A_56 : i32 to index
      %swap3A_65 = arith.constant 0 : index
      %swap3A_66 = tpu.vector_load %arg8[%swap3A_64, %swap3A_65] {strides = array<i32>} : memref<128x128xf32, #tpu.memory_space<vmem>>, vector<1x16xf32>,
      %swap3A_67 = vector.shape_cast %swap3A_66 : vector<1x16xf32> to vector<16xf32>
      %swap3A_68 = vector.shape_cast %broadcast_in_dim3A_63 : vector<16xf32> to vector<1x16xf32>
      tpu.vector_store %arg8[%swap3A_64, %swap3A_65], %swap3A_68 {strides = array<i32>} : memref<128x128xf32, #tpu.memory_space<vmem>>, vector<1x16xf32>,
      %broadcast_in_dim3A_69 = arith.constant 1.000000e+00 : f32
      %broadcast_in_dim3A_70 = vector.broadcast %broadcast_in_dim3A_69 : f32 to vector<16xf32>
      %swap3A_71 = arith.index_cast %scan3A_56 : i32 to index
      %swap3A_72 = arith.constant 16 : index
      %swap3A_73 = tpu.vector_load %arg7[%swap3A_71, %swap3A_72] {strides = array<i32>} : memref<128x128xf32, #tpu.memory_space<vmem>>, vector<1x16xf32>,
      %swap3A_74 = vector.shape_cast %swap3A_73 : vector<1x16xf32> to vector<16xf32>
      %swap3A_75 = vector.shape_cast %broadcast_in_dim3A_70 : vector<16xf32> to vector<1x16xf32>
      tpu.vector_store %arg7[%swap3A_71, %swap3A_72], %swap3A_75 {strides = array<i32>} : memref<128x128xf32, #tpu.memory_space<vmem>>, vector<1x16xf32>,
      %broadcast_in_dim3A_76 = arith.constant 0.000000e+00 : f32
      %broadcast_in_dim3A_77 = vector.broadcast %broadcast_in_dim3A_76 : f32 to vector<16xf32>
      %swap3A_78 = arith.index_cast %scan3A_56 : i32 to index
      %swap3A_79 = arith.constant 16 : index
      %swap3A_80 = tpu.vector_load %arg8[%swap3A_78, %swap3A_79] {strides = array<i32>} : memref<128x128xf32, #tpu.memory_space<vmem>>, vector<1x16xf32>,
      %swap3A_81 = vector.shape_cast %swap3A_80 : vector<1x16xf32> to vector<16xf32>
      %swap3A_82 = vector.shape_cast %broadcast_in_dim3A_77 : vector<16xf32> to vector<1x16xf32>
      tpu.vector_store %arg8[%swap3A_78, %swap3A_79], %swap3A_82 {strides = array<i32>} : memref<128x128xf32, #tpu.memory_space<vmem>>, vector<1x16xf32>,
      %broadcast_in_dim3A_83 = arith.constant 1.000000e+00 : f32
      %broadcast_in_dim3A_84 = vector.broadcast %broadcast_in_dim3A_83 : f32 to vector<16xf32>
      %swap3A_85 = arith.index_cast %scan3A_56 : i32 to index
      %swap3A_86 = arith.constant 32 : index
      %swap3A_87 = tpu.vector_load %arg7[%swap3A_85, %swap3A_86] {strides = array<i32>} : memref<128x128xf32, #tpu.memory_space<vmem>>, vector<1x16xf32>,
      %swap3A_88 = vector.shape_cast %swap3A_87 : vector<1x16xf32> to vector<16xf32>
      %swap3A_89 = vector.shape_cast %broadcast_in_dim3A_84 : vector<16xf32> to vector<1x16xf32>
      tpu.vector_store %arg7[%swap3A_85, %swap3A_86], %swap3A_89 {strides = array<i32>} : memref<128x128xf32, #tpu.memory_space<vmem>>, vector<1x16xf32>,
      %broadcast_in_dim3A_90 = arith.constant 0.000000e+00 : f32
      %broadcast_in_dim3A_91 = vector.broadcast %broadcast_in_dim3A_90 : f32 to vector<16xf32>
      %swap3A_92 = arith.index_cast %scan3A_56 : i32 to index
      %swap3A_93 = arith.constant 32 : index
      %swap3A_94 = tpu.vector_load %arg8[%swap3A_92, %swap3A_93] {strides = array<i32>} : memref<128x128xf32, #tpu.memory_space<vmem>>, vector<1x16xf32>,
      %swap3A_95 = vector.shape_cast %swap3A_94 : vector<1x16xf32> to vector<16xf32>
      %swap3A_96 = vector.shape_cast %broadcast_in_dim3A_91 : vector<16xf32> to vector<1x16xf32>
      tpu.vector_store %arg8[%swap3A_92, %swap3A_93], %swap3A_96 {strides = array<i32>} : memref<128x128xf32, #tpu.memory_space<vmem>>, vector<1x16xf32>,
      %broadcast_in_dim3A_97 = arith.constant 1.000000e+00 : f32
      %broadcast_in_dim3A_98 = vector.broadcast %broadcast_in_dim3A_97 : f32 to vector<16xf32>
      %swap3A_99 = arith.index_cast %scan3A_56 : i32 to index
      %swap3A_100 = arith.constant 48 : index
      %swap3A_101 = tpu.vector_load %arg7[%swap3A_99, %swap3A_100] {strides = array<i32>} : memref<128x128xf32, #tpu.memory_space<vmem>>, vector<1x16xf32>,
      %swap3A_102 = vector.shape_cast %swap3A_101 : vector<1x16xf32> to vector<16xf32>
      %swap3A_103 = vector.shape_cast %broadcast_in_dim3A_98 : vector<16xf32> to vector<1x16xf32>
      tpu.vector_store %arg7[%swap3A_99, %swap3A_100], %swap3A_103 {strides = array<i32>} : memref<128x128xf32, #tpu.memory_space<vmem>>, vector<1x16xf32>,
      %broadcast_in_dim3A_104 = arith.constant 0.000000e+00 : f32
      %broadcast_in_dim3A_105 = vector.broadcast %broadcast_in_dim3A_104 : f32 to vector<16xf32>
      %swap3A_106 = arith.index_cast %scan3A_56 : i32 to index
      %swap3A_107 = arith.constant 48 : index
      %swap3A_108 = tpu.vector_load %arg8[%swap3A_106, %swap3A_107] {strides = array<i32>} : memref<128x128xf32, #tpu.memory_space<vmem>>, vector<1x16xf32>,
      %swap3A_109 = vector.shape_cast %swap3A_108 : vector<1x16xf32> to vector<16xf32>
      %swap3A_110 = vector.shape_cast %broadcast_in_dim3A_105 : vector<16xf32> to vector<1x16xf32>
      tpu.vector_store %arg8[%swap3A_106, %swap3A_107], %swap3A_110 {strides = array<i32>} : memref<128x128xf32, #tpu.memory_space<vmem>>, vector<1x16xf32>,
      %broadcast_in_dim3A_111 = arith.constant 1.000000e+00 : f32
      %broadcast_in_dim3A_112 = vector.broadcast %broadcast_in_dim3A_111 : f32 to vector<16xf32>
      %swap3A_113 = arith.index_cast %scan3A_56 : i32 to index
      %swap3A_114 = arith.constant 64 : index
      %swap3A_115 = tpu.vector_load %arg7[%swap3A_113, %swap3A_114] {strides = array<i32>} : memref<128x128xf32, #tpu.memory_space<vmem>>, vector<1x16xf32>,
      %swap3A_116 = vector.shape_cast %swap3A_115 : vector<1x16xf32> to vector<16xf32>
      %swap3A_117 = vector.shape_cast %broadcast_in_dim3A_112 : vector<16xf32> to vector<1x16xf32>
      tpu.vector_store %arg7[%swap3A_113, %swap3A_114], %swap3A_117 {strides = array<i32>} : memref<128x128xf32, #tpu.memory_space<vmem>>, vector<1x16xf32>,
      %broadcast_in_dim3A_118 = arith.constant 0.000000e+00 : f32
      %broadcast_in_dim3A_119 = vector.broadcast %broadcast_in_dim3A_118 : f32 to vector<16xf32>
      %swap3A_120 = arith.index_cast %scan3A_56 : i32 to index
      %swap3A_121 = arith.constant 64 : index
      %swap3A_122 = tpu.vector_load %arg8[%swap3A_120, %swap3A_121] {strides = array<i32>} : memref<128x128xf32, #tpu.memory_space<vmem>>, vector<1x16xf32>,
      %swap3A_123 = vector.shape_cast %swap3A_122 : vector<1x16xf32> to vector<16xf32>
      %swap3A_124 = vector.shape_cast %broadcast_in_dim3A_119 : vector<16xf32> to vector<1x16xf32>
      tpu.vector_store %arg8[%swap3A_120, %swap3A_121], %swap3A_124 {strides = array<i32>} : memref<128x128xf32, #tpu.memory_space<vmem>>, vector<1x16xf32>,
      %broadcast_in_dim3A_125 = arith.constant 1.000000e+00 : f32
      %broadcast_in_dim3A_126 = vector.broadcast %broadcast_in_dim3A_125 : f32 to vector<16xf32>
      %swap3A_127 = arith.index_cast %scan3A_56 : i32 to index
      %swap3A_128 = arith.constant 80 : index
      %swap3A_129 = tpu.vector_load %arg7[%swap3A_127, %swap3A_128] {strides = array<i32>} : memref<128x128xf32, #tpu.memory_space<vmem>>, vector<1x16xf32>,
      %swap3A_130 = vector.shape_cast %swap3A_129 : vector<1x16xf32> to vector<16xf32>
      %swap3A_131 = vector.shape_cast %broadcast_in_dim3A_126 : vector<16xf32> to vector<1x16xf32>
      tpu.vector_store %arg7[%swap3A_127, %swap3A_128], %swap3A_131 {strides = array<i32>} : memref<128x128xf32, #tpu.memory_space<vmem>>, vector<1x16xf32>,
      %broadcast_in_dim3A_132 = arith.constant 0.000000e+00 : f32
      %broadcast_in_dim3A_133 = vector.broadcast %broadcast_in_dim3A_132 : f32 to vector<16xf32>
      %swap3A_134 = arith.index_cast %scan3A_56 : i32 to index
      %swap3A_135 = arith.constant 80 : index
      %swap3A_136 = tpu.vector_load %arg8[%swap3A_134, %swap3A_135] {strides = array<i32>} : memref<128x128xf32, #tpu.memory_space<vmem>>, vector<1x16xf32>,
      %swap3A_137 = vector.shape_cast %swap3A_136 : vector<1x16xf32> to vector<16xf32>
      %swap3A_138 = vector.shape_cast %broadcast_in_dim3A_133 : vector<16xf32> to vector<1x16xf32>
      tpu.vector_store %arg8[%swap3A_134, %swap3A_135], %swap3A_138 {strides = array<i32>} : memref<128x128xf32, #tpu.memory_space<vmem>>, vector<1x16xf32>,
      %broadcast_in_dim3A_139 = arith.constant 1.000000e+00 : f32
      %broadcast_in_dim3A_140 = vector.broadcast %broadcast_in_dim3A_139 : f32 to vector<16xf32>
      %swap3A_141 = arith.index_cast %scan3A_56 : i32 to index
      %swap3A_142 = arith.constant 96 : index
      %swap3A_143 = tpu.vector_load %arg7[%swap3A_141, %swap3A_142] {strides = array<i32>} : memref<128x128xf32, #tpu.memory_space<vmem>>, vector<1x16xf32>,
      %swap3A_144 = vector.shape_cast %swap3A_143 : vector<1x16xf32> to vector<16xf32>
      %swap3A_145 = vector.shape_cast %broadcast_in_dim3A_140 : vector<16xf32> to vector<1x16xf32>
      tpu.vector_store %arg7[%swap3A_141, %swap3A_142], %swap3A_145 {strides = array<i32>} : memref<128x128xf32, #tpu.memory_space<vmem>>, vector<1x16xf32>,
      %broadcast_in_dim3A_146 = arith.constant 0.000000e+00 : f32
      %broadcast_in_dim3A_147 = vector.broadcast %broadcast_in_dim3A_146 : f32 to vector<16xf32>
      %swap3A_148 = arith.index_cast %scan3A_56 : i32 to index
      %swap3A_149 = arith.constant 96 : index
      %swap3A_150 = tpu.vector_load %arg8[%swap3A_148, %swap3A_149] {strides = array<i32>} : memref<128x128xf32, #tpu.memory_space<vmem>>, vector<1x16xf32>,
      %swap3A_151 = vector.shape_cast %swap3A_150 : vector<1x16xf32> to vector<16xf32>
      %swap3A_152 = vector.shape_cast %broadcast_in_dim3A_147 : vector<16xf32> to vector<1x16xf32>
      tpu.vector_store %arg8[%swap3A_148, %swap3A_149], %swap3A_152 {strides = array<i32>} : memref<128x128xf32, #tpu.memory_space<vmem>>, vector<1x16xf32>,
      %broadcast_in_dim3A_153 = arith.constant 1.000000e+00 : f32
      %broadcast_in_dim3A_154 = vector.broadcast %broadcast_in_dim3A_153 : f32 to vector<16xf32>
      %swap3A_155 = arith.index_cast %scan3A_56 : i32 to index
      %swap3A_156 = arith.constant 112 : index
      %swap3A_157 = tpu.vector_load %arg7[%swap3A_155, %swap3A_156] {strides = array<i32>} : memref<128x128xf32, #tpu.memory_space<vmem>>, vector<1x16xf32>,
      %swap3A_158 = vector.shape_cast %swap3A_157 : vector<1x16xf32> to vector<16xf32>
      %swap3A_159 = vector.shape_cast %broadcast_in_dim3A_154 : vector<16xf32> to vector<1x16xf32>
      tpu.vector_store %arg7[%swap3A_155, %swap3A_156], %swap3A_159 {strides = array<i32>} : memref<128x128xf32, #tpu.memory_space<vmem>>, vector<1x16xf32>,
      %broadcast_in_dim3A_160 = arith.constant 0.000000e+00 : f32
      %broadcast_in_dim3A_161 = vector.broadcast %broadcast_in_dim3A_160 : f32 to vector<16xf32>
      %swap3A_162 = arith.index_cast %scan3A_56 : i32 to index
      %swap3A_163 = arith.constant 112 : index
      %swap3A_164 = tpu.vector_load %arg8[%swap3A_162, %swap3A_163] {strides = array<i32>} : memref<128x128xf32, #tpu.memory_space<vmem>>, vector<1x16xf32>,
      %swap3A_165 = vector.shape_cast %swap3A_164 : vector<1x16xf32> to vector<16xf32>
      %swap3A_166 = vector.shape_cast %broadcast_in_dim3A_161 : vector<16xf32> to vector<1x16xf32>
      tpu.vector_store %arg8[%swap3A_162, %swap3A_163], %swap3A_166 {strides = array<i32>} : memref<128x128xf32, #tpu.memory_space<vmem>>, vector<1x16xf32>,
    }
    %scan3A_7 = arith.constant 128 : i32
    %mul3A_8 = arith.constant 632 : i32
    %mul3A_9 = arith.muli %arg1, %mul3A_8 : i32
    %add3A_10 = arith.constant 0 : i32
    %add3A_11 = arith.addi %mul3A_9, %add3A_10 : i32
    "tpu.region"() ({
      %run_scoped3A = tpu.sem_alloc : memref<!tpu.dma_semaphore, #tpu.memory_space<semaphore_mem>>
      %dma_start3A = arith.constant 0 : i32
      %dma_start3A_56 = arith.constant 0 : i32
      %dma_start3A_57 = tpu.memref_slice %arg8[%dma_start3A, %dma_start3A_56] : memref<128x128xf32, #tpu.memory_space<vmem>> -> memref<128x128xf32, #tpu.memory_space<vmem>>
      %dma_start3A_58 = arith.constant 0 : i32
      %dma_start3A_59 = tpu.memref_slice %arg5[%add3A_11, %dma_start3A_58] : memref<10112x128xf32, #tpu.memory_space<vmem_shared>> -> memref<128x128xf32, #tpu.memory_space<vmem_shared>>
      %dma_start3A_60 = arith.constant 0 : i32
      %dma_start3A_61 = tpu.memref_slice %arg5[%add3A_11, %dma_start3A_60] : memref<10112x128xf32, #tpu.memory_space<vmem_shared>> -> memref<128x128xf32, #tpu.memory_space<vmem_shared>>
      %dma_start3A_62 = arith.constant 0 : i32
      %dma_start3A_63 = arith.constant 0 : i32
      %dma_start3A_64 = tpu.memref_slice %arg8[%dma_start3A_62, %dma_start3A_63] : memref<128x128xf32, #tpu.memory_space<vmem>> -> memref<128x128xf32, #tpu.memory_space<vmem>>
      tpu.enqueue_dma source(%dma_start3A_64 : memref<128x128xf32, #tpu.memory_space<vmem>>) target(%dma_start3A_61 : memref<128x128xf32, #tpu.memory_space<vmem_shared>>) target_semaphore(%run_scoped3A : memref<!tpu.dma_semaphore, #tpu.memory_space<semaphore_mem>>)
      %dma_wait3A = arith.constant 0 : i32
      %dma_wait3A_65 = arith.constant 0 : i32
      %dma_wait3A_66 = tpu.memref_slice %arg8[%dma_wait3A, %dma_wait3A_65] : memref<128x128xf32, #tpu.memory_space<vmem>> -> memref<128x128xf32, #tpu.memory_space<vmem>>
      %dma_wait3A_67 = arith.constant 0 : i32
      %dma_wait3A_68 = tpu.memref_slice %arg5[%add3A_11, %dma_wait3A_67] : memref<10112x128xf32, #tpu.memory_space<vmem_shared>> -> memref<128x128xf32, #tpu.memory_space<vmem_shared>>
      %dma_wait3A_69 = arith.constant 0 : i32
      %dma_wait3A_70 = tpu.memref_slice %arg5[%add3A_11, %dma_wait3A_69] : memref<10112x128xf32, #tpu.memory_space<vmem_shared>> -> memref<128x128xf32, #tpu.memory_space<vmem_shared>>
      %dma_wait3A_71 = arith.constant 0 : i32
      %dma_wait3A_72 = arith.constant 0 : i32
      %dma_wait3A_73 = tpu.memref_slice %arg8[%dma_wait3A_71, %dma_wait3A_72] : memref<128x128xf32, #tpu.memory_space<vmem>> -> memref<128x128xf32, #tpu.memory_space<vmem>>
      tpu.wait_dma2 semaphore(%run_scoped3A : memref<!tpu.dma_semaphore, #tpu.memory_space<semaphore_mem>>) src(%dma_wait3A_73 : memref<128x128xf32, #tpu.memory_space<vmem>>) dst(%dma_wait3A_70 : memref<128x128xf32, #tpu.memory_space<vmem_shared>>)
      tpu.yield
    }) : () -> ()
    %add3A_12 = arith.constant 128 : i32
    %add3A_13 = arith.addi %mul3A_9, %add3A_12 : i32
    "tpu.region"() ({
      %run_scoped3A = tpu.sem_alloc : memref<!tpu.dma_semaphore, #tpu.memory_space<semaphore_mem>>
      %dma_start3A = arith.constant 0 : i32
      %dma_start3A_56 = arith.constant 0 : i32
      %dma_start3A_57 = tpu.memref_slice %arg8[%dma_start3A, %dma_start3A_56] : memref<128x128xf32, #tpu.memory_space<vmem>> -> memref<128x128xf32, #tpu.memory_space<vmem>>
      %dma_start3A_58 = arith.constant 0 : i32
      %dma_start3A_59 = tpu.memref_slice %arg5[%add3A_13, %dma_start3A_58] : memref<10112x128xf32, #tpu.memory_space<vmem_shared>> -> memref<128x128xf32, #tpu.memory_space<vmem_shared>>
      %dma_start3A_60 = arith.constant 0 : i32
      %dma_start3A_61 = tpu.memref_slice %arg5[%add3A_13, %dma_start3A_60] : memref<10112x128xf32, #tpu.memory_space<vmem_shared>> -> memref<128x128xf32, #tpu.memory_space<vmem_shared>>
      %dma_start3A_62 = arith.constant 0 : i32
      %dma_start3A_63 = arith.constant 0 : i32
      %dma_start3A_64 = tpu.memref_slice %arg8[%dma_start3A_62, %dma_start3A_63] : memref<128x128xf32, #tpu.memory_space<vmem>> -> memref<128x128xf32, #tpu.memory_space<vmem>>
      tpu.enqueue_dma source(%dma_start3A_64 : memref<128x128xf32, #tpu.memory_space<vmem>>) target(%dma_start3A_61 : memref<128x128xf32, #tpu.memory_space<vmem_shared>>) target_semaphore(%run_scoped3A : memref<!tpu.dma_semaphore, #tpu.memory_space<semaphore_mem>>)
      %dma_wait3A = arith.constant 0 : i32
      %dma_wait3A_65 = arith.constant 0 : i32
      %dma_wait3A_66 = tpu.memref_slice %arg8[%dma_wait3A, %dma_wait3A_65] : memref<128x128xf32, #tpu.memory_space<vmem>> -> memref<128x128xf32, #tpu.memory_space<vmem>>
      %dma_wait3A_67 = arith.constant 0 : i32
      %dma_wait3A_68 = tpu.memref_slice %arg5[%add3A_13, %dma_wait3A_67] : memref<10112x128xf32, #tpu.memory_space<vmem_shared>> -> memref<128x128xf32, #tpu.memory_space<vmem_shared>>
      %dma_wait3A_69 = arith.constant 0 : i32
      %dma_wait3A_70 = tpu.memref_slice %arg5[%add3A_13, %dma_wait3A_69] : memref<10112x128xf32, #tpu.memory_space<vmem_shared>> -> memref<128x128xf32, #tpu.memory_space<vmem_shared>>
      %dma_wait3A_71 = arith.constant 0 : i32
      %dma_wait3A_72 = arith.constant 0 : i32
      %dma_wait3A_73 = tpu.memref_slice %arg8[%dma_wait3A_71, %dma_wait3A_72] : memref<128x128xf32, #tpu.memory_space<vmem>> -> memref<128x128xf32, #tpu.memory_space<vmem>>
      tpu.wait_dma2 semaphore(%run_scoped3A : memref<!tpu.dma_semaphore, #tpu.memory_space<semaphore_mem>>) src(%dma_wait3A_73 : memref<128x128xf32, #tpu.memory_space<vmem>>) dst(%dma_wait3A_70 : memref<128x128xf32, #tpu.memory_space<vmem_shared>>)
      tpu.yield
    }) : () -> ()
    %add3A_14 = arith.constant 256 : i32
    %add3A_15 = arith.addi %mul3A_9, %add3A_14 : i32
    "tpu.region"() ({
      %run_scoped3A = tpu.sem_alloc : memref<!tpu.dma_semaphore, #tpu.memory_space<semaphore_mem>>
      %dma_start3A = arith.constant 0 : i32
      %dma_start3A_56 = arith.constant 0 : i32
      %dma_start3A_57 = tpu.memref_slice %arg8[%dma_start3A, %dma_start3A_56] : memref<128x128xf32, #tpu.memory_space<vmem>> -> memref<128x128xf32, #tpu.memory_space<vmem>>
      %dma_start3A_58 = arith.constant 0 : i32
      %dma_start3A_59 = tpu.memref_slice %arg5[%add3A_15, %dma_start3A_58] : memref<10112x128xf32, #tpu.memory_space<vmem_shared>> -> memref<128x128xf32, #tpu.memory_space<vmem_shared>>
      %dma_start3A_60 = arith.constant 0 : i32
      %dma_start3A_61 = tpu.memref_slice %arg5[%add3A_15, %dma_start3A_60] : memref<10112x128xf32, #tpu.memory_space<vmem_shared>> -> memref<128x128xf32, #tpu.memory_space<vmem_shared>>
      %dma_start3A_62 = arith.constant 0 : i32
      %dma_start3A_63 = arith.constant 0 : i32
      %dma_start3A_64 = tpu.memref_slice %arg8[%dma_start3A_62, %dma_start3A_63] : memref<128x128xf32, #tpu.memory_space<vmem>> -> memref<128x128xf32, #tpu.memory_space<vmem>>
      tpu.enqueue_dma source(%dma_start3A_64 : memref<128x128xf32, #tpu.memory_space<vmem>>) target(%dma_start3A_61 : memref<128x128xf32, #tpu.memory_space<vmem_shared>>) target_semaphore(%run_scoped3A : memref<!tpu.dma_semaphore, #tpu.memory_space<semaphore_mem>>)
      %dma_wait3A = arith.constant 0 : i32
      %dma_wait3A_65 = arith.constant 0 : i32
      %dma_wait3A_66 = tpu.memref_slice %arg8[%dma_wait3A, %dma_wait3A_65] : memref<128x128xf32, #tpu.memory_space<vmem>> -> memref<128x128xf32, #tpu.memory_space<vmem>>
      %dma_wait3A_67 = arith.constant 0 : i32
      %dma_wait3A_68 = tpu.memref_slice %arg5[%add3A_15, %dma_wait3A_67] : memref<10112x128xf32, #tpu.memory_space<vmem_shared>> -> memref<128x128xf32, #tpu.memory_space<vmem_shared>>
      %dma_wait3A_69 = arith.constant 0 : i32
      %dma_wait3A_70 = tpu.memref_slice %arg5[%add3A_15, %dma_wait3A_69] : memref<10112x128xf32, #tpu.memory_space<vmem_shared>> -> memref<128x128xf32, #tpu.memory_space<vmem_shared>>
      %dma_wait3A_71 = arith.constant 0 : i32
      %dma_wait3A_72 = arith.constant 0 : i32
      %dma_wait3A_73 = tpu.memref_slice %arg8[%dma_wait3A_71, %dma_wait3A_72] : memref<128x128xf32, #tpu.memory_space<vmem>> -> memref<128x128xf32, #tpu.memory_space<vmem>>
      tpu.wait_dma2 semaphore(%run_scoped3A : memref<!tpu.dma_semaphore, #tpu.memory_space<semaphore_mem>>) src(%dma_wait3A_73 : memref<128x128xf32, #tpu.memory_space<vmem>>) dst(%dma_wait3A_70 : memref<128x128xf32, #tpu.memory_space<vmem_shared>>)
      tpu.yield
    }) : () -> ()
    %add3A_16 = arith.constant 384 : i32
    %add3A_17 = arith.addi %mul3A_9, %add3A_16 : i32
    "tpu.region"() ({
      %run_scoped3A = tpu.sem_alloc : memref<!tpu.dma_semaphore, #tpu.memory_space<semaphore_mem>>
      %dma_start3A = arith.constant 0 : i32
      %dma_start3A_56 = arith.constant 0 : i32
      %dma_start3A_57 = tpu.memref_slice %arg8[%dma_start3A, %dma_start3A_56] : memref<128x128xf32, #tpu.memory_space<vmem>> -> memref<128x128xf32, #tpu.memory_space<vmem>>
      %dma_start3A_58 = arith.constant 0 : i32
      %dma_start3A_59 = tpu.memref_slice %arg5[%add3A_17, %dma_start3A_58] : memref<10112x128xf32, #tpu.memory_space<vmem_shared>> -> memref<128x128xf32, #tpu.memory_space<vmem_shared>>
      %dma_start3A_60 = arith.constant 0 : i32
      %dma_start3A_61 = tpu.memref_slice %arg5[%add3A_17, %dma_start3A_60] : memref<10112x128xf32, #tpu.memory_space<vmem_shared>> -> memref<128x128xf32, #tpu.memory_space<vmem_shared>>
      %dma_start3A_62 = arith.constant 0 : i32
      %dma_start3A_63 = arith.constant 0 : i32
      %dma_start3A_64 = tpu.memref_slice %arg8[%dma_start3A_62, %dma_start3A_63] : memref<128x128xf32, #tpu.memory_space<vmem>> -> memref<128x128xf32, #tpu.memory_space<vmem>>
      tpu.enqueue_dma source(%dma_start3A_64 : memref<128x128xf32, #tpu.memory_space<vmem>>) target(%dma_start3A_61 : memref<128x128xf32, #tpu.memory_space<vmem_shared>>) target_semaphore(%run_scoped3A : memref<!tpu.dma_semaphore, #tpu.memory_space<semaphore_mem>>)
      %dma_wait3A = arith.constant 0 : i32
      %dma_wait3A_65 = arith.constant 0 : i32
      %dma_wait3A_66 = tpu.memref_slice %arg8[%dma_wait3A, %dma_wait3A_65] : memref<128x128xf32, #tpu.memory_space<vmem>> -> memref<128x128xf32, #tpu.memory_space<vmem>>
      %dma_wait3A_67 = arith.constant 0 : i32
      %dma_wait3A_68 = tpu.memref_slice %arg5[%add3A_17, %dma_wait3A_67] : memref<10112x128xf32, #tpu.memory_space<vmem_shared>> -> memref<128x128xf32, #tpu.memory_space<vmem_shared>>
      %dma_wait3A_69 = arith.constant 0 : i32
      %dma_wait3A_70 = tpu.memref_slice %arg5[%add3A_17, %dma_wait3A_69] : memref<10112x128xf32, #tpu.memory_space<vmem_shared>> -> memref<128x128xf32, #tpu.memory_space<vmem_shared>>
      %dma_wait3A_71 = arith.constant 0 : i32
      %dma_wait3A_72 = arith.constant 0 : i32
      %dma_wait3A_73 = tpu.memref_slice %arg8[%dma_wait3A_71, %dma_wait3A_72] : memref<128x128xf32, #tpu.memory_space<vmem>> -> memref<128x128xf32, #tpu.memory_space<vmem>>
      tpu.wait_dma2 semaphore(%run_scoped3A : memref<!tpu.dma_semaphore, #tpu.memory_space<semaphore_mem>>) src(%dma_wait3A_73 : memref<128x128xf32, #tpu.memory_space<vmem>>) dst(%dma_wait3A_70 : memref<128x128xf32, #tpu.memory_space<vmem_shared>>)
      tpu.yield
    }) : () -> ()
    %add3A_18 = arith.constant 512 : i32
    %add3A_19 = arith.addi %mul3A_9, %add3A_18 : i32
    "tpu.region"() ({
      %run_scoped3A = tpu.sem_alloc : memref<!tpu.dma_semaphore, #tpu.memory_space<semaphore_mem>>
      %dma_start3A = arith.constant 0 : i32
      %dma_start3A_56 = arith.constant 0 : i32
      %dma_start3A_57 = tpu.memref_slice %arg8[%dma_start3A, %dma_start3A_56] : memref<128x128xf32, #tpu.memory_space<vmem>> -> memref<120x128xf32, #tpu.memory_space<vmem>>
      %dma_start3A_58 = arith.constant 0 : i32
      %dma_start3A_59 = tpu.memref_slice %arg5[%add3A_19, %dma_start3A_58] : memref<10112x128xf32, #tpu.memory_space<vmem_shared>> -> memref<120x128xf32, #tpu.memory_space<vmem_shared>>
      %dma_start3A_60 = arith.constant 0 : i32
      %dma_start3A_61 = tpu.memref_slice %arg5[%add3A_19, %dma_start3A_60] : memref<10112x128xf32, #tpu.memory_space<vmem_shared>> -> memref<120x128xf32, #tpu.memory_space<vmem_shared>>
      %dma_start3A_62 = arith.constant 0 : i32
      %dma_start3A_63 = arith.constant 0 : i32
      %dma_start3A_64 = tpu.memref_slice %arg8[%dma_start3A_62, %dma_start3A_63] : memref<128x128xf32, #tpu.memory_space<vmem>> -> memref<120x128xf32, #tpu.memory_space<vmem>>
      tpu.enqueue_dma source(%dma_start3A_64 : memref<120x128xf32, #tpu.memory_space<vmem>>) target(%dma_start3A_61 : memref<120x128xf32, #tpu.memory_space<vmem_shared>>) target_semaphore(%run_scoped3A : memref<!tpu.dma_semaphore, #tpu.memory_space<semaphore_mem>>)
      %dma_wait3A = arith.constant 0 : i32
      %dma_wait3A_65 = arith.constant 0 : i32
      %dma_wait3A_66 = tpu.memref_slice %arg8[%dma_wait3A, %dma_wait3A_65] : memref<128x128xf32, #tpu.memory_space<vmem>> -> memref<120x128xf32, #tpu.memory_space<vmem>>
      %dma_wait3A_67 = arith.constant 0 : i32
      %dma_wait3A_68 = tpu.memref_slice %arg5[%add3A_19, %dma_wait3A_67] : memref<10112x128xf32, #tpu.memory_space<vmem_shared>> -> memref<120x128xf32, #tpu.memory_space<vmem_shared>>
      %dma_wait3A_69 = arith.constant 0 : i32
      %dma_wait3A_70 = tpu.memref_slice %arg5[%add3A_19, %dma_wait3A_69] : memref<10112x128xf32, #tpu.memory_space<vmem_shared>> -> memref<120x128xf32, #tpu.memory_space<vmem_shared>>
      %dma_wait3A_71 = arith.constant 0 : i32
      %dma_wait3A_72 = arith.constant 0 : i32
      %dma_wait3A_73 = tpu.memref_slice %arg8[%dma_wait3A_71, %dma_wait3A_72] : memref<128x128xf32, #tpu.memory_space<vmem>> -> memref<120x128xf32, #tpu.memory_space<vmem>>
      tpu.wait_dma2 semaphore(%run_scoped3A : memref<!tpu.dma_semaphore, #tpu.memory_space<semaphore_mem>>) src(%dma_wait3A_73 : memref<120x128xf32, #tpu.memory_space<vmem>>) dst(%dma_wait3A_70 : memref<120x128xf32, #tpu.memory_space<vmem_shared>>)
      tpu.yield
    }) : () -> ()
    %barrier3A = arith.constant 0 : index
    tpu.barrier barrier_id(%barrier3A)
    %scan3A_20 = arith.constant 0 : i32
    %scan3A_21 = arith.constant 0 : i32
    %scan3A_22 = arith.constant 40 : i32
    %scan3A_23 = arith.addi %scan3A_21, %scan3A_22 : i32
    %scan3A_24 = arith.constant 1 : i32
    scf.for %scan3A_56 = %scan3A_21 to %scan3A_23 step %scan3A_24  : i32 {
      "tpu.region"() ({
        %run_scoped3A = tpu.sem_alloc : memref<!tpu.dma_semaphore, #tpu.memory_space<semaphore_mem>>
        %dma_start3A = arith.constant 0 : i32
        %dma_start3A_57 = tpu.memref_slice %arg6[%scan3A_56, %dma_start3A] : memref<40x128xi32, #tpu.memory_space<vmem>> -> memref<1x128xi32, #tpu.memory_space<vmem>>
        %dma_start3A_58 = tpu.memref_squeeze %dma_start3A_57 : memref<1x128xi32, #tpu.memory_space<vmem>> -> memref<128xi32, #tpu.memory_space<vmem>>
        %dma_start3A_59 = arith.constant 0 : i32
        %dma_start3A_60 = arith.constant 0 : i32
        %dma_start3A_61 = tpu.memref_slice %arg5[%dma_start3A_59, %dma_start3A_60] : memref<10112x128xf32, #tpu.memory_space<vmem_shared>> -> memref<10112x128xf32, #tpu.memory_space<vmem_shared>>
        tpu.enqueue_indirect_dma source(%arg7 : memref<128x128xf32, #tpu.memory_space<vmem>>) target(%dma_start3A_61 : memref<10112x128xf32, #tpu.memory_space<vmem_shared>>) offsets(%dma_start3A_58 : memref<128xi32, #tpu.memory_space<vmem>>) semaphore(%run_scoped3A : memref<!tpu.dma_semaphore, #tpu.memory_space<semaphore_mem>>) {add = true}
        %dma_wait3A = arith.constant 0 : i32
        %dma_wait3A_62 = tpu.memref_slice %arg6[%scan3A_56, %dma_wait3A] : memref<40x128xi32, #tpu.memory_space<vmem>> -> memref<1x128xi32, #tpu.memory_space<vmem>>
        %dma_wait3A_63 = tpu.memref_squeeze %dma_wait3A_62 : memref<1x128xi32, #tpu.memory_space<vmem>> -> memref<128xi32, #tpu.memory_space<vmem>>
        %dma_wait3A_64 = arith.constant 0 : i32
        %dma_wait3A_65 = arith.constant 0 : i32
        %dma_wait3A_66 = tpu.memref_slice %arg5[%dma_wait3A_64, %dma_wait3A_65] : memref<10112x128xf32, #tpu.memory_space<vmem_shared>> -> memref<10112x128xf32, #tpu.memory_space<vmem_shared>>
        tpu.wait_indirect_dma semaphore(%run_scoped3A : memref<!tpu.dma_semaphore, #tpu.memory_space<semaphore_mem>>) src(%arg7 : memref<128x128xf32, #tpu.memory_space<vmem>>) dst(%dma_wait3A_66 : memref<10112x128xf32, #tpu.memory_space<vmem_shared>>)
        tpu.yield
      }) : () -> ()
    }
    %scan3A_25 = arith.constant 40 : i32
    %barrier3A_26 = arith.constant 0 : index
    tpu.barrier barrier_id(%barrier3A_26)
    %mul3A_27 = arith.constant 632 : i32
    %mul3A_28 = arith.muli %arg1, %mul3A_27 : i32
    %eq3A = arith.constant 0 : i32
    %eq3A_29 = arith.cmpi eq, %arg0, %eq3A : i32
    %lt3A = arith.constant 15 : i32
    %lt3A_30 = arith.cmpi slt, %arg1, %lt3A : i32
    %and3A = arith.andi %eq3A_29, %lt3A_30 : i1
    %convert_element_type3A = arith.extui %and3A : i1 to i32
    %cond3A = arith.constant 0 : i32
    %cond3A_31 = arith.cmpi ne, %convert_element_type3A, %cond3A : i32
    scf.if %cond3A_31 {
      "tpu.region"() ({
        %run_scoped3A = tpu.sem_alloc : memref<!tpu.dma_semaphore, #tpu.memory_space<semaphore_mem>>
        %dma_start3A = arith.constant 0 : i32
        %dma_start3A_56 = tpu.memref_slice %arg3[%mul3A_28, %dma_start3A] : memref<10000x128xf32, #tpu.memory_space<hbm>> -> memref<632x128xf32, #tpu.memory_space<hbm>>
        %dma_start3A_57 = arith.constant 0 : i32
        %dma_start3A_58 = tpu.memref_slice %arg5[%mul3A_28, %dma_start3A_57] : memref<10112x128xf32, #tpu.memory_space<vmem_shared>> -> memref<632x128xf32, #tpu.memory_space<vmem_shared>>
        tpu.enqueue_dma source(%dma_start3A_58 : memref<632x128xf32, #tpu.memory_space<vmem_shared>>) target(%dma_start3A_56 : memref<632x128xf32, #tpu.memory_space<hbm>>) target_semaphore(%run_scoped3A : memref<!tpu.dma_semaphore, #tpu.memory_space<semaphore_mem>>)
        %dma_wait3A = arith.constant 0 : i32
        %dma_wait3A_59 = tpu.memref_slice %arg3[%mul3A_28, %dma_wait3A] : memref<10000x128xf32, #tpu.memory_space<hbm>> -> memref<632x128xf32, #tpu.memory_space<hbm>>
        %dma_wait3A_60 = arith.constant 0 : i32
        %dma_wait3A_61 = tpu.memref_slice %arg5[%mul3A_28, %dma_wait3A_60] : memref<10112x128xf32, #tpu.memory_space<vmem_shared>> -> memref<632x128xf32, #tpu.memory_space<vmem_shared>>
        tpu.wait_dma2 semaphore(%run_scoped3A : memref<!tpu.dma_semaphore, #tpu.memory_space<semaphore_mem>>) src(%dma_wait3A_61 : memref<632x128xf32, #tpu.memory_space<vmem_shared>>) dst(%dma_wait3A_59 : memref<632x128xf32, #tpu.memory_space<hbm>>)
        tpu.yield
      }) : () -> ()
    } else {
    }
    %eq3A_32 = arith.constant 0 : i32
    %eq3A_33 = arith.cmpi eq, %arg0, %eq3A_32 : i32
    %eq3A_34 = arith.constant 15 : i32
    %eq3A_35 = arith.cmpi eq, %arg1, %eq3A_34 : i32
    %and3A_36 = arith.andi %eq3A_33, %eq3A_35 : i1
    %convert_element_type3A_37 = arith.extui %and3A_36 : i1 to i32
    %cond3A_38 = arith.constant 0 : i32
    %cond3A_39 = arith.cmpi ne, %convert_element_type3A_37, %cond3A_38 : i32
    scf.if %cond3A_39 {
      "tpu.region"() ({
        %run_scoped3A = tpu.sem_alloc : memref<!tpu.dma_semaphore, #tpu.memory_space<semaphore_mem>>
        %dma_start3A = arith.constant 9480 : i32
        %dma_start3A_56 = arith.constant 0 : i32
        %dma_start3A_57 = tpu.memref_slice %arg3[%dma_start3A, %dma_start3A_56] : memref<10000x128xf32, #tpu.memory_space<hbm>> -> memref<520x128xf32, #tpu.memory_space<hbm>>
        %dma_start3A_58 = arith.constant 9480 : i32
        %dma_start3A_59 = arith.constant 0 : i32
        %dma_start3A_60 = tpu.memref_slice %arg5[%dma_start3A_58, %dma_start3A_59] : memref<10112x128xf32, #tpu.memory_space<vmem_shared>> -> memref<520x128xf32, #tpu.memory_space<vmem_shared>>
        tpu.enqueue_dma source(%dma_start3A_60 : memref<520x128xf32, #tpu.memory_space<vmem_shared>>) target(%dma_start3A_57 : memref<520x128xf32, #tpu.memory_space<hbm>>) target_semaphore(%run_scoped3A : memref<!tpu.dma_semaphore, #tpu.memory_space<semaphore_mem>>)
        %dma_wait3A = arith.constant 9480 : i32
        %dma_wait3A_61 = arith.constant 0 : i32
        %dma_wait3A_62 = tpu.memref_slice %arg3[%dma_wait3A, %dma_wait3A_61] : memref<10000x128xf32, #tpu.memory_space<hbm>> -> memref<520x128xf32, #tpu.memory_space<hbm>>
        %dma_wait3A_63 = arith.constant 9480 : i32
        %dma_wait3A_64 = arith.constant 0 : i32
        %dma_wait3A_65 = tpu.memref_slice %arg5[%dma_wait3A_63, %dma_wait3A_64] : memref<10112x128xf32, #tpu.memory_space<vmem_shared>> -> memref<520x128xf32, #tpu.memory_space<vmem_shared>>
        tpu.wait_dma2 semaphore(%run_scoped3A : memref<!tpu.dma_semaphore, #tpu.memory_space<semaphore_mem>>) src(%dma_wait3A_65 : memref<520x128xf32, #tpu.memory_space<vmem_shared>>) dst(%dma_wait3A_62 : memref<520x128xf32, #tpu.memory_space<hbm>>)
        tpu.yield
      }) : () -> ()
    } else {
    }
    %eq3A_40 = arith.constant 1 : i32
    %eq3A_41 = arith.cmpi eq, %arg0, %eq3A_40 : i32
    %lt3A_42 = arith.constant 15 : i32
    %lt3A_43 = arith.cmpi slt, %arg1, %lt3A_42 : i32
    %and3A_44 = arith.andi %eq3A_41, %lt3A_43 : i1
    %convert_element_type3A_45 = arith.extui %and3A_44 : i1 to i32
    %cond3A_46 = arith.constant 0 : i32
    %cond3A_47 = arith.cmpi ne, %convert_element_type3A_45, %cond3A_46 : i32
    scf.if %cond3A_47 {
      "tpu.region"() ({
        %run_scoped3A = tpu.sem_alloc : memref<!tpu.dma_semaphore, #tpu.memory_space<semaphore_mem>>
        %dma_start3A = arith.constant 0 : i32
        %dma_start3A_56 = tpu.memref_slice %arg4[%mul3A_28, %dma_start3A] : memref<10000x128xf32, #tpu.memory_space<hbm>> -> memref<632x128xf32, #tpu.memory_space<hbm>>
        %dma_start3A_57 = arith.constant 0 : i32
        %dma_start3A_58 = tpu.memref_slice %arg5[%mul3A_28, %dma_start3A_57] : memref<10112x128xf32, #tpu.memory_space<vmem_shared>> -> memref<632x128xf32, #tpu.memory_space<vmem_shared>>
        tpu.enqueue_dma source(%dma_start3A_58 : memref<632x128xf32, #tpu.memory_space<vmem_shared>>) target(%dma_start3A_56 : memref<632x128xf32, #tpu.memory_space<hbm>>) target_semaphore(%run_scoped3A : memref<!tpu.dma_semaphore, #tpu.memory_space<semaphore_mem>>)
        %dma_wait3A = arith.constant 0 : i32
        %dma_wait3A_59 = tpu.memref_slice %arg4[%mul3A_28, %dma_wait3A] : memref<10000x128xf32, #tpu.memory_space<hbm>> -> memref<632x128xf32, #tpu.memory_space<hbm>>
        %dma_wait3A_60 = arith.constant 0 : i32
        %dma_wait3A_61 = tpu.memref_slice %arg5[%mul3A_28, %dma_wait3A_60] : memref<10112x128xf32, #tpu.memory_space<vmem_shared>> -> memref<632x128xf32, #tpu.memory_space<vmem_shared>>
        tpu.wait_dma2 semaphore(%run_scoped3A : memref<!tpu.dma_semaphore, #tpu.memory_space<semaphore_mem>>) src(%dma_wait3A_61 : memref<632x128xf32, #tpu.memory_space<vmem_shared>>) dst(%dma_wait3A_59 : memref<632x128xf32, #tpu.memory_space<hbm>>)
        tpu.yield
      }) : () -> ()
    } else {
    }
    %eq3A_48 = arith.constant 1 : i32
    %eq3A_49 = arith.cmpi eq, %arg0, %eq3A_48 : i32
    %eq3A_50 = arith.constant 15 : i32
    %eq3A_51 = arith.cmpi eq, %arg1, %eq3A_50 : i32
    %and3A_52 = arith.andi %eq3A_49, %eq3A_51 : i1
    %convert_element_type3A_53 = arith.extui %and3A_52 : i1 to i32
    %cond3A_54 = arith.constant 0 : i32
    %cond3A_55 = arith.cmpi ne, %convert_element_type3A_53, %cond3A_54 : i32
    scf.if %cond3A_55 {
      "tpu.region"() ({
        %run_scoped3A = tpu.sem_alloc : memref<!tpu.dma_semaphore, #tpu.memory_space<semaphore_mem>>
        %dma_start3A = arith.constant 9480 : i32
        %dma_start3A_56 = arith.constant 0 : i32
        %dma_start3A_57 = tpu.memref_slice %arg4[%dma_start3A, %dma_start3A_56] : memref<10000x128xf32, #tpu.memory_space<hbm>> -> memref<520x128xf32, #tpu.memory_space<hbm>>
        %dma_start3A_58 = arith.constant 9480 : i32
        %dma_start3A_59 = arith.constant 0 : i32
        %dma_start3A_60 = tpu.memref_slice %arg5[%dma_start3A_58, %dma_start3A_59] : memref<10112x128xf32, #tpu.memory_space<vmem_shared>> -> memref<520x128xf32, #tpu.memory_space<vmem_shared>>
        tpu.enqueue_dma source(%dma_start3A_60 : memref<520x128xf32, #tpu.memory_space<vmem_shared>>) target(%dma_start3A_57 : memref<520x128xf32, #tpu.memory_space<hbm>>) target_semaphore(%run_scoped3A : memref<!tpu.dma_semaphore, #tpu.memory_space<semaphore_mem>>)
        %dma_wait3A = arith.constant 9480 : i32
        %dma_wait3A_61 = arith.constant 0 : i32
        %dma_wait3A_62 = tpu.memref_slice %arg4[%dma_wait3A, %dma_wait3A_61] : memref<10000x128xf32, #tpu.memory_space<hbm>> -> memref<520x128xf32, #tpu.memory_space<hbm>>
        %dma_wait3A_63 = arith.constant 9480 : i32
        %dma_wait3A_64 = arith.constant 0 : i32
        %dma_wait3A_65 = tpu.memref_slice %arg5[%dma_wait3A_63, %dma_wait3A_64] : memref<10112x128xf32, #tpu.memory_space<vmem_shared>> -> memref<520x128xf32, #tpu.memory_space<vmem_shared>>
        tpu.wait_dma2 semaphore(%run_scoped3A : memref<!tpu.dma_semaphore, #tpu.memory_space<semaphore_mem>>) src(%dma_wait3A_65 : memref<520x128xf32, #tpu.memory_space<vmem_shared>>) dst(%dma_wait3A_62 : memref<520x128xf32, #tpu.memory_space<hbm>>)
        tpu.yield
      }) : () -> ()
    } else {
    }
    return
  }
}

#map = affine_map<(d0, d1) -> (0, 0)>
#map1 = affine_map<(d0, d1) -> (0)>
module attributes {stable_mosaic.version = 14 : i64} {
  func.func @_segsum(%arg0: i32, %arg1: i32, %arg2: memref<10000x128xf32, #tpu.memory_space<hbm>>, %arg3: memref<10000x128xf32, #tpu.memory_space<hbm>>, %arg4: memref<163840xi32, #tpu.memory_space<hbm>>, %arg5: memref<1280x128xi32, #tpu.memory_space<hbm>>, %arg6: memref<10000x128xf32, #tpu.memory_space<hbm>>, %arg7: memref<10000x128xf32, #tpu.memory_space<hbm>>, %arg8: memref<10112x128xf32, #tpu.memory_space<vmem_shared>>, %arg9: memref<80x128xi32, #tpu.memory_space<vmem>>, %arg10: memref<128x128xf32, #tpu.memory_space<vmem>>, %arg11: memref<128x128xf32, #tpu.memory_space<vmem>>, %arg12: memref<128xi32, #tpu.memory_space<vmem>>, %arg13: memref<128xi32, #tpu.memory_space<vmem>>, %arg14: memref<!tpu.dma_semaphore, #tpu.memory_space<semaphore_mem>>, %arg15: memref<!tpu.dma_semaphore, #tpu.memory_space<semaphore_mem>>, %arg16: memref<!tpu.dma_semaphore, #tpu.memory_space<semaphore_mem>>, %arg17: memref<!tpu.dma_semaphore, #tpu.memory_space<semaphore_mem>>, %arg18: memref<!tpu.dma_semaphore, #tpu.memory_space<semaphore_mem>>, %arg19: memref<!tpu.dma_semaphore, #tpu.memory_space<semaphore_mem>>) attributes {dimension_semantics = [#tpu.dimension_semantics<core_parallel>, #tpu.dimension_semantics<subcore_parallel>], iteration_bounds = array<i64: 2, 16>, scalar_prefetch = 0 : i64, scratch_operands = 12 : i64, tpu.core_type = #tpu.core_type<sc_vector_subcore>, window_params = [{transform_indices = #map}, {transform_indices = #map}, {transform_indices = #map1}, {transform_indices = #map}, {transform_indices = #map}, {transform_indices = #map}]} {
    %mul3A = arith.constant 80 : i32
    %mul3A_0 = arith.muli %arg1, %mul3A : i32
    "tpu.region"() ({
      %run_scoped3A = tpu.sem_alloc : memref<!tpu.dma_semaphore, #tpu.memory_space<semaphore_mem>>
      %dma_start3A = arith.constant 0 : i32
      %dma_start3A_59 = tpu.memref_slice %arg5[%mul3A_0, %dma_start3A] : memref<1280x128xi32, #tpu.memory_space<hbm>> -> memref<80x128xi32, #tpu.memory_space<hbm>>
      %dma_start3A_60 = arith.constant 0 : i32
      %dma_start3A_61 = tpu.memref_slice %arg5[%mul3A_0, %dma_start3A_60] : memref<1280x128xi32, #tpu.memory_space<hbm>> -> memref<80x128xi32, #tpu.memory_space<hbm>>
      tpu.enqueue_dma source(%dma_start3A_61 : memref<80x128xi32, #tpu.memory_space<hbm>>) target(%arg9 : memref<80x128xi32, #tpu.memory_space<vmem>>) target_semaphore(%run_scoped3A : memref<!tpu.dma_semaphore, #tpu.memory_space<semaphore_mem>>)
      %dma_wait3A = arith.constant 0 : i32
      %dma_wait3A_62 = tpu.memref_slice %arg5[%mul3A_0, %dma_wait3A] : memref<1280x128xi32, #tpu.memory_space<hbm>> -> memref<80x128xi32, #tpu.memory_space<hbm>>
      %dma_wait3A_63 = arith.constant 0 : i32
      %dma_wait3A_64 = tpu.memref_slice %arg5[%mul3A_0, %dma_wait3A_63] : memref<1280x128xi32, #tpu.memory_space<hbm>> -> memref<80x128xi32, #tpu.memory_space<hbm>>
      tpu.wait_dma2 semaphore(%run_scoped3A : memref<!tpu.dma_semaphore, #tpu.memory_space<semaphore_mem>>) src(%dma_wait3A_64 : memref<80x128xi32, #tpu.memory_space<hbm>>) dst(%arg9 : memref<80x128xi32, #tpu.memory_space<vmem>>)
      tpu.yield
    }) : () -> ()
    %scan3A = arith.constant 0 : i32
    %scan3A_1 = arith.constant 0 : i32
    %scan3A_2 = arith.constant 128 : i32
    %scan3A_3 = arith.addi %scan3A_1, %scan3A_2 : i32
    %scan3A_4 = arith.constant 1 : i32
    scf.for %scan3A_59 = %scan3A_1 to %scan3A_3 step %scan3A_4  : i32 {
      %broadcast_in_dim3A = arith.constant 0.000000e+00 : f32
      %broadcast_in_dim3A_60 = vector.broadcast %broadcast_in_dim3A : f32 to vector<16xf32>
      %swap3A = arith.index_cast %scan3A_59 : i32 to index
      %swap3A_61 = arith.constant 0 : index
      %swap3A_62 = tpu.vector_load %arg10[%swap3A, %swap3A_61] {strides = array<i32>} : memref<128x128xf32, #tpu.memory_space<vmem>>, vector<1x16xf32>,
      %swap3A_63 = vector.shape_cast %swap3A_62 : vector<1x16xf32> to vector<16xf32>
      %swap3A_64 = vector.shape_cast %broadcast_in_dim3A_60 : vector<16xf32> to vector<1x16xf32>
      tpu.vector_store %arg10[%swap3A, %swap3A_61], %swap3A_64 {strides = array<i32>} : memref<128x128xf32, #tpu.memory_space<vmem>>, vector<1x16xf32>,
      %broadcast_in_dim3A_65 = arith.constant 0.000000e+00 : f32
      %broadcast_in_dim3A_66 = vector.broadcast %broadcast_in_dim3A_65 : f32 to vector<16xf32>
      %swap3A_67 = arith.index_cast %scan3A_59 : i32 to index
      %swap3A_68 = arith.constant 16 : index
      %swap3A_69 = tpu.vector_load %arg10[%swap3A_67, %swap3A_68] {strides = array<i32>} : memref<128x128xf32, #tpu.memory_space<vmem>>, vector<1x16xf32>,
      %swap3A_70 = vector.shape_cast %swap3A_69 : vector<1x16xf32> to vector<16xf32>
      %swap3A_71 = vector.shape_cast %broadcast_in_dim3A_66 : vector<16xf32> to vector<1x16xf32>
      tpu.vector_store %arg10[%swap3A_67, %swap3A_68], %swap3A_71 {strides = array<i32>} : memref<128x128xf32, #tpu.memory_space<vmem>>, vector<1x16xf32>,
      %broadcast_in_dim3A_72 = arith.constant 0.000000e+00 : f32
      %broadcast_in_dim3A_73 = vector.broadcast %broadcast_in_dim3A_72 : f32 to vector<16xf32>
      %swap3A_74 = arith.index_cast %scan3A_59 : i32 to index
      %swap3A_75 = arith.constant 32 : index
      %swap3A_76 = tpu.vector_load %arg10[%swap3A_74, %swap3A_75] {strides = array<i32>} : memref<128x128xf32, #tpu.memory_space<vmem>>, vector<1x16xf32>,
      %swap3A_77 = vector.shape_cast %swap3A_76 : vector<1x16xf32> to vector<16xf32>
      %swap3A_78 = vector.shape_cast %broadcast_in_dim3A_73 : vector<16xf32> to vector<1x16xf32>
      tpu.vector_store %arg10[%swap3A_74, %swap3A_75], %swap3A_78 {strides = array<i32>} : memref<128x128xf32, #tpu.memory_space<vmem>>, vector<1x16xf32>,
      %broadcast_in_dim3A_79 = arith.constant 0.000000e+00 : f32
      %broadcast_in_dim3A_80 = vector.broadcast %broadcast_in_dim3A_79 : f32 to vector<16xf32>
      %swap3A_81 = arith.index_cast %scan3A_59 : i32 to index
      %swap3A_82 = arith.constant 48 : index
      %swap3A_83 = tpu.vector_load %arg10[%swap3A_81, %swap3A_82] {strides = array<i32>} : memref<128x128xf32, #tpu.memory_space<vmem>>, vector<1x16xf32>,
      %swap3A_84 = vector.shape_cast %swap3A_83 : vector<1x16xf32> to vector<16xf32>
      %swap3A_85 = vector.shape_cast %broadcast_in_dim3A_80 : vector<16xf32> to vector<1x16xf32>
      tpu.vector_store %arg10[%swap3A_81, %swap3A_82], %swap3A_85 {strides = array<i32>} : memref<128x128xf32, #tpu.memory_space<vmem>>, vector<1x16xf32>,
      %broadcast_in_dim3A_86 = arith.constant 0.000000e+00 : f32
      %broadcast_in_dim3A_87 = vector.broadcast %broadcast_in_dim3A_86 : f32 to vector<16xf32>
      %swap3A_88 = arith.index_cast %scan3A_59 : i32 to index
      %swap3A_89 = arith.constant 64 : index
      %swap3A_90 = tpu.vector_load %arg10[%swap3A_88, %swap3A_89] {strides = array<i32>} : memref<128x128xf32, #tpu.memory_space<vmem>>, vector<1x16xf32>,
      %swap3A_91 = vector.shape_cast %swap3A_90 : vector<1x16xf32> to vector<16xf32>
      %swap3A_92 = vector.shape_cast %broadcast_in_dim3A_87 : vector<16xf32> to vector<1x16xf32>
      tpu.vector_store %arg10[%swap3A_88, %swap3A_89], %swap3A_92 {strides = array<i32>} : memref<128x128xf32, #tpu.memory_space<vmem>>, vector<1x16xf32>,
      %broadcast_in_dim3A_93 = arith.constant 0.000000e+00 : f32
      %broadcast_in_dim3A_94 = vector.broadcast %broadcast_in_dim3A_93 : f32 to vector<16xf32>
      %swap3A_95 = arith.index_cast %scan3A_59 : i32 to index
      %swap3A_96 = arith.constant 80 : index
      %swap3A_97 = tpu.vector_load %arg10[%swap3A_95, %swap3A_96] {strides = array<i32>} : memref<128x128xf32, #tpu.memory_space<vmem>>, vector<1x16xf32>,
      %swap3A_98 = vector.shape_cast %swap3A_97 : vector<1x16xf32> to vector<16xf32>
      %swap3A_99 = vector.shape_cast %broadcast_in_dim3A_94 : vector<16xf32> to vector<1x16xf32>
      tpu.vector_store %arg10[%swap3A_95, %swap3A_96], %swap3A_99 {strides = array<i32>} : memref<128x128xf32, #tpu.memory_space<vmem>>, vector<1x16xf32>,
      %broadcast_in_dim3A_100 = arith.constant 0.000000e+00 : f32
      %broadcast_in_dim3A_101 = vector.broadcast %broadcast_in_dim3A_100 : f32 to vector<16xf32>
      %swap3A_102 = arith.index_cast %scan3A_59 : i32 to index
      %swap3A_103 = arith.constant 96 : index
      %swap3A_104 = tpu.vector_load %arg10[%swap3A_102, %swap3A_103] {strides = array<i32>} : memref<128x128xf32, #tpu.memory_space<vmem>>, vector<1x16xf32>,
      %swap3A_105 = vector.shape_cast %swap3A_104 : vector<1x16xf32> to vector<16xf32>
      %swap3A_106 = vector.shape_cast %broadcast_in_dim3A_101 : vector<16xf32> to vector<1x16xf32>
      tpu.vector_store %arg10[%swap3A_102, %swap3A_103], %swap3A_106 {strides = array<i32>} : memref<128x128xf32, #tpu.memory_space<vmem>>, vector<1x16xf32>,
      %broadcast_in_dim3A_107 = arith.constant 0.000000e+00 : f32
      %broadcast_in_dim3A_108 = vector.broadcast %broadcast_in_dim3A_107 : f32 to vector<16xf32>
      %swap3A_109 = arith.index_cast %scan3A_59 : i32 to index
      %swap3A_110 = arith.constant 112 : index
      %swap3A_111 = tpu.vector_load %arg10[%swap3A_109, %swap3A_110] {strides = array<i32>} : memref<128x128xf32, #tpu.memory_space<vmem>>, vector<1x16xf32>,
      %swap3A_112 = vector.shape_cast %swap3A_111 : vector<1x16xf32> to vector<16xf32>
      %swap3A_113 = vector.shape_cast %broadcast_in_dim3A_108 : vector<16xf32> to vector<1x16xf32>
      tpu.vector_store %arg10[%swap3A_109, %swap3A_110], %swap3A_113 {strides = array<i32>} : memref<128x128xf32, #tpu.memory_space<vmem>>, vector<1x16xf32>,
    }
    %scan3A_5 = arith.constant 128 : i32
    %mul3A_6 = arith.constant 632 : i32
    %mul3A_7 = arith.muli %arg1, %mul3A_6 : i32
    %add3A = arith.constant 0 : i32
    %add3A_8 = arith.addi %mul3A_7, %add3A : i32
    "tpu.region"() ({
      %run_scoped3A = tpu.sem_alloc : memref<!tpu.dma_semaphore, #tpu.memory_space<semaphore_mem>>
      %dma_start3A = arith.constant 0 : i32
      %dma_start3A_59 = arith.constant 0 : i32
      %dma_start3A_60 = tpu.memref_slice %arg10[%dma_start3A, %dma_start3A_59] : memref<128x128xf32, #tpu.memory_space<vmem>> -> memref<128x128xf32, #tpu.memory_space<vmem>>
      %dma_start3A_61 = arith.constant 0 : i32
      %dma_start3A_62 = tpu.memref_slice %arg8[%add3A_8, %dma_start3A_61] : memref<10112x128xf32, #tpu.memory_space<vmem_shared>> -> memref<128x128xf32, #tpu.memory_space<vmem_shared>>
      %dma_start3A_63 = arith.constant 0 : i32
      %dma_start3A_64 = tpu.memref_slice %arg8[%add3A_8, %dma_start3A_63] : memref<10112x128xf32, #tpu.memory_space<vmem_shared>> -> memref<128x128xf32, #tpu.memory_space<vmem_shared>>
      %dma_start3A_65 = arith.constant 0 : i32
      %dma_start3A_66 = arith.constant 0 : i32
      %dma_start3A_67 = tpu.memref_slice %arg10[%dma_start3A_65, %dma_start3A_66] : memref<128x128xf32, #tpu.memory_space<vmem>> -> memref<128x128xf32, #tpu.memory_space<vmem>>
      tpu.enqueue_dma source(%dma_start3A_67 : memref<128x128xf32, #tpu.memory_space<vmem>>) target(%dma_start3A_64 : memref<128x128xf32, #tpu.memory_space<vmem_shared>>) target_semaphore(%run_scoped3A : memref<!tpu.dma_semaphore, #tpu.memory_space<semaphore_mem>>)
      %dma_wait3A = arith.constant 0 : i32
      %dma_wait3A_68 = arith.constant 0 : i32
      %dma_wait3A_69 = tpu.memref_slice %arg10[%dma_wait3A, %dma_wait3A_68] : memref<128x128xf32, #tpu.memory_space<vmem>> -> memref<128x128xf32, #tpu.memory_space<vmem>>
      %dma_wait3A_70 = arith.constant 0 : i32
      %dma_wait3A_71 = tpu.memref_slice %arg8[%add3A_8, %dma_wait3A_70] : memref<10112x128xf32, #tpu.memory_space<vmem_shared>> -> memref<128x128xf32, #tpu.memory_space<vmem_shared>>
      %dma_wait3A_72 = arith.constant 0 : i32
      %dma_wait3A_73 = tpu.memref_slice %arg8[%add3A_8, %dma_wait3A_72] : memref<10112x128xf32, #tpu.memory_space<vmem_shared>> -> memref<128x128xf32, #tpu.memory_space<vmem_shared>>
      %dma_wait3A_74 = arith.constant 0 : i32
      %dma_wait3A_75 = arith.constant 0 : i32
      %dma_wait3A_76 = tpu.memref_slice %arg10[%dma_wait3A_74, %dma_wait3A_75] : memref<128x128xf32, #tpu.memory_space<vmem>> -> memref<128x128xf32, #tpu.memory_space<vmem>>
      tpu.wait_dma2 semaphore(%run_scoped3A : memref<!tpu.dma_semaphore, #tpu.memory_space<semaphore_mem>>) src(%dma_wait3A_76 : memref<128x128xf32, #tpu.memory_space<vmem>>) dst(%dma_wait3A_73 : memref<128x128xf32, #tpu.memory_space<vmem_shared>>)
      tpu.yield
    }) : () -> ()
    %add3A_9 = arith.constant 128 : i32
    %add3A_10 = arith.addi %mul3A_7, %add3A_9 : i32
    "tpu.region"() ({
      %run_scoped3A = tpu.sem_alloc : memref<!tpu.dma_semaphore, #tpu.memory_space<semaphore_mem>>
      %dma_start3A = arith.constant 0 : i32
      %dma_start3A_59 = arith.constant 0 : i32
      %dma_start3A_60 = tpu.memref_slice %arg10[%dma_start3A, %dma_start3A_59] : memref<128x128xf32, #tpu.memory_space<vmem>> -> memref<128x128xf32, #tpu.memory_space<vmem>>
      %dma_start3A_61 = arith.constant 0 : i32
      %dma_start3A_62 = tpu.memref_slice %arg8[%add3A_10, %dma_start3A_61] : memref<10112x128xf32, #tpu.memory_space<vmem_shared>> -> memref<128x128xf32, #tpu.memory_space<vmem_shared>>
      %dma_start3A_63 = arith.constant 0 : i32
      %dma_start3A_64 = tpu.memref_slice %arg8[%add3A_10, %dma_start3A_63] : memref<10112x128xf32, #tpu.memory_space<vmem_shared>> -> memref<128x128xf32, #tpu.memory_space<vmem_shared>>
      %dma_start3A_65 = arith.constant 0 : i32
      %dma_start3A_66 = arith.constant 0 : i32
      %dma_start3A_67 = tpu.memref_slice %arg10[%dma_start3A_65, %dma_start3A_66] : memref<128x128xf32, #tpu.memory_space<vmem>> -> memref<128x128xf32, #tpu.memory_space<vmem>>
      tpu.enqueue_dma source(%dma_start3A_67 : memref<128x128xf32, #tpu.memory_space<vmem>>) target(%dma_start3A_64 : memref<128x128xf32, #tpu.memory_space<vmem_shared>>) target_semaphore(%run_scoped3A : memref<!tpu.dma_semaphore, #tpu.memory_space<semaphore_mem>>)
      %dma_wait3A = arith.constant 0 : i32
      %dma_wait3A_68 = arith.constant 0 : i32
      %dma_wait3A_69 = tpu.memref_slice %arg10[%dma_wait3A, %dma_wait3A_68] : memref<128x128xf32, #tpu.memory_space<vmem>> -> memref<128x128xf32, #tpu.memory_space<vmem>>
      %dma_wait3A_70 = arith.constant 0 : i32
      %dma_wait3A_71 = tpu.memref_slice %arg8[%add3A_10, %dma_wait3A_70] : memref<10112x128xf32, #tpu.memory_space<vmem_shared>> -> memref<128x128xf32, #tpu.memory_space<vmem_shared>>
      %dma_wait3A_72 = arith.constant 0 : i32
      %dma_wait3A_73 = tpu.memref_slice %arg8[%add3A_10, %dma_wait3A_72] : memref<10112x128xf32, #tpu.memory_space<vmem_shared>> -> memref<128x128xf32, #tpu.memory_space<vmem_shared>>
      %dma_wait3A_74 = arith.constant 0 : i32
      %dma_wait3A_75 = arith.constant 0 : i32
      %dma_wait3A_76 = tpu.memref_slice %arg10[%dma_wait3A_74, %dma_wait3A_75] : memref<128x128xf32, #tpu.memory_space<vmem>> -> memref<128x128xf32, #tpu.memory_space<vmem>>
      tpu.wait_dma2 semaphore(%run_scoped3A : memref<!tpu.dma_semaphore, #tpu.memory_space<semaphore_mem>>) src(%dma_wait3A_76 : memref<128x128xf32, #tpu.memory_space<vmem>>) dst(%dma_wait3A_73 : memref<128x128xf32, #tpu.memory_space<vmem_shared>>)
      tpu.yield
    }) : () -> ()
    %add3A_11 = arith.constant 256 : i32
    %add3A_12 = arith.addi %mul3A_7, %add3A_11 : i32
    "tpu.region"() ({
      %run_scoped3A = tpu.sem_alloc : memref<!tpu.dma_semaphore, #tpu.memory_space<semaphore_mem>>
      %dma_start3A = arith.constant 0 : i32
      %dma_start3A_59 = arith.constant 0 : i32
      %dma_start3A_60 = tpu.memref_slice %arg10[%dma_start3A, %dma_start3A_59] : memref<128x128xf32, #tpu.memory_space<vmem>> -> memref<128x128xf32, #tpu.memory_space<vmem>>
      %dma_start3A_61 = arith.constant 0 : i32
      %dma_start3A_62 = tpu.memref_slice %arg8[%add3A_12, %dma_start3A_61] : memref<10112x128xf32, #tpu.memory_space<vmem_shared>> -> memref<128x128xf32, #tpu.memory_space<vmem_shared>>
      %dma_start3A_63 = arith.constant 0 : i32
      %dma_start3A_64 = tpu.memref_slice %arg8[%add3A_12, %dma_start3A_63] : memref<10112x128xf32, #tpu.memory_space<vmem_shared>> -> memref<128x128xf32, #tpu.memory_space<vmem_shared>>
      %dma_start3A_65 = arith.constant 0 : i32
      %dma_start3A_66 = arith.constant 0 : i32
      %dma_start3A_67 = tpu.memref_slice %arg10[%dma_start3A_65, %dma_start3A_66] : memref<128x128xf32, #tpu.memory_space<vmem>> -> memref<128x128xf32, #tpu.memory_space<vmem>>
      tpu.enqueue_dma source(%dma_start3A_67 : memref<128x128xf32, #tpu.memory_space<vmem>>) target(%dma_start3A_64 : memref<128x128xf32, #tpu.memory_space<vmem_shared>>) target_semaphore(%run_scoped3A : memref<!tpu.dma_semaphore, #tpu.memory_space<semaphore_mem>>)
      %dma_wait3A = arith.constant 0 : i32
      %dma_wait3A_68 = arith.constant 0 : i32
      %dma_wait3A_69 = tpu.memref_slice %arg10[%dma_wait3A, %dma_wait3A_68] : memref<128x128xf32, #tpu.memory_space<vmem>> -> memref<128x128xf32, #tpu.memory_space<vmem>>
      %dma_wait3A_70 = arith.constant 0 : i32
      %dma_wait3A_71 = tpu.memref_slice %arg8[%add3A_12, %dma_wait3A_70] : memref<10112x128xf32, #tpu.memory_space<vmem_shared>> -> memref<128x128xf32, #tpu.memory_space<vmem_shared>>
      %dma_wait3A_72 = arith.constant 0 : i32
      %dma_wait3A_73 = tpu.memref_slice %arg8[%add3A_12, %dma_wait3A_72] : memref<10112x128xf32, #tpu.memory_space<vmem_shared>> -> memref<128x128xf32, #tpu.memory_space<vmem_shared>>
      %dma_wait3A_74 = arith.constant 0 : i32
      %dma_wait3A_75 = arith.constant 0 : i32
      %dma_wait3A_76 = tpu.memref_slice %arg10[%dma_wait3A_74, %dma_wait3A_75] : memref<128x128xf32, #tpu.memory_space<vmem>> -> memref<128x128xf32, #tpu.memory_space<vmem>>
      tpu.wait_dma2 semaphore(%run_scoped3A : memref<!tpu.dma_semaphore, #tpu.memory_space<semaphore_mem>>) src(%dma_wait3A_76 : memref<128x128xf32, #tpu.memory_space<vmem>>) dst(%dma_wait3A_73 : memref<128x128xf32, #tpu.memory_space<vmem_shared>>)
      tpu.yield
    }) : () -> ()
    %add3A_13 = arith.constant 384 : i32
    %add3A_14 = arith.addi %mul3A_7, %add3A_13 : i32
    "tpu.region"() ({
      %run_scoped3A = tpu.sem_alloc : memref<!tpu.dma_semaphore, #tpu.memory_space<semaphore_mem>>
      %dma_start3A = arith.constant 0 : i32
      %dma_start3A_59 = arith.constant 0 : i32
      %dma_start3A_60 = tpu.memref_slice %arg10[%dma_start3A, %dma_start3A_59] : memref<128x128xf32, #tpu.memory_space<vmem>> -> memref<128x128xf32, #tpu.memory_space<vmem>>
      %dma_start3A_61 = arith.constant 0 : i32
      %dma_start3A_62 = tpu.memref_slice %arg8[%add3A_14, %dma_start3A_61] : memref<10112x128xf32, #tpu.memory_space<vmem_shared>> -> memref<128x128xf32, #tpu.memory_space<vmem_shared>>
      %dma_start3A_63 = arith.constant 0 : i32
      %dma_start3A_64 = tpu.memref_slice %arg8[%add3A_14, %dma_start3A_63] : memref<10112x128xf32, #tpu.memory_space<vmem_shared>> -> memref<128x128xf32, #tpu.memory_space<vmem_shared>>
      %dma_start3A_65 = arith.constant 0 : i32
      %dma_start3A_66 = arith.constant 0 : i32
      %dma_start3A_67 = tpu.memref_slice %arg10[%dma_start3A_65, %dma_start3A_66] : memref<128x128xf32, #tpu.memory_space<vmem>> -> memref<128x128xf32, #tpu.memory_space<vmem>>
      tpu.enqueue_dma source(%dma_start3A_67 : memref<128x128xf32, #tpu.memory_space<vmem>>) target(%dma_start3A_64 : memref<128x128xf32, #tpu.memory_space<vmem_shared>>) target_semaphore(%run_scoped3A : memref<!tpu.dma_semaphore, #tpu.memory_space<semaphore_mem>>)
      %dma_wait3A = arith.constant 0 : i32
      %dma_wait3A_68 = arith.constant 0 : i32
      %dma_wait3A_69 = tpu.memref_slice %arg10[%dma_wait3A, %dma_wait3A_68] : memref<128x128xf32, #tpu.memory_space<vmem>> -> memref<128x128xf32, #tpu.memory_space<vmem>>
      %dma_wait3A_70 = arith.constant 0 : i32
      %dma_wait3A_71 = tpu.memref_slice %arg8[%add3A_14, %dma_wait3A_70] : memref<10112x128xf32, #tpu.memory_space<vmem_shared>> -> memref<128x128xf32, #tpu.memory_space<vmem_shared>>
      %dma_wait3A_72 = arith.constant 0 : i32
      %dma_wait3A_73 = tpu.memref_slice %arg8[%add3A_14, %dma_wait3A_72] : memref<10112x128xf32, #tpu.memory_space<vmem_shared>> -> memref<128x128xf32, #tpu.memory_space<vmem_shared>>
      %dma_wait3A_74 = arith.constant 0 : i32
      %dma_wait3A_75 = arith.constant 0 : i32
      %dma_wait3A_76 = tpu.memref_slice %arg10[%dma_wait3A_74, %dma_wait3A_75] : memref<128x128xf32, #tpu.memory_space<vmem>> -> memref<128x128xf32, #tpu.memory_space<vmem>>
      tpu.wait_dma2 semaphore(%run_scoped3A : memref<!tpu.dma_semaphore, #tpu.memory_space<semaphore_mem>>) src(%dma_wait3A_76 : memref<128x128xf32, #tpu.memory_space<vmem>>) dst(%dma_wait3A_73 : memref<128x128xf32, #tpu.memory_space<vmem_shared>>)
      tpu.yield
    }) : () -> ()
    %add3A_15 = arith.constant 512 : i32
    %add3A_16 = arith.addi %mul3A_7, %add3A_15 : i32
    "tpu.region"() ({
      %run_scoped3A = tpu.sem_alloc : memref<!tpu.dma_semaphore, #tpu.memory_space<semaphore_mem>>
      %dma_start3A = arith.constant 0 : i32
      %dma_start3A_59 = arith.constant 0 : i32
      %dma_start3A_60 = tpu.memref_slice %arg10[%dma_start3A, %dma_start3A_59] : memref<128x128xf32, #tpu.memory_space<vmem>> -> memref<120x128xf32, #tpu.memory_space<vmem>>
      %dma_start3A_61 = arith.constant 0 : i32
      %dma_start3A_62 = tpu.memref_slice %arg8[%add3A_16, %dma_start3A_61] : memref<10112x128xf32, #tpu.memory_space<vmem_shared>> -> memref<120x128xf32, #tpu.memory_space<vmem_shared>>
      %dma_start3A_63 = arith.constant 0 : i32
      %dma_start3A_64 = tpu.memref_slice %arg8[%add3A_16, %dma_start3A_63] : memref<10112x128xf32, #tpu.memory_space<vmem_shared>> -> memref<120x128xf32, #tpu.memory_space<vmem_shared>>
      %dma_start3A_65 = arith.constant 0 : i32
      %dma_start3A_66 = arith.constant 0 : i32
      %dma_start3A_67 = tpu.memref_slice %arg10[%dma_start3A_65, %dma_start3A_66] : memref<128x128xf32, #tpu.memory_space<vmem>> -> memref<120x128xf32, #tpu.memory_space<vmem>>
      tpu.enqueue_dma source(%dma_start3A_67 : memref<120x128xf32, #tpu.memory_space<vmem>>) target(%dma_start3A_64 : memref<120x128xf32, #tpu.memory_space<vmem_shared>>) target_semaphore(%run_scoped3A : memref<!tpu.dma_semaphore, #tpu.memory_space<semaphore_mem>>)
      %dma_wait3A = arith.constant 0 : i32
      %dma_wait3A_68 = arith.constant 0 : i32
      %dma_wait3A_69 = tpu.memref_slice %arg10[%dma_wait3A, %dma_wait3A_68] : memref<128x128xf32, #tpu.memory_space<vmem>> -> memref<120x128xf32, #tpu.memory_space<vmem>>
      %dma_wait3A_70 = arith.constant 0 : i32
      %dma_wait3A_71 = tpu.memref_slice %arg8[%add3A_16, %dma_wait3A_70] : memref<10112x128xf32, #tpu.memory_space<vmem_shared>> -> memref<120x128xf32, #tpu.memory_space<vmem_shared>>
      %dma_wait3A_72 = arith.constant 0 : i32
      %dma_wait3A_73 = tpu.memref_slice %arg8[%add3A_16, %dma_wait3A_72] : memref<10112x128xf32, #tpu.memory_space<vmem_shared>> -> memref<120x128xf32, #tpu.memory_space<vmem_shared>>
      %dma_wait3A_74 = arith.constant 0 : i32
      %dma_wait3A_75 = arith.constant 0 : i32
      %dma_wait3A_76 = tpu.memref_slice %arg10[%dma_wait3A_74, %dma_wait3A_75] : memref<128x128xf32, #tpu.memory_space<vmem>> -> memref<120x128xf32, #tpu.memory_space<vmem>>
      tpu.wait_dma2 semaphore(%run_scoped3A : memref<!tpu.dma_semaphore, #tpu.memory_space<semaphore_mem>>) src(%dma_wait3A_76 : memref<120x128xf32, #tpu.memory_space<vmem>>) dst(%dma_wait3A_73 : memref<120x128xf32, #tpu.memory_space<vmem_shared>>)
      tpu.yield
    }) : () -> ()
    %barrier3A = arith.constant 0 : index
    tpu.barrier barrier_id(%barrier3A)
    %mul3A_17 = arith.constant 10240 : i32
    %mul3A_18 = arith.muli %arg1, %mul3A_17 : i32
    %eq3A = arith.constant 0 : i32
    %eq3A_19 = arith.cmpi eq, %arg0, %eq3A : i32
    %convert_element_type3A = arith.extui %eq3A_19 : i1 to i32
    %cond3A = arith.constant 0 : i32
    %cond3A_20 = arith.cmpi ne, %convert_element_type3A, %cond3A : i32
    scf.if %cond3A_20 {
      %add3A_59 = arith.constant 0 : i32
      %add3A_60 = arith.addi %mul3A_18, %add3A_59 : i32
      %dma_start3A = tpu.memref_slice %arg4[%add3A_60] : memref<163840xi32, #tpu.memory_space<hbm>> -> memref<128xi32, #tpu.memory_space<hbm>>
      %dma_start3A_61 = tpu.memref_slice %arg4[%add3A_60] : memref<163840xi32, #tpu.memory_space<hbm>> -> memref<128xi32, #tpu.memory_space<hbm>>
      tpu.enqueue_dma source(%dma_start3A_61 : memref<128xi32, #tpu.memory_space<hbm>>) target(%arg12 : memref<128xi32, #tpu.memory_space<vmem>>) target_semaphore(%arg18 : memref<!tpu.dma_semaphore, #tpu.memory_space<semaphore_mem>>)
      %add3A_62 = arith.constant 128 : i32
      %add3A_63 = arith.addi %mul3A_18, %add3A_62 : i32
      %dma_start3A_64 = tpu.memref_slice %arg4[%add3A_63] : memref<163840xi32, #tpu.memory_space<hbm>> -> memref<128xi32, #tpu.memory_space<hbm>>
      %dma_start3A_65 = tpu.memref_slice %arg4[%add3A_63] : memref<163840xi32, #tpu.memory_space<hbm>> -> memref<128xi32, #tpu.memory_space<hbm>>
      tpu.enqueue_dma source(%dma_start3A_65 : memref<128xi32, #tpu.memory_space<hbm>>) target(%arg13 : memref<128xi32, #tpu.memory_space<vmem>>) target_semaphore(%arg19 : memref<!tpu.dma_semaphore, #tpu.memory_space<semaphore_mem>>)
      %dma_wait3A = arith.constant 0 : i32
      %dma_wait3A_66 = tpu.memref_slice %arg4[%dma_wait3A] : memref<163840xi32, #tpu.memory_space<hbm>> -> memref<128xi32, #tpu.memory_space<hbm>>
      %dma_wait3A_67 = arith.constant 0 : i32
      %dma_wait3A_68 = tpu.memref_slice %arg4[%dma_wait3A_67] : memref<163840xi32, #tpu.memory_space<hbm>> -> memref<128xi32, #tpu.memory_space<hbm>>
      tpu.wait_dma2 semaphore(%arg18 : memref<!tpu.dma_semaphore, #tpu.memory_space<semaphore_mem>>) src(%dma_wait3A_68 : memref<128xi32, #tpu.memory_space<hbm>>) dst(%arg12 : memref<128xi32, #tpu.memory_space<vmem>>)
      %dma_start3A_69 = arith.constant 0 : i32
      %dma_start3A_70 = arith.constant 0 : i32
      %dma_start3A_71 = tpu.memref_slice %arg2[%dma_start3A_69, %dma_start3A_70] : memref<10000x128xf32, #tpu.memory_space<hbm>> -> memref<10000x128xf32, #tpu.memory_space<hbm>>
      tpu.enqueue_indirect_dma source(%dma_start3A_71 : memref<10000x128xf32, #tpu.memory_space<hbm>>) target(%arg10 : memref<128x128xf32, #tpu.memory_space<vmem>>) offsets(%arg12 : memref<128xi32, #tpu.memory_space<vmem>>) semaphore(%arg14 : memref<!tpu.dma_semaphore, #tpu.memory_space<semaphore_mem>>)
      %dma_wait3A_72 = arith.constant 0 : i32
      %dma_wait3A_73 = tpu.memref_slice %arg4[%dma_wait3A_72] : memref<163840xi32, #tpu.memory_space<hbm>> -> memref<128xi32, #tpu.memory_space<hbm>>
      %dma_wait3A_74 = arith.constant 0 : i32
      %dma_wait3A_75 = tpu.memref_slice %arg4[%dma_wait3A_74] : memref<163840xi32, #tpu.memory_space<hbm>> -> memref<128xi32, #tpu.memory_space<hbm>>
      tpu.wait_dma2 semaphore(%arg19 : memref<!tpu.dma_semaphore, #tpu.memory_space<semaphore_mem>>) src(%dma_wait3A_75 : memref<128xi32, #tpu.memory_space<hbm>>) dst(%arg13 : memref<128xi32, #tpu.memory_space<vmem>>)
      %dma_start3A_76 = arith.constant 0 : i32
      %dma_start3A_77 = arith.constant 0 : i32
      %dma_start3A_78 = tpu.memref_slice %arg2[%dma_start3A_76, %dma_start3A_77] : memref<10000x128xf32, #tpu.memory_space<hbm>> -> memref<10000x128xf32, #tpu.memory_space<hbm>>
      tpu.enqueue_indirect_dma source(%dma_start3A_78 : memref<10000x128xf32, #tpu.memory_space<hbm>>) target(%arg11 : memref<128x128xf32, #tpu.memory_space<vmem>>) offsets(%arg13 : memref<128xi32, #tpu.memory_space<vmem>>) semaphore(%arg15 : memref<!tpu.dma_semaphore, #tpu.memory_space<semaphore_mem>>)
      %scan3A_79 = arith.constant 0 : i32
      %scan3A_80 = arith.constant 0 : i32
      %scan3A_81 = arith.constant 39 : i32
      %scan3A_82 = arith.addi %scan3A_80, %scan3A_81 : i32
      %scan3A_83 = arith.constant 1 : i32
      scf.for %scan3A_123 = %scan3A_80 to %scan3A_82 step %scan3A_83  : i32 {
        %mul3A_124 = arith.constant 2 : i32
        %mul3A_125 = arith.muli %scan3A_123, %mul3A_124 : i32
        %dma_wait3A_126 = arith.constant 0 : i32
        %dma_wait3A_127 = arith.constant 0 : i32
        %dma_wait3A_128 = tpu.memref_slice %arg2[%dma_wait3A_126, %dma_wait3A_127] : memref<10000x128xf32, #tpu.memory_space<hbm>> -> memref<128x128xf32, #tpu.memory_space<hbm>>
        %dma_wait3A_129 = arith.constant 0 : i32
        %dma_wait3A_130 = arith.constant 0 : i32
        %dma_wait3A_131 = tpu.memref_slice %arg2[%dma_wait3A_129, %dma_wait3A_130] : memref<10000x128xf32, #tpu.memory_space<hbm>> -> memref<128x128xf32, #tpu.memory_space<hbm>>
        tpu.wait_dma2 semaphore(%arg14 : memref<!tpu.dma_semaphore, #tpu.memory_space<semaphore_mem>>) src(%dma_wait3A_131 : memref<128x128xf32, #tpu.memory_space<hbm>>) dst(%arg10 : memref<128x128xf32, #tpu.memory_space<vmem>>)
        %add3A_132 = arith.constant 2 : i32
        %add3A_133 = arith.addi %mul3A_125, %add3A_132 : i32
        %add3A_134 = arith.constant 0 : i32
        %add3A_135 = arith.addi %add3A_133, %add3A_134 : i32
        %mul3A_136 = arith.constant 128 : i32
        %mul3A_137 = arith.muli %add3A_135, %mul3A_136 : i32
        %add3A_138 = arith.addi %mul3A_18, %mul3A_137 : i32
        %dma_start3A_139 = tpu.memref_slice %arg4[%add3A_138] : memref<163840xi32, #tpu.memory_space<hbm>> -> memref<128xi32, #tpu.memory_space<hbm>>
        %dma_start3A_140 = tpu.memref_slice %arg4[%add3A_138] : memref<163840xi32, #tpu.memory_space<hbm>> -> memref<128xi32, #tpu.memory_space<hbm>>
        tpu.enqueue_dma source(%dma_start3A_140 : memref<128xi32, #tpu.memory_space<hbm>>) target(%arg12 : memref<128xi32, #tpu.memory_space<vmem>>) target_semaphore(%arg18 : memref<!tpu.dma_semaphore, #tpu.memory_space<semaphore_mem>>)
        %add3A_141 = arith.constant 0 : i32
        %add3A_142 = arith.addi %mul3A_125, %add3A_141 : i32
        %dma_start3A_143 = arith.constant 0 : i32
        %dma_start3A_144 = tpu.memref_slice %arg9[%add3A_142, %dma_start3A_143] : memref<80x128xi32, #tpu.memory_space<vmem>> -> memref<1x128xi32, #tpu.memory_space<vmem>>
        %dma_start3A_145 = tpu.memref_squeeze %dma_start3A_144 : memref<1x128xi32, #tpu.memory_space<vmem>> -> memref<128xi32, #tpu.memory_space<vmem>>
        %dma_start3A_146 = arith.constant 0 : i32
        %dma_start3A_147 = arith.constant 0 : i32
        %dma_start3A_148 = tpu.memref_slice %arg8[%dma_start3A_146, %dma_start3A_147] : memref<10112x128xf32, #tpu.memory_space<vmem_shared>> -> memref<10112x128xf32, #tpu.memory_space<vmem_shared>>
        tpu.enqueue_indirect_dma source(%arg10 : memref<128x128xf32, #tpu.memory_space<vmem>>) target(%dma_start3A_148 : memref<10112x128xf32, #tpu.memory_space<vmem_shared>>) offsets(%dma_start3A_145 : memref<128xi32, #tpu.memory_space<vmem>>) semaphore(%arg16 : memref<!tpu.dma_semaphore, #tpu.memory_space<semaphore_mem>>) {add = true}
        %dma_wait3A_149 = arith.constant 0 : i32
        %dma_wait3A_150 = arith.constant 0 : i32
        %dma_wait3A_151 = tpu.memref_slice %arg2[%dma_wait3A_149, %dma_wait3A_150] : memref<10000x128xf32, #tpu.memory_space<hbm>> -> memref<128x128xf32, #tpu.memory_space<hbm>>
        %dma_wait3A_152 = arith.constant 0 : i32
        %dma_wait3A_153 = arith.constant 0 : i32
        %dma_wait3A_154 = tpu.memref_slice %arg2[%dma_wait3A_152, %dma_wait3A_153] : memref<10000x128xf32, #tpu.memory_space<hbm>> -> memref<128x128xf32, #tpu.memory_space<hbm>>
        tpu.wait_dma2 semaphore(%arg15 : memref<!tpu.dma_semaphore, #tpu.memory_space<semaphore_mem>>) src(%dma_wait3A_154 : memref<128x128xf32, #tpu.memory_space<hbm>>) dst(%arg11 : memref<128x128xf32, #tpu.memory_space<vmem>>)
        %add3A_155 = arith.constant 2 : i32
        %add3A_156 = arith.addi %mul3A_125, %add3A_155 : i32
        %add3A_157 = arith.constant 1 : i32
        %add3A_158 = arith.addi %add3A_156, %add3A_157 : i32
        %mul3A_159 = arith.constant 128 : i32
        %mul3A_160 = arith.muli %add3A_158, %mul3A_159 : i32
        %add3A_161 = arith.addi %mul3A_18, %mul3A_160 : i32
        %dma_start3A_162 = tpu.memref_slice %arg4[%add3A_161] : memref<163840xi32, #tpu.memory_space<hbm>> -> memref<128xi32, #tpu.memory_space<hbm>>
        %dma_start3A_163 = tpu.memref_slice %arg4[%add3A_161] : memref<163840xi32, #tpu.memory_space<hbm>> -> memref<128xi32, #tpu.memory_space<hbm>>
        tpu.enqueue_dma source(%dma_start3A_163 : memref<128xi32, #tpu.memory_space<hbm>>) target(%arg13 : memref<128xi32, #tpu.memory_space<vmem>>) target_semaphore(%arg19 : memref<!tpu.dma_semaphore, #tpu.memory_space<semaphore_mem>>)
        %add3A_164 = arith.constant 1 : i32
        %add3A_165 = arith.addi %mul3A_125, %add3A_164 : i32
        %dma_start3A_166 = arith.constant 0 : i32
        %dma_start3A_167 = tpu.memref_slice %arg9[%add3A_165, %dma_start3A_166] : memref<80x128xi32, #tpu.memory_space<vmem>> -> memref<1x128xi32, #tpu.memory_space<vmem>>
        %dma_start3A_168 = tpu.memref_squeeze %dma_start3A_167 : memref<1x128xi32, #tpu.memory_space<vmem>> -> memref<128xi32, #tpu.memory_space<vmem>>
        %dma_start3A_169 = arith.constant 0 : i32
        %dma_start3A_170 = arith.constant 0 : i32
        %dma_start3A_171 = tpu.memref_slice %arg8[%dma_start3A_169, %dma_start3A_170] : memref<10112x128xf32, #tpu.memory_space<vmem_shared>> -> memref<10112x128xf32, #tpu.memory_space<vmem_shared>>
        tpu.enqueue_indirect_dma source(%arg11 : memref<128x128xf32, #tpu.memory_space<vmem>>) target(%dma_start3A_171 : memref<10112x128xf32, #tpu.memory_space<vmem_shared>>) offsets(%dma_start3A_168 : memref<128xi32, #tpu.memory_space<vmem>>) semaphore(%arg17 : memref<!tpu.dma_semaphore, #tpu.memory_space<semaphore_mem>>) {add = true}
        %dma_wait3A_172 = arith.constant 0 : i32
        %dma_wait3A_173 = arith.constant 0 : i32
        %dma_wait3A_174 = tpu.memref_slice %arg2[%dma_wait3A_172, %dma_wait3A_173] : memref<10000x128xf32, #tpu.memory_space<hbm>> -> memref<128x128xf32, #tpu.memory_space<hbm>>
        %dma_wait3A_175 = arith.constant 0 : i32
        %dma_wait3A_176 = arith.constant 0 : i32
        %dma_wait3A_177 = tpu.memref_slice %arg2[%dma_wait3A_175, %dma_wait3A_176] : memref<10000x128xf32, #tpu.memory_space<hbm>> -> memref<128x128xf32, #tpu.memory_space<hbm>>
        tpu.wait_dma2 semaphore(%arg16 : memref<!tpu.dma_semaphore, #tpu.memory_space<semaphore_mem>>) src(%dma_wait3A_177 : memref<128x128xf32, #tpu.memory_space<hbm>>) dst(%arg10 : memref<128x128xf32, #tpu.memory_space<vmem>>)
        %dma_wait3A_178 = arith.constant 0 : i32
        %dma_wait3A_179 = tpu.memref_slice %arg4[%dma_wait3A_178] : memref<163840xi32, #tpu.memory_space<hbm>> -> memref<128xi32, #tpu.memory_space<hbm>>
        %dma_wait3A_180 = arith.constant 0 : i32
        %dma_wait3A_181 = tpu.memref_slice %arg4[%dma_wait3A_180] : memref<163840xi32, #tpu.memory_space<hbm>> -> memref<128xi32, #tpu.memory_space<hbm>>
        tpu.wait_dma2 semaphore(%arg18 : memref<!tpu.dma_semaphore, #tpu.memory_space<semaphore_mem>>) src(%dma_wait3A_181 : memref<128xi32, #tpu.memory_space<hbm>>) dst(%arg12 : memref<128xi32, #tpu.memory_space<vmem>>)
        %dma_start3A_182 = arith.constant 0 : i32
        %dma_start3A_183 = arith.constant 0 : i32
        %dma_start3A_184 = tpu.memref_slice %arg2[%dma_start3A_182, %dma_start3A_183] : memref<10000x128xf32, #tpu.memory_space<hbm>> -> memref<10000x128xf32, #tpu.memory_space<hbm>>
        tpu.enqueue_indirect_dma source(%dma_start3A_184 : memref<10000x128xf32, #tpu.memory_space<hbm>>) target(%arg10 : memref<128x128xf32, #tpu.memory_space<vmem>>) offsets(%arg12 : memref<128xi32, #tpu.memory_space<vmem>>) semaphore(%arg14 : memref<!tpu.dma_semaphore, #tpu.memory_space<semaphore_mem>>)
        %dma_wait3A_185 = arith.constant 0 : i32
        %dma_wait3A_186 = arith.constant 0 : i32
        %dma_wait3A_187 = tpu.memref_slice %arg2[%dma_wait3A_185, %dma_wait3A_186] : memref<10000x128xf32, #tpu.memory_space<hbm>> -> memref<128x128xf32, #tpu.memory_space<hbm>>
        %dma_wait3A_188 = arith.constant 0 : i32
        %dma_wait3A_189 = arith.constant 0 : i32
        %dma_wait3A_190 = tpu.memref_slice %arg2[%dma_wait3A_188, %dma_wait3A_189] : memref<10000x128xf32, #tpu.memory_space<hbm>> -> memref<128x128xf32, #tpu.memory_space<hbm>>
        tpu.wait_dma2 semaphore(%arg17 : memref<!tpu.dma_semaphore, #tpu.memory_space<semaphore_mem>>) src(%dma_wait3A_190 : memref<128x128xf32, #tpu.memory_space<hbm>>) dst(%arg11 : memref<128x128xf32, #tpu.memory_space<vmem>>)
        %dma_wait3A_191 = arith.constant 0 : i32
        %dma_wait3A_192 = tpu.memref_slice %arg4[%dma_wait3A_191] : memref<163840xi32, #tpu.memory_space<hbm>> -> memref<128xi32, #tpu.memory_space<hbm>>
        %dma_wait3A_193 = arith.constant 0 : i32
        %dma_wait3A_194 = tpu.memref_slice %arg4[%dma_wait3A_193] : memref<163840xi32, #tpu.memory_space<hbm>> -> memref<128xi32, #tpu.memory_space<hbm>>
        tpu.wait_dma2 semaphore(%arg19 : memref<!tpu.dma_semaphore, #tpu.memory_space<semaphore_mem>>) src(%dma_wait3A_194 : memref<128xi32, #tpu.memory_space<hbm>>) dst(%arg13 : memref<128xi32, #tpu.memory_space<vmem>>)
        %dma_start3A_195 = arith.constant 0 : i32
        %dma_start3A_196 = arith.constant 0 : i32
        %dma_start3A_197 = tpu.memref_slice %arg2[%dma_start3A_195, %dma_start3A_196] : memref<10000x128xf32, #tpu.memory_space<hbm>> -> memref<10000x128xf32, #tpu.memory_space<hbm>>
        tpu.enqueue_indirect_dma source(%dma_start3A_197 : memref<10000x128xf32, #tpu.memory_space<hbm>>) target(%arg11 : memref<128x128xf32, #tpu.memory_space<vmem>>) offsets(%arg13 : memref<128xi32, #tpu.memory_space<vmem>>) semaphore(%arg15 : memref<!tpu.dma_semaphore, #tpu.memory_space<semaphore_mem>>)
      }
      %scan3A_84 = arith.constant 39 : i32
      %dma_wait3A_85 = arith.constant 0 : i32
      %dma_wait3A_86 = arith.constant 0 : i32
      %dma_wait3A_87 = tpu.memref_slice %arg2[%dma_wait3A_85, %dma_wait3A_86] : memref<10000x128xf32, #tpu.memory_space<hbm>> -> memref<128x128xf32, #tpu.memory_space<hbm>>
      %dma_wait3A_88 = arith.constant 0 : i32
      %dma_wait3A_89 = arith.constant 0 : i32
      %dma_wait3A_90 = tpu.memref_slice %arg2[%dma_wait3A_88, %dma_wait3A_89] : memref<10000x128xf32, #tpu.memory_space<hbm>> -> memref<128x128xf32, #tpu.memory_space<hbm>>
      tpu.wait_dma2 semaphore(%arg14 : memref<!tpu.dma_semaphore, #tpu.memory_space<semaphore_mem>>) src(%dma_wait3A_90 : memref<128x128xf32, #tpu.memory_space<hbm>>) dst(%arg10 : memref<128x128xf32, #tpu.memory_space<vmem>>)
      %dma_start3A_91 = arith.constant 78 : i32
      %dma_start3A_92 = arith.constant 0 : i32
      %dma_start3A_93 = tpu.memref_slice %arg9[%dma_start3A_91, %dma_start3A_92] : memref<80x128xi32, #tpu.memory_space<vmem>> -> memref<1x128xi32, #tpu.memory_space<vmem>>
      %dma_start3A_94 = tpu.memref_squeeze %dma_start3A_93 : memref<1x128xi32, #tpu.memory_space<vmem>> -> memref<128xi32, #tpu.memory_space<vmem>>
      %dma_start3A_95 = arith.constant 0 : i32
      %dma_start3A_96 = arith.constant 0 : i32
      %dma_start3A_97 = tpu.memref_slice %arg8[%dma_start3A_95, %dma_start3A_96] : memref<10112x128xf32, #tpu.memory_space<vmem_shared>> -> memref<10112x128xf32, #tpu.memory_space<vmem_shared>>
      tpu.enqueue_indirect_dma source(%arg10 : memref<128x128xf32, #tpu.memory_space<vmem>>) target(%dma_start3A_97 : memref<10112x128xf32, #tpu.memory_space<vmem_shared>>) offsets(%dma_start3A_94 : memref<128xi32, #tpu.memory_space<vmem>>) semaphore(%arg16 : memref<!tpu.dma_semaphore, #tpu.memory_space<semaphore_mem>>) {add = true}
      %dma_wait3A_98 = arith.constant 0 : i32
      %dma_wait3A_99 = arith.constant 0 : i32
      %dma_wait3A_100 = tpu.memref_slice %arg2[%dma_wait3A_98, %dma_wait3A_99] : memref<10000x128xf32, #tpu.memory_space<hbm>> -> memref<128x128xf32, #tpu.memory_space<hbm>>
      %dma_wait3A_101 = arith.constant 0 : i32
      %dma_wait3A_102 = arith.constant 0 : i32
      %dma_wait3A_103 = tpu.memref_slice %arg2[%dma_wait3A_101, %dma_wait3A_102] : memref<10000x128xf32, #tpu.memory_space<hbm>> -> memref<128x128xf32, #tpu.memory_space<hbm>>
      tpu.wait_dma2 semaphore(%arg15 : memref<!tpu.dma_semaphore, #tpu.memory_space<semaphore_mem>>) src(%dma_wait3A_103 : memref<128x128xf32, #tpu.memory_space<hbm>>) dst(%arg11 : memref<128x128xf32, #tpu.memory_space<vmem>>)
      %dma_start3A_104 = arith.constant 79 : i32
      %dma_start3A_105 = arith.constant 0 : i32
      %dma_start3A_106 = tpu.memref_slice %arg9[%dma_start3A_104, %dma_start3A_105] : memref<80x128xi32, #tpu.memory_space<vmem>> -> memref<1x128xi32, #tpu.memory_space<vmem>>
      %dma_start3A_107 = tpu.memref_squeeze %dma_start3A_106 : memref<1x128xi32, #tpu.memory_space<vmem>> -> memref<128xi32, #tpu.memory_space<vmem>>
      %dma_start3A_108 = arith.constant 0 : i32
      %dma_start3A_109 = arith.constant 0 : i32
      %dma_start3A_110 = tpu.memref_slice %arg8[%dma_start3A_108, %dma_start3A_109] : memref<10112x128xf32, #tpu.memory_space<vmem_shared>> -> memref<10112x128xf32, #tpu.memory_space<vmem_shared>>
      tpu.enqueue_indirect_dma source(%arg11 : memref<128x128xf32, #tpu.memory_space<vmem>>) target(%dma_start3A_110 : memref<10112x128xf32, #tpu.memory_space<vmem_shared>>) offsets(%dma_start3A_107 : memref<128xi32, #tpu.memory_space<vmem>>) semaphore(%arg17 : memref<!tpu.dma_semaphore, #tpu.memory_space<semaphore_mem>>) {add = true}
      %dma_wait3A_111 = arith.constant 0 : i32
      %dma_wait3A_112 = arith.constant 0 : i32
      %dma_wait3A_113 = tpu.memref_slice %arg2[%dma_wait3A_111, %dma_wait3A_112] : memref<10000x128xf32, #tpu.memory_space<hbm>> -> memref<128x128xf32, #tpu.memory_space<hbm>>
      %dma_wait3A_114 = arith.constant 0 : i32
      %dma_wait3A_115 = arith.constant 0 : i32
      %dma_wait3A_116 = tpu.memref_slice %arg2[%dma_wait3A_114, %dma_wait3A_115] : memref<10000x128xf32, #tpu.memory_space<hbm>> -> memref<128x128xf32, #tpu.memory_space<hbm>>
      tpu.wait_dma2 semaphore(%arg16 : memref<!tpu.dma_semaphore, #tpu.memory_space<semaphore_mem>>) src(%dma_wait3A_116 : memref<128x128xf32, #tpu.memory_space<hbm>>) dst(%arg10 : memref<128x128xf32, #tpu.memory_space<vmem>>)
      %dma_wait3A_117 = arith.constant 0 : i32
      %dma_wait3A_118 = arith.constant 0 : i32
      %dma_wait3A_119 = tpu.memref_slice %arg2[%dma_wait3A_117, %dma_wait3A_118] : memref<10000x128xf32, #tpu.memory_space<hbm>> -> memref<128x128xf32, #tpu.memory_space<hbm>>
      %dma_wait3A_120 = arith.constant 0 : i32
      %dma_wait3A_121 = arith.constant 0 : i32
      %dma_wait3A_122 = tpu.memref_slice %arg2[%dma_wait3A_120, %dma_wait3A_121] : memref<10000x128xf32, #tpu.memory_space<hbm>> -> memref<128x128xf32, #tpu.memory_space<hbm>>
      tpu.wait_dma2 semaphore(%arg17 : memref<!tpu.dma_semaphore, #tpu.memory_space<semaphore_mem>>) src(%dma_wait3A_122 : memref<128x128xf32, #tpu.memory_space<hbm>>) dst(%arg11 : memref<128x128xf32, #tpu.memory_space<vmem>>)
    } else {
    }
    %eq3A_21 = arith.constant 1 : i32
    %eq3A_22 = arith.cmpi eq, %arg0, %eq3A_21 : i32
    %convert_element_type3A_23 = arith.extui %eq3A_22 : i1 to i32
    %cond3A_24 = arith.constant 0 : i32
    %cond3A_25 = arith.cmpi ne, %convert_element_type3A_23, %cond3A_24 : i32
    scf.if %cond3A_25 {
      %add3A_59 = arith.constant 0 : i32
      %add3A_60 = arith.addi %mul3A_18, %add3A_59 : i32
      %dma_start3A = tpu.memref_slice %arg4[%add3A_60] : memref<163840xi32, #tpu.memory_space<hbm>> -> memref<128xi32, #tpu.memory_space<hbm>>
      %dma_start3A_61 = tpu.memref_slice %arg4[%add3A_60] : memref<163840xi32, #tpu.memory_space<hbm>> -> memref<128xi32, #tpu.memory_space<hbm>>
      tpu.enqueue_dma source(%dma_start3A_61 : memref<128xi32, #tpu.memory_space<hbm>>) target(%arg12 : memref<128xi32, #tpu.memory_space<vmem>>) target_semaphore(%arg18 : memref<!tpu.dma_semaphore, #tpu.memory_space<semaphore_mem>>)
      %add3A_62 = arith.constant 128 : i32
      %add3A_63 = arith.addi %mul3A_18, %add3A_62 : i32
      %dma_start3A_64 = tpu.memref_slice %arg4[%add3A_63] : memref<163840xi32, #tpu.memory_space<hbm>> -> memref<128xi32, #tpu.memory_space<hbm>>
      %dma_start3A_65 = tpu.memref_slice %arg4[%add3A_63] : memref<163840xi32, #tpu.memory_space<hbm>> -> memref<128xi32, #tpu.memory_space<hbm>>
      tpu.enqueue_dma source(%dma_start3A_65 : memref<128xi32, #tpu.memory_space<hbm>>) target(%arg13 : memref<128xi32, #tpu.memory_space<vmem>>) target_semaphore(%arg19 : memref<!tpu.dma_semaphore, #tpu.memory_space<semaphore_mem>>)
      %dma_wait3A = arith.constant 0 : i32
      %dma_wait3A_66 = tpu.memref_slice %arg4[%dma_wait3A] : memref<163840xi32, #tpu.memory_space<hbm>> -> memref<128xi32, #tpu.memory_space<hbm>>
      %dma_wait3A_67 = arith.constant 0 : i32
      %dma_wait3A_68 = tpu.memref_slice %arg4[%dma_wait3A_67] : memref<163840xi32, #tpu.memory_space<hbm>> -> memref<128xi32, #tpu.memory_space<hbm>>
      tpu.wait_dma2 semaphore(%arg18 : memref<!tpu.dma_semaphore, #tpu.memory_space<semaphore_mem>>) src(%dma_wait3A_68 : memref<128xi32, #tpu.memory_space<hbm>>) dst(%arg12 : memref<128xi32, #tpu.memory_space<vmem>>)
      %dma_start3A_69 = arith.constant 0 : i32
      %dma_start3A_70 = arith.constant 0 : i32
      %dma_start3A_71 = tpu.memref_slice %arg3[%dma_start3A_69, %dma_start3A_70] : memref<10000x128xf32, #tpu.memory_space<hbm>> -> memref<10000x128xf32, #tpu.memory_space<hbm>>
      tpu.enqueue_indirect_dma source(%dma_start3A_71 : memref<10000x128xf32, #tpu.memory_space<hbm>>) target(%arg10 : memref<128x128xf32, #tpu.memory_space<vmem>>) offsets(%arg12 : memref<128xi32, #tpu.memory_space<vmem>>) semaphore(%arg14 : memref<!tpu.dma_semaphore, #tpu.memory_space<semaphore_mem>>)
      %dma_wait3A_72 = arith.constant 0 : i32
      %dma_wait3A_73 = tpu.memref_slice %arg4[%dma_wait3A_72] : memref<163840xi32, #tpu.memory_space<hbm>> -> memref<128xi32, #tpu.memory_space<hbm>>
      %dma_wait3A_74 = arith.constant 0 : i32
      %dma_wait3A_75 = tpu.memref_slice %arg4[%dma_wait3A_74] : memref<163840xi32, #tpu.memory_space<hbm>> -> memref<128xi32, #tpu.memory_space<hbm>>
      tpu.wait_dma2 semaphore(%arg19 : memref<!tpu.dma_semaphore, #tpu.memory_space<semaphore_mem>>) src(%dma_wait3A_75 : memref<128xi32, #tpu.memory_space<hbm>>) dst(%arg13 : memref<128xi32, #tpu.memory_space<vmem>>)
      %dma_start3A_76 = arith.constant 0 : i32
      %dma_start3A_77 = arith.constant 0 : i32
      %dma_start3A_78 = tpu.memref_slice %arg3[%dma_start3A_76, %dma_start3A_77] : memref<10000x128xf32, #tpu.memory_space<hbm>> -> memref<10000x128xf32, #tpu.memory_space<hbm>>
      tpu.enqueue_indirect_dma source(%dma_start3A_78 : memref<10000x128xf32, #tpu.memory_space<hbm>>) target(%arg11 : memref<128x128xf32, #tpu.memory_space<vmem>>) offsets(%arg13 : memref<128xi32, #tpu.memory_space<vmem>>) semaphore(%arg15 : memref<!tpu.dma_semaphore, #tpu.memory_space<semaphore_mem>>)
      %scan3A_79 = arith.constant 0 : i32
      %scan3A_80 = arith.constant 0 : i32
      %scan3A_81 = arith.constant 39 : i32
      %scan3A_82 = arith.addi %scan3A_80, %scan3A_81 : i32
      %scan3A_83 = arith.constant 1 : i32
      scf.for %scan3A_123 = %scan3A_80 to %scan3A_82 step %scan3A_83  : i32 {
        %mul3A_124 = arith.constant 2 : i32
        %mul3A_125 = arith.muli %scan3A_123, %mul3A_124 : i32
        %dma_wait3A_126 = arith.constant 0 : i32
        %dma_wait3A_127 = arith.constant 0 : i32
        %dma_wait3A_128 = tpu.memref_slice %arg3[%dma_wait3A_126, %dma_wait3A_127] : memref<10000x128xf32, #tpu.memory_space<hbm>> -> memref<128x128xf32, #tpu.memory_space<hbm>>
        %dma_wait3A_129 = arith.constant 0 : i32
        %dma_wait3A_130 = arith.constant 0 : i32
        %dma_wait3A_131 = tpu.memref_slice %arg3[%dma_wait3A_129, %dma_wait3A_130] : memref<10000x128xf32, #tpu.memory_space<hbm>> -> memref<128x128xf32, #tpu.memory_space<hbm>>
        tpu.wait_dma2 semaphore(%arg14 : memref<!tpu.dma_semaphore, #tpu.memory_space<semaphore_mem>>) src(%dma_wait3A_131 : memref<128x128xf32, #tpu.memory_space<hbm>>) dst(%arg10 : memref<128x128xf32, #tpu.memory_space<vmem>>)
        %add3A_132 = arith.constant 2 : i32
        %add3A_133 = arith.addi %mul3A_125, %add3A_132 : i32
        %add3A_134 = arith.constant 0 : i32
        %add3A_135 = arith.addi %add3A_133, %add3A_134 : i32
        %mul3A_136 = arith.constant 128 : i32
        %mul3A_137 = arith.muli %add3A_135, %mul3A_136 : i32
        %add3A_138 = arith.addi %mul3A_18, %mul3A_137 : i32
        %dma_start3A_139 = tpu.memref_slice %arg4[%add3A_138] : memref<163840xi32, #tpu.memory_space<hbm>> -> memref<128xi32, #tpu.memory_space<hbm>>
        %dma_start3A_140 = tpu.memref_slice %arg4[%add3A_138] : memref<163840xi32, #tpu.memory_space<hbm>> -> memref<128xi32, #tpu.memory_space<hbm>>
        tpu.enqueue_dma source(%dma_start3A_140 : memref<128xi32, #tpu.memory_space<hbm>>) target(%arg12 : memref<128xi32, #tpu.memory_space<vmem>>) target_semaphore(%arg18 : memref<!tpu.dma_semaphore, #tpu.memory_space<semaphore_mem>>)
        %add3A_141 = arith.constant 0 : i32
        %add3A_142 = arith.addi %mul3A_125, %add3A_141 : i32
        %dma_start3A_143 = arith.constant 0 : i32
        %dma_start3A_144 = tpu.memref_slice %arg9[%add3A_142, %dma_start3A_143] : memref<80x128xi32, #tpu.memory_space<vmem>> -> memref<1x128xi32, #tpu.memory_space<vmem>>
        %dma_start3A_145 = tpu.memref_squeeze %dma_start3A_144 : memref<1x128xi32, #tpu.memory_space<vmem>> -> memref<128xi32, #tpu.memory_space<vmem>>
        %dma_start3A_146 = arith.constant 0 : i32
        %dma_start3A_147 = arith.constant 0 : i32
        %dma_start3A_148 = tpu.memref_slice %arg8[%dma_start3A_146, %dma_start3A_147] : memref<10112x128xf32, #tpu.memory_space<vmem_shared>> -> memref<10112x128xf32, #tpu.memory_space<vmem_shared>>
        tpu.enqueue_indirect_dma source(%arg10 : memref<128x128xf32, #tpu.memory_space<vmem>>) target(%dma_start3A_148 : memref<10112x128xf32, #tpu.memory_space<vmem_shared>>) offsets(%dma_start3A_145 : memref<128xi32, #tpu.memory_space<vmem>>) semaphore(%arg16 : memref<!tpu.dma_semaphore, #tpu.memory_space<semaphore_mem>>) {add = true}
        %dma_wait3A_149 = arith.constant 0 : i32
        %dma_wait3A_150 = arith.constant 0 : i32
        %dma_wait3A_151 = tpu.memref_slice %arg3[%dma_wait3A_149, %dma_wait3A_150] : memref<10000x128xf32, #tpu.memory_space<hbm>> -> memref<128x128xf32, #tpu.memory_space<hbm>>
        %dma_wait3A_152 = arith.constant 0 : i32
        %dma_wait3A_153 = arith.constant 0 : i32
        %dma_wait3A_154 = tpu.memref_slice %arg3[%dma_wait3A_152, %dma_wait3A_153] : memref<10000x128xf32, #tpu.memory_space<hbm>> -> memref<128x128xf32, #tpu.memory_space<hbm>>
        tpu.wait_dma2 semaphore(%arg15 : memref<!tpu.dma_semaphore, #tpu.memory_space<semaphore_mem>>) src(%dma_wait3A_154 : memref<128x128xf32, #tpu.memory_space<hbm>>) dst(%arg11 : memref<128x128xf32, #tpu.memory_space<vmem>>)
        %add3A_155 = arith.constant 2 : i32
        %add3A_156 = arith.addi %mul3A_125, %add3A_155 : i32
        %add3A_157 = arith.constant 1 : i32
        %add3A_158 = arith.addi %add3A_156, %add3A_157 : i32
        %mul3A_159 = arith.constant 128 : i32
        %mul3A_160 = arith.muli %add3A_158, %mul3A_159 : i32
        %add3A_161 = arith.addi %mul3A_18, %mul3A_160 : i32
        %dma_start3A_162 = tpu.memref_slice %arg4[%add3A_161] : memref<163840xi32, #tpu.memory_space<hbm>> -> memref<128xi32, #tpu.memory_space<hbm>>
        %dma_start3A_163 = tpu.memref_slice %arg4[%add3A_161] : memref<163840xi32, #tpu.memory_space<hbm>> -> memref<128xi32, #tpu.memory_space<hbm>>
        tpu.enqueue_dma source(%dma_start3A_163 : memref<128xi32, #tpu.memory_space<hbm>>) target(%arg13 : memref<128xi32, #tpu.memory_space<vmem>>) target_semaphore(%arg19 : memref<!tpu.dma_semaphore, #tpu.memory_space<semaphore_mem>>)
        %add3A_164 = arith.constant 1 : i32
        %add3A_165 = arith.addi %mul3A_125, %add3A_164 : i32
        %dma_start3A_166 = arith.constant 0 : i32
        %dma_start3A_167 = tpu.memref_slice %arg9[%add3A_165, %dma_start3A_166] : memref<80x128xi32, #tpu.memory_space<vmem>> -> memref<1x128xi32, #tpu.memory_space<vmem>>
        %dma_start3A_168 = tpu.memref_squeeze %dma_start3A_167 : memref<1x128xi32, #tpu.memory_space<vmem>> -> memref<128xi32, #tpu.memory_space<vmem>>
        %dma_start3A_169 = arith.constant 0 : i32
        %dma_start3A_170 = arith.constant 0 : i32
        %dma_start3A_171 = tpu.memref_slice %arg8[%dma_start3A_169, %dma_start3A_170] : memref<10112x128xf32, #tpu.memory_space<vmem_shared>> -> memref<10112x128xf32, #tpu.memory_space<vmem_shared>>
        tpu.enqueue_indirect_dma source(%arg11 : memref<128x128xf32, #tpu.memory_space<vmem>>) target(%dma_start3A_171 : memref<10112x128xf32, #tpu.memory_space<vmem_shared>>) offsets(%dma_start3A_168 : memref<128xi32, #tpu.memory_space<vmem>>) semaphore(%arg17 : memref<!tpu.dma_semaphore, #tpu.memory_space<semaphore_mem>>) {add = true}
        %dma_wait3A_172 = arith.constant 0 : i32
        %dma_wait3A_173 = arith.constant 0 : i32
        %dma_wait3A_174 = tpu.memref_slice %arg3[%dma_wait3A_172, %dma_wait3A_173] : memref<10000x128xf32, #tpu.memory_space<hbm>> -> memref<128x128xf32, #tpu.memory_space<hbm>>
        %dma_wait3A_175 = arith.constant 0 : i32
        %dma_wait3A_176 = arith.constant 0 : i32
        %dma_wait3A_177 = tpu.memref_slice %arg3[%dma_wait3A_175, %dma_wait3A_176] : memref<10000x128xf32, #tpu.memory_space<hbm>> -> memref<128x128xf32, #tpu.memory_space<hbm>>
        tpu.wait_dma2 semaphore(%arg16 : memref<!tpu.dma_semaphore, #tpu.memory_space<semaphore_mem>>) src(%dma_wait3A_177 : memref<128x128xf32, #tpu.memory_space<hbm>>) dst(%arg10 : memref<128x128xf32, #tpu.memory_space<vmem>>)
        %dma_wait3A_178 = arith.constant 0 : i32
        %dma_wait3A_179 = tpu.memref_slice %arg4[%dma_wait3A_178] : memref<163840xi32, #tpu.memory_space<hbm>> -> memref<128xi32, #tpu.memory_space<hbm>>
        %dma_wait3A_180 = arith.constant 0 : i32
        %dma_wait3A_181 = tpu.memref_slice %arg4[%dma_wait3A_180] : memref<163840xi32, #tpu.memory_space<hbm>> -> memref<128xi32, #tpu.memory_space<hbm>>
        tpu.wait_dma2 semaphore(%arg18 : memref<!tpu.dma_semaphore, #tpu.memory_space<semaphore_mem>>) src(%dma_wait3A_181 : memref<128xi32, #tpu.memory_space<hbm>>) dst(%arg12 : memref<128xi32, #tpu.memory_space<vmem>>)
        %dma_start3A_182 = arith.constant 0 : i32
        %dma_start3A_183 = arith.constant 0 : i32
        %dma_start3A_184 = tpu.memref_slice %arg3[%dma_start3A_182, %dma_start3A_183] : memref<10000x128xf32, #tpu.memory_space<hbm>> -> memref<10000x128xf32, #tpu.memory_space<hbm>>
        tpu.enqueue_indirect_dma source(%dma_start3A_184 : memref<10000x128xf32, #tpu.memory_space<hbm>>) target(%arg10 : memref<128x128xf32, #tpu.memory_space<vmem>>) offsets(%arg12 : memref<128xi32, #tpu.memory_space<vmem>>) semaphore(%arg14 : memref<!tpu.dma_semaphore, #tpu.memory_space<semaphore_mem>>)
        %dma_wait3A_185 = arith.constant 0 : i32
        %dma_wait3A_186 = arith.constant 0 : i32
        %dma_wait3A_187 = tpu.memref_slice %arg3[%dma_wait3A_185, %dma_wait3A_186] : memref<10000x128xf32, #tpu.memory_space<hbm>> -> memref<128x128xf32, #tpu.memory_space<hbm>>
        %dma_wait3A_188 = arith.constant 0 : i32
        %dma_wait3A_189 = arith.constant 0 : i32
        %dma_wait3A_190 = tpu.memref_slice %arg3[%dma_wait3A_188, %dma_wait3A_189] : memref<10000x128xf32, #tpu.memory_space<hbm>> -> memref<128x128xf32, #tpu.memory_space<hbm>>
        tpu.wait_dma2 semaphore(%arg17 : memref<!tpu.dma_semaphore, #tpu.memory_space<semaphore_mem>>) src(%dma_wait3A_190 : memref<128x128xf32, #tpu.memory_space<hbm>>) dst(%arg11 : memref<128x128xf32, #tpu.memory_space<vmem>>)
        %dma_wait3A_191 = arith.constant 0 : i32
        %dma_wait3A_192 = tpu.memref_slice %arg4[%dma_wait3A_191] : memref<163840xi32, #tpu.memory_space<hbm>> -> memref<128xi32, #tpu.memory_space<hbm>>
        %dma_wait3A_193 = arith.constant 0 : i32
        %dma_wait3A_194 = tpu.memref_slice %arg4[%dma_wait3A_193] : memref<163840xi32, #tpu.memory_space<hbm>> -> memref<128xi32, #tpu.memory_space<hbm>>
        tpu.wait_dma2 semaphore(%arg19 : memref<!tpu.dma_semaphore, #tpu.memory_space<semaphore_mem>>) src(%dma_wait3A_194 : memref<128xi32, #tpu.memory_space<hbm>>) dst(%arg13 : memref<128xi32, #tpu.memory_space<vmem>>)
        %dma_start3A_195 = arith.constant 0 : i32
        %dma_start3A_196 = arith.constant 0 : i32
        %dma_start3A_197 = tpu.memref_slice %arg3[%dma_start3A_195, %dma_start3A_196] : memref<10000x128xf32, #tpu.memory_space<hbm>> -> memref<10000x128xf32, #tpu.memory_space<hbm>>
        tpu.enqueue_indirect_dma source(%dma_start3A_197 : memref<10000x128xf32, #tpu.memory_space<hbm>>) target(%arg11 : memref<128x128xf32, #tpu.memory_space<vmem>>) offsets(%arg13 : memref<128xi32, #tpu.memory_space<vmem>>) semaphore(%arg15 : memref<!tpu.dma_semaphore, #tpu.memory_space<semaphore_mem>>)
      }
      %scan3A_84 = arith.constant 39 : i32
      %dma_wait3A_85 = arith.constant 0 : i32
      %dma_wait3A_86 = arith.constant 0 : i32
      %dma_wait3A_87 = tpu.memref_slice %arg3[%dma_wait3A_85, %dma_wait3A_86] : memref<10000x128xf32, #tpu.memory_space<hbm>> -> memref<128x128xf32, #tpu.memory_space<hbm>>
      %dma_wait3A_88 = arith.constant 0 : i32
      %dma_wait3A_89 = arith.constant 0 : i32
      %dma_wait3A_90 = tpu.memref_slice %arg3[%dma_wait3A_88, %dma_wait3A_89] : memref<10000x128xf32, #tpu.memory_space<hbm>> -> memref<128x128xf32, #tpu.memory_space<hbm>>
      tpu.wait_dma2 semaphore(%arg14 : memref<!tpu.dma_semaphore, #tpu.memory_space<semaphore_mem>>) src(%dma_wait3A_90 : memref<128x128xf32, #tpu.memory_space<hbm>>) dst(%arg10 : memref<128x128xf32, #tpu.memory_space<vmem>>)
      %dma_start3A_91 = arith.constant 78 : i32
      %dma_start3A_92 = arith.constant 0 : i32
      %dma_start3A_93 = tpu.memref_slice %arg9[%dma_start3A_91, %dma_start3A_92] : memref<80x128xi32, #tpu.memory_space<vmem>> -> memref<1x128xi32, #tpu.memory_space<vmem>>
      %dma_start3A_94 = tpu.memref_squeeze %dma_start3A_93 : memref<1x128xi32, #tpu.memory_space<vmem>> -> memref<128xi32, #tpu.memory_space<vmem>>
      %dma_start3A_95 = arith.constant 0 : i32
      %dma_start3A_96 = arith.constant 0 : i32
      %dma_start3A_97 = tpu.memref_slice %arg8[%dma_start3A_95, %dma_start3A_96] : memref<10112x128xf32, #tpu.memory_space<vmem_shared>> -> memref<10112x128xf32, #tpu.memory_space<vmem_shared>>
      tpu.enqueue_indirect_dma source(%arg10 : memref<128x128xf32, #tpu.memory_space<vmem>>) target(%dma_start3A_97 : memref<10112x128xf32, #tpu.memory_space<vmem_shared>>) offsets(%dma_start3A_94 : memref<128xi32, #tpu.memory_space<vmem>>) semaphore(%arg16 : memref<!tpu.dma_semaphore, #tpu.memory_space<semaphore_mem>>) {add = true}
      %dma_wait3A_98 = arith.constant 0 : i32
      %dma_wait3A_99 = arith.constant 0 : i32
      %dma_wait3A_100 = tpu.memref_slice %arg3[%dma_wait3A_98, %dma_wait3A_99] : memref<10000x128xf32, #tpu.memory_space<hbm>> -> memref<128x128xf32, #tpu.memory_space<hbm>>
      %dma_wait3A_101 = arith.constant 0 : i32
      %dma_wait3A_102 = arith.constant 0 : i32
      %dma_wait3A_103 = tpu.memref_slice %arg3[%dma_wait3A_101, %dma_wait3A_102] : memref<10000x128xf32, #tpu.memory_space<hbm>> -> memref<128x128xf32, #tpu.memory_space<hbm>>
      tpu.wait_dma2 semaphore(%arg15 : memref<!tpu.dma_semaphore, #tpu.memory_space<semaphore_mem>>) src(%dma_wait3A_103 : memref<128x128xf32, #tpu.memory_space<hbm>>) dst(%arg11 : memref<128x128xf32, #tpu.memory_space<vmem>>)
      %dma_start3A_104 = arith.constant 79 : i32
      %dma_start3A_105 = arith.constant 0 : i32
      %dma_start3A_106 = tpu.memref_slice %arg9[%dma_start3A_104, %dma_start3A_105] : memref<80x128xi32, #tpu.memory_space<vmem>> -> memref<1x128xi32, #tpu.memory_space<vmem>>
      %dma_start3A_107 = tpu.memref_squeeze %dma_start3A_106 : memref<1x128xi32, #tpu.memory_space<vmem>> -> memref<128xi32, #tpu.memory_space<vmem>>
      %dma_start3A_108 = arith.constant 0 : i32
      %dma_start3A_109 = arith.constant 0 : i32
      %dma_start3A_110 = tpu.memref_slice %arg8[%dma_start3A_108, %dma_start3A_109] : memref<10112x128xf32, #tpu.memory_space<vmem_shared>> -> memref<10112x128xf32, #tpu.memory_space<vmem_shared>>
      tpu.enqueue_indirect_dma source(%arg11 : memref<128x128xf32, #tpu.memory_space<vmem>>) target(%dma_start3A_110 : memref<10112x128xf32, #tpu.memory_space<vmem_shared>>) offsets(%dma_start3A_107 : memref<128xi32, #tpu.memory_space<vmem>>) semaphore(%arg17 : memref<!tpu.dma_semaphore, #tpu.memory_space<semaphore_mem>>) {add = true}
      %dma_wait3A_111 = arith.constant 0 : i32
      %dma_wait3A_112 = arith.constant 0 : i32
      %dma_wait3A_113 = tpu.memref_slice %arg3[%dma_wait3A_111, %dma_wait3A_112] : memref<10000x128xf32, #tpu.memory_space<hbm>> -> memref<128x128xf32, #tpu.memory_space<hbm>>
      %dma_wait3A_114 = arith.constant 0 : i32
      %dma_wait3A_115 = arith.constant 0 : i32
      %dma_wait3A_116 = tpu.memref_slice %arg3[%dma_wait3A_114, %dma_wait3A_115] : memref<10000x128xf32, #tpu.memory_space<hbm>> -> memref<128x128xf32, #tpu.memory_space<hbm>>
      tpu.wait_dma2 semaphore(%arg16 : memref<!tpu.dma_semaphore, #tpu.memory_space<semaphore_mem>>) src(%dma_wait3A_116 : memref<128x128xf32, #tpu.memory_space<hbm>>) dst(%arg10 : memref<128x128xf32, #tpu.memory_space<vmem>>)
      %dma_wait3A_117 = arith.constant 0 : i32
      %dma_wait3A_118 = arith.constant 0 : i32
      %dma_wait3A_119 = tpu.memref_slice %arg3[%dma_wait3A_117, %dma_wait3A_118] : memref<10000x128xf32, #tpu.memory_space<hbm>> -> memref<128x128xf32, #tpu.memory_space<hbm>>
      %dma_wait3A_120 = arith.constant 0 : i32
      %dma_wait3A_121 = arith.constant 0 : i32
      %dma_wait3A_122 = tpu.memref_slice %arg3[%dma_wait3A_120, %dma_wait3A_121] : memref<10000x128xf32, #tpu.memory_space<hbm>> -> memref<128x128xf32, #tpu.memory_space<hbm>>
      tpu.wait_dma2 semaphore(%arg17 : memref<!tpu.dma_semaphore, #tpu.memory_space<semaphore_mem>>) src(%dma_wait3A_122 : memref<128x128xf32, #tpu.memory_space<hbm>>) dst(%arg11 : memref<128x128xf32, #tpu.memory_space<vmem>>)
    } else {
    }
    %barrier3A_26 = arith.constant 0 : index
    tpu.barrier barrier_id(%barrier3A_26)
    %mul3A_27 = arith.constant 632 : i32
    %mul3A_28 = arith.muli %arg1, %mul3A_27 : i32
    %eq3A_29 = arith.constant 0 : i32
    %eq3A_30 = arith.cmpi eq, %arg0, %eq3A_29 : i32
    %lt3A = arith.constant 15 : i32
    %lt3A_31 = arith.cmpi slt, %arg1, %lt3A : i32
    %and3A = arith.andi %eq3A_30, %lt3A_31 : i1
    %convert_element_type3A_32 = arith.extui %and3A : i1 to i32
    %cond3A_33 = arith.constant 0 : i32
    %cond3A_34 = arith.cmpi ne, %convert_element_type3A_32, %cond3A_33 : i32
    scf.if %cond3A_34 {
      "tpu.region"() ({
        %run_scoped3A = tpu.sem_alloc : memref<!tpu.dma_semaphore, #tpu.memory_space<semaphore_mem>>
        %dma_start3A = arith.constant 0 : i32
        %dma_start3A_59 = tpu.memref_slice %arg6[%mul3A_28, %dma_start3A] : memref<10000x128xf32, #tpu.memory_space<hbm>> -> memref<632x128xf32, #tpu.memory_space<hbm>>
        %dma_start3A_60 = arith.constant 0 : i32
        %dma_start3A_61 = tpu.memref_slice %arg8[%mul3A_28, %dma_start3A_60] : memref<10112x128xf32, #tpu.memory_space<vmem_shared>> -> memref<632x128xf32, #tpu.memory_space<vmem_shared>>
        tpu.enqueue_dma source(%dma_start3A_61 : memref<632x128xf32, #tpu.memory_space<vmem_shared>>) target(%dma_start3A_59 : memref<632x128xf32, #tpu.memory_space<hbm>>) target_semaphore(%run_scoped3A : memref<!tpu.dma_semaphore, #tpu.memory_space<semaphore_mem>>)
        %dma_wait3A = arith.constant 0 : i32
        %dma_wait3A_62 = tpu.memref_slice %arg6[%mul3A_28, %dma_wait3A] : memref<10000x128xf32, #tpu.memory_space<hbm>> -> memref<632x128xf32, #tpu.memory_space<hbm>>
        %dma_wait3A_63 = arith.constant 0 : i32
        %dma_wait3A_64 = tpu.memref_slice %arg8[%mul3A_28, %dma_wait3A_63] : memref<10112x128xf32, #tpu.memory_space<vmem_shared>> -> memref<632x128xf32, #tpu.memory_space<vmem_shared>>
        tpu.wait_dma2 semaphore(%run_scoped3A : memref<!tpu.dma_semaphore, #tpu.memory_space<semaphore_mem>>) src(%dma_wait3A_64 : memref<632x128xf32, #tpu.memory_space<vmem_shared>>) dst(%dma_wait3A_62 : memref<632x128xf32, #tpu.memory_space<hbm>>)
        tpu.yield
      }) : () -> ()
    } else {
    }
    %eq3A_35 = arith.constant 0 : i32
    %eq3A_36 = arith.cmpi eq, %arg0, %eq3A_35 : i32
    %eq3A_37 = arith.constant 15 : i32
    %eq3A_38 = arith.cmpi eq, %arg1, %eq3A_37 : i32
    %and3A_39 = arith.andi %eq3A_36, %eq3A_38 : i1
    %convert_element_type3A_40 = arith.extui %and3A_39 : i1 to i32
    %cond3A_41 = arith.constant 0 : i32
    %cond3A_42 = arith.cmpi ne, %convert_element_type3A_40, %cond3A_41 : i32
    scf.if %cond3A_42 {
      "tpu.region"() ({
        %run_scoped3A = tpu.sem_alloc : memref<!tpu.dma_semaphore, #tpu.memory_space<semaphore_mem>>
        %dma_start3A = arith.constant 9480 : i32
        %dma_start3A_59 = arith.constant 0 : i32
        %dma_start3A_60 = tpu.memref_slice %arg6[%dma_start3A, %dma_start3A_59] : memref<10000x128xf32, #tpu.memory_space<hbm>> -> memref<520x128xf32, #tpu.memory_space<hbm>>
        %dma_start3A_61 = arith.constant 9480 : i32
        %dma_start3A_62 = arith.constant 0 : i32
        %dma_start3A_63 = tpu.memref_slice %arg8[%dma_start3A_61, %dma_start3A_62] : memref<10112x128xf32, #tpu.memory_space<vmem_shared>> -> memref<520x128xf32, #tpu.memory_space<vmem_shared>>
        tpu.enqueue_dma source(%dma_start3A_63 : memref<520x128xf32, #tpu.memory_space<vmem_shared>>) target(%dma_start3A_60 : memref<520x128xf32, #tpu.memory_space<hbm>>) target_semaphore(%run_scoped3A : memref<!tpu.dma_semaphore, #tpu.memory_space<semaphore_mem>>)
        %dma_wait3A = arith.constant 9480 : i32
        %dma_wait3A_64 = arith.constant 0 : i32
        %dma_wait3A_65 = tpu.memref_slice %arg6[%dma_wait3A, %dma_wait3A_64] : memref<10000x128xf32, #tpu.memory_space<hbm>> -> memref<520x128xf32, #tpu.memory_space<hbm>>
        %dma_wait3A_66 = arith.constant 9480 : i32
        %dma_wait3A_67 = arith.constant 0 : i32
        %dma_wait3A_68 = tpu.memref_slice %arg8[%dma_wait3A_66, %dma_wait3A_67] : memref<10112x128xf32, #tpu.memory_space<vmem_shared>> -> memref<520x128xf32, #tpu.memory_space<vmem_shared>>
        tpu.wait_dma2 semaphore(%run_scoped3A : memref<!tpu.dma_semaphore, #tpu.memory_space<semaphore_mem>>) src(%dma_wait3A_68 : memref<520x128xf32, #tpu.memory_space<vmem_shared>>) dst(%dma_wait3A_65 : memref<520x128xf32, #tpu.memory_space<hbm>>)
        tpu.yield
      }) : () -> ()
    } else {
    }
    %eq3A_43 = arith.constant 1 : i32
    %eq3A_44 = arith.cmpi eq, %arg0, %eq3A_43 : i32
    %lt3A_45 = arith.constant 15 : i32
    %lt3A_46 = arith.cmpi slt, %arg1, %lt3A_45 : i32
    %and3A_47 = arith.andi %eq3A_44, %lt3A_46 : i1
    %convert_element_type3A_48 = arith.extui %and3A_47 : i1 to i32
    %cond3A_49 = arith.constant 0 : i32
    %cond3A_50 = arith.cmpi ne, %convert_element_type3A_48, %cond3A_49 : i32
    scf.if %cond3A_50 {
      "tpu.region"() ({
        %run_scoped3A = tpu.sem_alloc : memref<!tpu.dma_semaphore, #tpu.memory_space<semaphore_mem>>
        %dma_start3A = arith.constant 0 : i32
        %dma_start3A_59 = tpu.memref_slice %arg7[%mul3A_28, %dma_start3A] : memref<10000x128xf32, #tpu.memory_space<hbm>> -> memref<632x128xf32, #tpu.memory_space<hbm>>
        %dma_start3A_60 = arith.constant 0 : i32
        %dma_start3A_61 = tpu.memref_slice %arg8[%mul3A_28, %dma_start3A_60] : memref<10112x128xf32, #tpu.memory_space<vmem_shared>> -> memref<632x128xf32, #tpu.memory_space<vmem_shared>>
        tpu.enqueue_dma source(%dma_start3A_61 : memref<632x128xf32, #tpu.memory_space<vmem_shared>>) target(%dma_start3A_59 : memref<632x128xf32, #tpu.memory_space<hbm>>) target_semaphore(%run_scoped3A : memref<!tpu.dma_semaphore, #tpu.memory_space<semaphore_mem>>)
        %dma_wait3A = arith.constant 0 : i32
        %dma_wait3A_62 = tpu.memref_slice %arg7[%mul3A_28, %dma_wait3A] : memref<10000x128xf32, #tpu.memory_space<hbm>> -> memref<632x128xf32, #tpu.memory_space<hbm>>
        %dma_wait3A_63 = arith.constant 0 : i32
        %dma_wait3A_64 = tpu.memref_slice %arg8[%mul3A_28, %dma_wait3A_63] : memref<10112x128xf32, #tpu.memory_space<vmem_shared>> -> memref<632x128xf32, #tpu.memory_space<vmem_shared>>
        tpu.wait_dma2 semaphore(%run_scoped3A : memref<!tpu.dma_semaphore, #tpu.memory_space<semaphore_mem>>) src(%dma_wait3A_64 : memref<632x128xf32, #tpu.memory_space<vmem_shared>>) dst(%dma_wait3A_62 : memref<632x128xf32, #tpu.memory_space<hbm>>)
        tpu.yield
      }) : () -> ()
    } else {
    }
    %eq3A_51 = arith.constant 1 : i32
    %eq3A_52 = arith.cmpi eq, %arg0, %eq3A_51 : i32
    %eq3A_53 = arith.constant 15 : i32
    %eq3A_54 = arith.cmpi eq, %arg1, %eq3A_53 : i32
    %and3A_55 = arith.andi %eq3A_52, %eq3A_54 : i1
    %convert_element_type3A_56 = arith.extui %and3A_55 : i1 to i32
    %cond3A_57 = arith.constant 0 : i32
    %cond3A_58 = arith.cmpi ne, %convert_element_type3A_56, %cond3A_57 : i32
    scf.if %cond3A_58 {
      "tpu.region"() ({
        %run_scoped3A = tpu.sem_alloc : memref<!tpu.dma_semaphore, #tpu.memory_space<semaphore_mem>>
        %dma_start3A = arith.constant 9480 : i32
        %dma_start3A_59 = arith.constant 0 : i32
        %dma_start3A_60 = tpu.memref_slice %arg7[%dma_start3A, %dma_start3A_59] : memref<10000x128xf32, #tpu.memory_space<hbm>> -> memref<520x128xf32, #tpu.memory_space<hbm>>
        %dma_start3A_61 = arith.constant 9480 : i32
        %dma_start3A_62 = arith.constant 0 : i32
        %dma_start3A_63 = tpu.memref_slice %arg8[%dma_start3A_61, %dma_start3A_62] : memref<10112x128xf32, #tpu.memory_space<vmem_shared>> -> memref<520x128xf32, #tpu.memory_space<vmem_shared>>
        tpu.enqueue_dma source(%dma_start3A_63 : memref<520x128xf32, #tpu.memory_space<vmem_shared>>) target(%dma_start3A_60 : memref<520x128xf32, #tpu.memory_space<hbm>>) target_semaphore(%run_scoped3A : memref<!tpu.dma_semaphore, #tpu.memory_space<semaphore_mem>>)
        %dma_wait3A = arith.constant 9480 : i32
        %dma_wait3A_64 = arith.constant 0 : i32
        %dma_wait3A_65 = tpu.memref_slice %arg7[%dma_wait3A, %dma_wait3A_64] : memref<10000x128xf32, #tpu.memory_space<hbm>> -> memref<520x128xf32, #tpu.memory_space<hbm>>
        %dma_wait3A_66 = arith.constant 9480 : i32
        %dma_wait3A_67 = arith.constant 0 : i32
        %dma_wait3A_68 = tpu.memref_slice %arg8[%dma_wait3A_66, %dma_wait3A_67] : memref<10112x128xf32, #tpu.memory_space<vmem_shared>> -> memref<520x128xf32, #tpu.memory_space<vmem_shared>>
        tpu.wait_dma2 semaphore(%run_scoped3A : memref<!tpu.dma_semaphore, #tpu.memory_space<semaphore_mem>>) src(%dma_wait3A_68 : memref<520x128xf32, #tpu.memory_space<vmem_shared>>) dst(%dma_wait3A_65 : memref<520x128xf32, #tpu.memory_space<hbm>>)
        tpu.yield
      }) : () -> ()
    } else {
    }
    return
  }
}

#map = affine_map<(d0, d1) -> (0, 0)>
#map1 = affine_map<(d0, d1) -> (0)>
module attributes {stable_mosaic.version = 14 : i64} {
  func.func @_segsum(%arg0: i32, %arg1: i32, %arg2: memref<10000x128xf32, #tpu.memory_space<hbm>>, %arg3: memref<10000x128xf32, #tpu.memory_space<hbm>>, %arg4: memref<163840xi32, #tpu.memory_space<hbm>>, %arg5: memref<1280x128xi32, #tpu.memory_space<hbm>>, %arg6: memref<10000x128xf32, #tpu.memory_space<hbm>>, %arg7: memref<10000x128xf32, #tpu.memory_space<hbm>>, %arg8: memref<10112x128xf32, #tpu.memory_space<vmem_shared>>, %arg9: memref<80x128xi32, #tpu.memory_space<vmem>>, %arg10: memref<128x128xf32, #tpu.memory_space<vmem>>, %arg11: memref<128x128xf32, #tpu.memory_space<vmem>>, %arg12: memref<128xi32, #tpu.memory_space<vmem>>, %arg13: memref<128xi32, #tpu.memory_space<vmem>>, %arg14: memref<!tpu.dma_semaphore, #tpu.memory_space<semaphore_mem>>, %arg15: memref<!tpu.dma_semaphore, #tpu.memory_space<semaphore_mem>>, %arg16: memref<!tpu.dma_semaphore, #tpu.memory_space<semaphore_mem>>, %arg17: memref<!tpu.dma_semaphore, #tpu.memory_space<semaphore_mem>>, %arg18: memref<!tpu.dma_semaphore, #tpu.memory_space<semaphore_mem>>, %arg19: memref<!tpu.dma_semaphore, #tpu.memory_space<semaphore_mem>>) attributes {dimension_semantics = [#tpu.dimension_semantics<core_parallel>, #tpu.dimension_semantics<subcore_parallel>], iteration_bounds = array<i64: 2, 16>, scalar_prefetch = 0 : i64, scratch_operands = 12 : i64, tpu.core_type = #tpu.core_type<sc_vector_subcore>, window_params = [{transform_indices = #map}, {transform_indices = #map}, {transform_indices = #map1}, {transform_indices = #map}, {transform_indices = #map}, {transform_indices = #map}]} {
    %mul3A = arith.constant 80 : i32
    %mul3A_0 = arith.muli %arg1, %mul3A : i32
    "tpu.region"() ({
      %run_scoped3A = tpu.sem_alloc : memref<!tpu.dma_semaphore, #tpu.memory_space<semaphore_mem>>
      %dma_start3A = arith.constant 0 : i32
      %dma_start3A_59 = tpu.memref_slice %arg5[%mul3A_0, %dma_start3A] : memref<1280x128xi32, #tpu.memory_space<hbm>> -> memref<80x128xi32, #tpu.memory_space<hbm>>
      %dma_start3A_60 = arith.constant 0 : i32
      %dma_start3A_61 = tpu.memref_slice %arg5[%mul3A_0, %dma_start3A_60] : memref<1280x128xi32, #tpu.memory_space<hbm>> -> memref<80x128xi32, #tpu.memory_space<hbm>>
      tpu.enqueue_dma source(%dma_start3A_61 : memref<80x128xi32, #tpu.memory_space<hbm>>) target(%arg9 : memref<80x128xi32, #tpu.memory_space<vmem>>) target_semaphore(%run_scoped3A : memref<!tpu.dma_semaphore, #tpu.memory_space<semaphore_mem>>)
      %dma_wait3A = arith.constant 0 : i32
      %dma_wait3A_62 = tpu.memref_slice %arg5[%mul3A_0, %dma_wait3A] : memref<1280x128xi32, #tpu.memory_space<hbm>> -> memref<80x128xi32, #tpu.memory_space<hbm>>
      %dma_wait3A_63 = arith.constant 0 : i32
      %dma_wait3A_64 = tpu.memref_slice %arg5[%mul3A_0, %dma_wait3A_63] : memref<1280x128xi32, #tpu.memory_space<hbm>> -> memref<80x128xi32, #tpu.memory_space<hbm>>
      tpu.wait_dma2 semaphore(%run_scoped3A : memref<!tpu.dma_semaphore, #tpu.memory_space<semaphore_mem>>) src(%dma_wait3A_64 : memref<80x128xi32, #tpu.memory_space<hbm>>) dst(%arg9 : memref<80x128xi32, #tpu.memory_space<vmem>>)
      tpu.yield
    }) : () -> ()
    %scan3A = arith.constant 0 : i32
    %scan3A_1 = arith.constant 0 : i32
    %scan3A_2 = arith.constant 128 : i32
    %scan3A_3 = arith.addi %scan3A_1, %scan3A_2 : i32
    %scan3A_4 = arith.constant 1 : i32
    scf.for %scan3A_59 = %scan3A_1 to %scan3A_3 step %scan3A_4  : i32 {
      %broadcast_in_dim3A = arith.constant 0.000000e+00 : f32
      %broadcast_in_dim3A_60 = vector.broadcast %broadcast_in_dim3A : f32 to vector<16xf32>
      %swap3A = arith.index_cast %scan3A_59 : i32 to index
      %swap3A_61 = arith.constant 0 : index
      %swap3A_62 = tpu.vector_load %arg10[%swap3A, %swap3A_61] {strides = array<i32>} : memref<128x128xf32, #tpu.memory_space<vmem>>, vector<1x16xf32>,
      %swap3A_63 = vector.shape_cast %swap3A_62 : vector<1x16xf32> to vector<16xf32>
      %swap3A_64 = vector.shape_cast %broadcast_in_dim3A_60 : vector<16xf32> to vector<1x16xf32>
      tpu.vector_store %arg10[%swap3A, %swap3A_61], %swap3A_64 {strides = array<i32>} : memref<128x128xf32, #tpu.memory_space<vmem>>, vector<1x16xf32>,
      %broadcast_in_dim3A_65 = arith.constant 0.000000e+00 : f32
      %broadcast_in_dim3A_66 = vector.broadcast %broadcast_in_dim3A_65 : f32 to vector<16xf32>
      %swap3A_67 = arith.index_cast %scan3A_59 : i32 to index
      %swap3A_68 = arith.constant 16 : index
      %swap3A_69 = tpu.vector_load %arg10[%swap3A_67, %swap3A_68] {strides = array<i32>} : memref<128x128xf32, #tpu.memory_space<vmem>>, vector<1x16xf32>,
      %swap3A_70 = vector.shape_cast %swap3A_69 : vector<1x16xf32> to vector<16xf32>
      %swap3A_71 = vector.shape_cast %broadcast_in_dim3A_66 : vector<16xf32> to vector<1x16xf32>
      tpu.vector_store %arg10[%swap3A_67, %swap3A_68], %swap3A_71 {strides = array<i32>} : memref<128x128xf32, #tpu.memory_space<vmem>>, vector<1x16xf32>,
      %broadcast_in_dim3A_72 = arith.constant 0.000000e+00 : f32
      %broadcast_in_dim3A_73 = vector.broadcast %broadcast_in_dim3A_72 : f32 to vector<16xf32>
      %swap3A_74 = arith.index_cast %scan3A_59 : i32 to index
      %swap3A_75 = arith.constant 32 : index
      %swap3A_76 = tpu.vector_load %arg10[%swap3A_74, %swap3A_75] {strides = array<i32>} : memref<128x128xf32, #tpu.memory_space<vmem>>, vector<1x16xf32>,
      %swap3A_77 = vector.shape_cast %swap3A_76 : vector<1x16xf32> to vector<16xf32>
      %swap3A_78 = vector.shape_cast %broadcast_in_dim3A_73 : vector<16xf32> to vector<1x16xf32>
      tpu.vector_store %arg10[%swap3A_74, %swap3A_75], %swap3A_78 {strides = array<i32>} : memref<128x128xf32, #tpu.memory_space<vmem>>, vector<1x16xf32>,
      %broadcast_in_dim3A_79 = arith.constant 0.000000e+00 : f32
      %broadcast_in_dim3A_80 = vector.broadcast %broadcast_in_dim3A_79 : f32 to vector<16xf32>
      %swap3A_81 = arith.index_cast %scan3A_59 : i32 to index
      %swap3A_82 = arith.constant 48 : index
      %swap3A_83 = tpu.vector_load %arg10[%swap3A_81, %swap3A_82] {strides = array<i32>} : memref<128x128xf32, #tpu.memory_space<vmem>>, vector<1x16xf32>,
      %swap3A_84 = vector.shape_cast %swap3A_83 : vector<1x16xf32> to vector<16xf32>
      %swap3A_85 = vector.shape_cast %broadcast_in_dim3A_80 : vector<16xf32> to vector<1x16xf32>
      tpu.vector_store %arg10[%swap3A_81, %swap3A_82], %swap3A_85 {strides = array<i32>} : memref<128x128xf32, #tpu.memory_space<vmem>>, vector<1x16xf32>,
      %broadcast_in_dim3A_86 = arith.constant 0.000000e+00 : f32
      %broadcast_in_dim3A_87 = vector.broadcast %broadcast_in_dim3A_86 : f32 to vector<16xf32>
      %swap3A_88 = arith.index_cast %scan3A_59 : i32 to index
      %swap3A_89 = arith.constant 64 : index
      %swap3A_90 = tpu.vector_load %arg10[%swap3A_88, %swap3A_89] {strides = array<i32>} : memref<128x128xf32, #tpu.memory_space<vmem>>, vector<1x16xf32>,
      %swap3A_91 = vector.shape_cast %swap3A_90 : vector<1x16xf32> to vector<16xf32>
      %swap3A_92 = vector.shape_cast %broadcast_in_dim3A_87 : vector<16xf32> to vector<1x16xf32>
      tpu.vector_store %arg10[%swap3A_88, %swap3A_89], %swap3A_92 {strides = array<i32>} : memref<128x128xf32, #tpu.memory_space<vmem>>, vector<1x16xf32>,
      %broadcast_in_dim3A_93 = arith.constant 0.000000e+00 : f32
      %broadcast_in_dim3A_94 = vector.broadcast %broadcast_in_dim3A_93 : f32 to vector<16xf32>
      %swap3A_95 = arith.index_cast %scan3A_59 : i32 to index
      %swap3A_96 = arith.constant 80 : index
      %swap3A_97 = tpu.vector_load %arg10[%swap3A_95, %swap3A_96] {strides = array<i32>} : memref<128x128xf32, #tpu.memory_space<vmem>>, vector<1x16xf32>,
      %swap3A_98 = vector.shape_cast %swap3A_97 : vector<1x16xf32> to vector<16xf32>
      %swap3A_99 = vector.shape_cast %broadcast_in_dim3A_94 : vector<16xf32> to vector<1x16xf32>
      tpu.vector_store %arg10[%swap3A_95, %swap3A_96], %swap3A_99 {strides = array<i32>} : memref<128x128xf32, #tpu.memory_space<vmem>>, vector<1x16xf32>,
      %broadcast_in_dim3A_100 = arith.constant 0.000000e+00 : f32
      %broadcast_in_dim3A_101 = vector.broadcast %broadcast_in_dim3A_100 : f32 to vector<16xf32>
      %swap3A_102 = arith.index_cast %scan3A_59 : i32 to index
      %swap3A_103 = arith.constant 96 : index
      %swap3A_104 = tpu.vector_load %arg10[%swap3A_102, %swap3A_103] {strides = array<i32>} : memref<128x128xf32, #tpu.memory_space<vmem>>, vector<1x16xf32>,
      %swap3A_105 = vector.shape_cast %swap3A_104 : vector<1x16xf32> to vector<16xf32>
      %swap3A_106 = vector.shape_cast %broadcast_in_dim3A_101 : vector<16xf32> to vector<1x16xf32>
      tpu.vector_store %arg10[%swap3A_102, %swap3A_103], %swap3A_106 {strides = array<i32>} : memref<128x128xf32, #tpu.memory_space<vmem>>, vector<1x16xf32>,
      %broadcast_in_dim3A_107 = arith.constant 0.000000e+00 : f32
      %broadcast_in_dim3A_108 = vector.broadcast %broadcast_in_dim3A_107 : f32 to vector<16xf32>
      %swap3A_109 = arith.index_cast %scan3A_59 : i32 to index
      %swap3A_110 = arith.constant 112 : index
      %swap3A_111 = tpu.vector_load %arg10[%swap3A_109, %swap3A_110] {strides = array<i32>} : memref<128x128xf32, #tpu.memory_space<vmem>>, vector<1x16xf32>,
      %swap3A_112 = vector.shape_cast %swap3A_111 : vector<1x16xf32> to vector<16xf32>
      %swap3A_113 = vector.shape_cast %broadcast_in_dim3A_108 : vector<16xf32> to vector<1x16xf32>
      tpu.vector_store %arg10[%swap3A_109, %swap3A_110], %swap3A_113 {strides = array<i32>} : memref<128x128xf32, #tpu.memory_space<vmem>>, vector<1x16xf32>,
    }
    %scan3A_5 = arith.constant 128 : i32
    %mul3A_6 = arith.constant 632 : i32
    %mul3A_7 = arith.muli %arg1, %mul3A_6 : i32
    %add3A = arith.constant 0 : i32
    %add3A_8 = arith.addi %mul3A_7, %add3A : i32
    "tpu.region"() ({
      %run_scoped3A = tpu.sem_alloc : memref<!tpu.dma_semaphore, #tpu.memory_space<semaphore_mem>>
      %dma_start3A = arith.constant 0 : i32
      %dma_start3A_59 = arith.constant 0 : i32
      %dma_start3A_60 = tpu.memref_slice %arg10[%dma_start3A, %dma_start3A_59] : memref<128x128xf32, #tpu.memory_space<vmem>> -> memref<128x128xf32, #tpu.memory_space<vmem>>
      %dma_start3A_61 = arith.constant 0 : i32
      %dma_start3A_62 = tpu.memref_slice %arg8[%add3A_8, %dma_start3A_61] : memref<10112x128xf32, #tpu.memory_space<vmem_shared>> -> memref<128x128xf32, #tpu.memory_space<vmem_shared>>
      %dma_start3A_63 = arith.constant 0 : i32
      %dma_start3A_64 = tpu.memref_slice %arg8[%add3A_8, %dma_start3A_63] : memref<10112x128xf32, #tpu.memory_space<vmem_shared>> -> memref<128x128xf32, #tpu.memory_space<vmem_shared>>
      %dma_start3A_65 = arith.constant 0 : i32
      %dma_start3A_66 = arith.constant 0 : i32
      %dma_start3A_67 = tpu.memref_slice %arg10[%dma_start3A_65, %dma_start3A_66] : memref<128x128xf32, #tpu.memory_space<vmem>> -> memref<128x128xf32, #tpu.memory_space<vmem>>
      tpu.enqueue_dma source(%dma_start3A_67 : memref<128x128xf32, #tpu.memory_space<vmem>>) target(%dma_start3A_64 : memref<128x128xf32, #tpu.memory_space<vmem_shared>>) target_semaphore(%run_scoped3A : memref<!tpu.dma_semaphore, #tpu.memory_space<semaphore_mem>>)
      %dma_wait3A = arith.constant 0 : i32
      %dma_wait3A_68 = arith.constant 0 : i32
      %dma_wait3A_69 = tpu.memref_slice %arg10[%dma_wait3A, %dma_wait3A_68] : memref<128x128xf32, #tpu.memory_space<vmem>> -> memref<128x128xf32, #tpu.memory_space<vmem>>
      %dma_wait3A_70 = arith.constant 0 : i32
      %dma_wait3A_71 = tpu.memref_slice %arg8[%add3A_8, %dma_wait3A_70] : memref<10112x128xf32, #tpu.memory_space<vmem_shared>> -> memref<128x128xf32, #tpu.memory_space<vmem_shared>>
      %dma_wait3A_72 = arith.constant 0 : i32
      %dma_wait3A_73 = tpu.memref_slice %arg8[%add3A_8, %dma_wait3A_72] : memref<10112x128xf32, #tpu.memory_space<vmem_shared>> -> memref<128x128xf32, #tpu.memory_space<vmem_shared>>
      %dma_wait3A_74 = arith.constant 0 : i32
      %dma_wait3A_75 = arith.constant 0 : i32
      %dma_wait3A_76 = tpu.memref_slice %arg10[%dma_wait3A_74, %dma_wait3A_75] : memref<128x128xf32, #tpu.memory_space<vmem>> -> memref<128x128xf32, #tpu.memory_space<vmem>>
      tpu.wait_dma2 semaphore(%run_scoped3A : memref<!tpu.dma_semaphore, #tpu.memory_space<semaphore_mem>>) src(%dma_wait3A_76 : memref<128x128xf32, #tpu.memory_space<vmem>>) dst(%dma_wait3A_73 : memref<128x128xf32, #tpu.memory_space<vmem_shared>>)
      tpu.yield
    }) : () -> ()
    %add3A_9 = arith.constant 128 : i32
    %add3A_10 = arith.addi %mul3A_7, %add3A_9 : i32
    "tpu.region"() ({
      %run_scoped3A = tpu.sem_alloc : memref<!tpu.dma_semaphore, #tpu.memory_space<semaphore_mem>>
      %dma_start3A = arith.constant 0 : i32
      %dma_start3A_59 = arith.constant 0 : i32
      %dma_start3A_60 = tpu.memref_slice %arg10[%dma_start3A, %dma_start3A_59] : memref<128x128xf32, #tpu.memory_space<vmem>> -> memref<128x128xf32, #tpu.memory_space<vmem>>
      %dma_start3A_61 = arith.constant 0 : i32
      %dma_start3A_62 = tpu.memref_slice %arg8[%add3A_10, %dma_start3A_61] : memref<10112x128xf32, #tpu.memory_space<vmem_shared>> -> memref<128x128xf32, #tpu.memory_space<vmem_shared>>
      %dma_start3A_63 = arith.constant 0 : i32
      %dma_start3A_64 = tpu.memref_slice %arg8[%add3A_10, %dma_start3A_63] : memref<10112x128xf32, #tpu.memory_space<vmem_shared>> -> memref<128x128xf32, #tpu.memory_space<vmem_shared>>
      %dma_start3A_65 = arith.constant 0 : i32
      %dma_start3A_66 = arith.constant 0 : i32
      %dma_start3A_67 = tpu.memref_slice %arg10[%dma_start3A_65, %dma_start3A_66] : memref<128x128xf32, #tpu.memory_space<vmem>> -> memref<128x128xf32, #tpu.memory_space<vmem>>
      tpu.enqueue_dma source(%dma_start3A_67 : memref<128x128xf32, #tpu.memory_space<vmem>>) target(%dma_start3A_64 : memref<128x128xf32, #tpu.memory_space<vmem_shared>>) target_semaphore(%run_scoped3A : memref<!tpu.dma_semaphore, #tpu.memory_space<semaphore_mem>>)
      %dma_wait3A = arith.constant 0 : i32
      %dma_wait3A_68 = arith.constant 0 : i32
      %dma_wait3A_69 = tpu.memref_slice %arg10[%dma_wait3A, %dma_wait3A_68] : memref<128x128xf32, #tpu.memory_space<vmem>> -> memref<128x128xf32, #tpu.memory_space<vmem>>
      %dma_wait3A_70 = arith.constant 0 : i32
      %dma_wait3A_71 = tpu.memref_slice %arg8[%add3A_10, %dma_wait3A_70] : memref<10112x128xf32, #tpu.memory_space<vmem_shared>> -> memref<128x128xf32, #tpu.memory_space<vmem_shared>>
      %dma_wait3A_72 = arith.constant 0 : i32
      %dma_wait3A_73 = tpu.memref_slice %arg8[%add3A_10, %dma_wait3A_72] : memref<10112x128xf32, #tpu.memory_space<vmem_shared>> -> memref<128x128xf32, #tpu.memory_space<vmem_shared>>
      %dma_wait3A_74 = arith.constant 0 : i32
      %dma_wait3A_75 = arith.constant 0 : i32
      %dma_wait3A_76 = tpu.memref_slice %arg10[%dma_wait3A_74, %dma_wait3A_75] : memref<128x128xf32, #tpu.memory_space<vmem>> -> memref<128x128xf32, #tpu.memory_space<vmem>>
      tpu.wait_dma2 semaphore(%run_scoped3A : memref<!tpu.dma_semaphore, #tpu.memory_space<semaphore_mem>>) src(%dma_wait3A_76 : memref<128x128xf32, #tpu.memory_space<vmem>>) dst(%dma_wait3A_73 : memref<128x128xf32, #tpu.memory_space<vmem_shared>>)
      tpu.yield
    }) : () -> ()
    %add3A_11 = arith.constant 256 : i32
    %add3A_12 = arith.addi %mul3A_7, %add3A_11 : i32
    "tpu.region"() ({
      %run_scoped3A = tpu.sem_alloc : memref<!tpu.dma_semaphore, #tpu.memory_space<semaphore_mem>>
      %dma_start3A = arith.constant 0 : i32
      %dma_start3A_59 = arith.constant 0 : i32
      %dma_start3A_60 = tpu.memref_slice %arg10[%dma_start3A, %dma_start3A_59] : memref<128x128xf32, #tpu.memory_space<vmem>> -> memref<128x128xf32, #tpu.memory_space<vmem>>
      %dma_start3A_61 = arith.constant 0 : i32
      %dma_start3A_62 = tpu.memref_slice %arg8[%add3A_12, %dma_start3A_61] : memref<10112x128xf32, #tpu.memory_space<vmem_shared>> -> memref<128x128xf32, #tpu.memory_space<vmem_shared>>
      %dma_start3A_63 = arith.constant 0 : i32
      %dma_start3A_64 = tpu.memref_slice %arg8[%add3A_12, %dma_start3A_63] : memref<10112x128xf32, #tpu.memory_space<vmem_shared>> -> memref<128x128xf32, #tpu.memory_space<vmem_shared>>
      %dma_start3A_65 = arith.constant 0 : i32
      %dma_start3A_66 = arith.constant 0 : i32
      %dma_start3A_67 = tpu.memref_slice %arg10[%dma_start3A_65, %dma_start3A_66] : memref<128x128xf32, #tpu.memory_space<vmem>> -> memref<128x128xf32, #tpu.memory_space<vmem>>
      tpu.enqueue_dma source(%dma_start3A_67 : memref<128x128xf32, #tpu.memory_space<vmem>>) target(%dma_start3A_64 : memref<128x128xf32, #tpu.memory_space<vmem_shared>>) target_semaphore(%run_scoped3A : memref<!tpu.dma_semaphore, #tpu.memory_space<semaphore_mem>>)
      %dma_wait3A = arith.constant 0 : i32
      %dma_wait3A_68 = arith.constant 0 : i32
      %dma_wait3A_69 = tpu.memref_slice %arg10[%dma_wait3A, %dma_wait3A_68] : memref<128x128xf32, #tpu.memory_space<vmem>> -> memref<128x128xf32, #tpu.memory_space<vmem>>
      %dma_wait3A_70 = arith.constant 0 : i32
      %dma_wait3A_71 = tpu.memref_slice %arg8[%add3A_12, %dma_wait3A_70] : memref<10112x128xf32, #tpu.memory_space<vmem_shared>> -> memref<128x128xf32, #tpu.memory_space<vmem_shared>>
      %dma_wait3A_72 = arith.constant 0 : i32
      %dma_wait3A_73 = tpu.memref_slice %arg8[%add3A_12, %dma_wait3A_72] : memref<10112x128xf32, #tpu.memory_space<vmem_shared>> -> memref<128x128xf32, #tpu.memory_space<vmem_shared>>
      %dma_wait3A_74 = arith.constant 0 : i32
      %dma_wait3A_75 = arith.constant 0 : i32
      %dma_wait3A_76 = tpu.memref_slice %arg10[%dma_wait3A_74, %dma_wait3A_75] : memref<128x128xf32, #tpu.memory_space<vmem>> -> memref<128x128xf32, #tpu.memory_space<vmem>>
      tpu.wait_dma2 semaphore(%run_scoped3A : memref<!tpu.dma_semaphore, #tpu.memory_space<semaphore_mem>>) src(%dma_wait3A_76 : memref<128x128xf32, #tpu.memory_space<vmem>>) dst(%dma_wait3A_73 : memref<128x128xf32, #tpu.memory_space<vmem_shared>>)
      tpu.yield
    }) : () -> ()
    %add3A_13 = arith.constant 384 : i32
    %add3A_14 = arith.addi %mul3A_7, %add3A_13 : i32
    "tpu.region"() ({
      %run_scoped3A = tpu.sem_alloc : memref<!tpu.dma_semaphore, #tpu.memory_space<semaphore_mem>>
      %dma_start3A = arith.constant 0 : i32
      %dma_start3A_59 = arith.constant 0 : i32
      %dma_start3A_60 = tpu.memref_slice %arg10[%dma_start3A, %dma_start3A_59] : memref<128x128xf32, #tpu.memory_space<vmem>> -> memref<128x128xf32, #tpu.memory_space<vmem>>
      %dma_start3A_61 = arith.constant 0 : i32
      %dma_start3A_62 = tpu.memref_slice %arg8[%add3A_14, %dma_start3A_61] : memref<10112x128xf32, #tpu.memory_space<vmem_shared>> -> memref<128x128xf32, #tpu.memory_space<vmem_shared>>
      %dma_start3A_63 = arith.constant 0 : i32
      %dma_start3A_64 = tpu.memref_slice %arg8[%add3A_14, %dma_start3A_63] : memref<10112x128xf32, #tpu.memory_space<vmem_shared>> -> memref<128x128xf32, #tpu.memory_space<vmem_shared>>
      %dma_start3A_65 = arith.constant 0 : i32
      %dma_start3A_66 = arith.constant 0 : i32
      %dma_start3A_67 = tpu.memref_slice %arg10[%dma_start3A_65, %dma_start3A_66] : memref<128x128xf32, #tpu.memory_space<vmem>> -> memref<128x128xf32, #tpu.memory_space<vmem>>
      tpu.enqueue_dma source(%dma_start3A_67 : memref<128x128xf32, #tpu.memory_space<vmem>>) target(%dma_start3A_64 : memref<128x128xf32, #tpu.memory_space<vmem_shared>>) target_semaphore(%run_scoped3A : memref<!tpu.dma_semaphore, #tpu.memory_space<semaphore_mem>>)
      %dma_wait3A = arith.constant 0 : i32
      %dma_wait3A_68 = arith.constant 0 : i32
      %dma_wait3A_69 = tpu.memref_slice %arg10[%dma_wait3A, %dma_wait3A_68] : memref<128x128xf32, #tpu.memory_space<vmem>> -> memref<128x128xf32, #tpu.memory_space<vmem>>
      %dma_wait3A_70 = arith.constant 0 : i32
      %dma_wait3A_71 = tpu.memref_slice %arg8[%add3A_14, %dma_wait3A_70] : memref<10112x128xf32, #tpu.memory_space<vmem_shared>> -> memref<128x128xf32, #tpu.memory_space<vmem_shared>>
      %dma_wait3A_72 = arith.constant 0 : i32
      %dma_wait3A_73 = tpu.memref_slice %arg8[%add3A_14, %dma_wait3A_72] : memref<10112x128xf32, #tpu.memory_space<vmem_shared>> -> memref<128x128xf32, #tpu.memory_space<vmem_shared>>
      %dma_wait3A_74 = arith.constant 0 : i32
      %dma_wait3A_75 = arith.constant 0 : i32
      %dma_wait3A_76 = tpu.memref_slice %arg10[%dma_wait3A_74, %dma_wait3A_75] : memref<128x128xf32, #tpu.memory_space<vmem>> -> memref<128x128xf32, #tpu.memory_space<vmem>>
      tpu.wait_dma2 semaphore(%run_scoped3A : memref<!tpu.dma_semaphore, #tpu.memory_space<semaphore_mem>>) src(%dma_wait3A_76 : memref<128x128xf32, #tpu.memory_space<vmem>>) dst(%dma_wait3A_73 : memref<128x128xf32, #tpu.memory_space<vmem_shared>>)
      tpu.yield
    }) : () -> ()
    %add3A_15 = arith.constant 512 : i32
    %add3A_16 = arith.addi %mul3A_7, %add3A_15 : i32
    "tpu.region"() ({
      %run_scoped3A = tpu.sem_alloc : memref<!tpu.dma_semaphore, #tpu.memory_space<semaphore_mem>>
      %dma_start3A = arith.constant 0 : i32
      %dma_start3A_59 = arith.constant 0 : i32
      %dma_start3A_60 = tpu.memref_slice %arg10[%dma_start3A, %dma_start3A_59] : memref<128x128xf32, #tpu.memory_space<vmem>> -> memref<120x128xf32, #tpu.memory_space<vmem>>
      %dma_start3A_61 = arith.constant 0 : i32
      %dma_start3A_62 = tpu.memref_slice %arg8[%add3A_16, %dma_start3A_61] : memref<10112x128xf32, #tpu.memory_space<vmem_shared>> -> memref<120x128xf32, #tpu.memory_space<vmem_shared>>
      %dma_start3A_63 = arith.constant 0 : i32
      %dma_start3A_64 = tpu.memref_slice %arg8[%add3A_16, %dma_start3A_63] : memref<10112x128xf32, #tpu.memory_space<vmem_shared>> -> memref<120x128xf32, #tpu.memory_space<vmem_shared>>
      %dma_start3A_65 = arith.constant 0 : i32
      %dma_start3A_66 = arith.constant 0 : i32
      %dma_start3A_67 = tpu.memref_slice %arg10[%dma_start3A_65, %dma_start3A_66] : memref<128x128xf32, #tpu.memory_space<vmem>> -> memref<120x128xf32, #tpu.memory_space<vmem>>
      tpu.enqueue_dma source(%dma_start3A_67 : memref<120x128xf32, #tpu.memory_space<vmem>>) target(%dma_start3A_64 : memref<120x128xf32, #tpu.memory_space<vmem_shared>>) target_semaphore(%run_scoped3A : memref<!tpu.dma_semaphore, #tpu.memory_space<semaphore_mem>>)
      %dma_wait3A = arith.constant 0 : i32
      %dma_wait3A_68 = arith.constant 0 : i32
      %dma_wait3A_69 = tpu.memref_slice %arg10[%dma_wait3A, %dma_wait3A_68] : memref<128x128xf32, #tpu.memory_space<vmem>> -> memref<120x128xf32, #tpu.memory_space<vmem>>
      %dma_wait3A_70 = arith.constant 0 : i32
      %dma_wait3A_71 = tpu.memref_slice %arg8[%add3A_16, %dma_wait3A_70] : memref<10112x128xf32, #tpu.memory_space<vmem_shared>> -> memref<120x128xf32, #tpu.memory_space<vmem_shared>>
      %dma_wait3A_72 = arith.constant 0 : i32
      %dma_wait3A_73 = tpu.memref_slice %arg8[%add3A_16, %dma_wait3A_72] : memref<10112x128xf32, #tpu.memory_space<vmem_shared>> -> memref<120x128xf32, #tpu.memory_space<vmem_shared>>
      %dma_wait3A_74 = arith.constant 0 : i32
      %dma_wait3A_75 = arith.constant 0 : i32
      %dma_wait3A_76 = tpu.memref_slice %arg10[%dma_wait3A_74, %dma_wait3A_75] : memref<128x128xf32, #tpu.memory_space<vmem>> -> memref<120x128xf32, #tpu.memory_space<vmem>>
      tpu.wait_dma2 semaphore(%run_scoped3A : memref<!tpu.dma_semaphore, #tpu.memory_space<semaphore_mem>>) src(%dma_wait3A_76 : memref<120x128xf32, #tpu.memory_space<vmem>>) dst(%dma_wait3A_73 : memref<120x128xf32, #tpu.memory_space<vmem_shared>>)
      tpu.yield
    }) : () -> ()
    %barrier3A = arith.constant 0 : index
    tpu.barrier barrier_id(%barrier3A)
    %mul3A_17 = arith.constant 10240 : i32
    %mul3A_18 = arith.muli %arg1, %mul3A_17 : i32
    %eq3A = arith.constant 0 : i32
    %eq3A_19 = arith.cmpi eq, %arg0, %eq3A : i32
    %convert_element_type3A = arith.extui %eq3A_19 : i1 to i32
    %cond3A = arith.constant 0 : i32
    %cond3A_20 = arith.cmpi ne, %convert_element_type3A, %cond3A : i32
    scf.if %cond3A_20 {
      %add3A_59 = arith.constant 0 : i32
      %add3A_60 = arith.addi %mul3A_18, %add3A_59 : i32
      %dma_start3A = tpu.memref_slice %arg4[%add3A_60] : memref<163840xi32, #tpu.memory_space<hbm>> -> memref<128xi32, #tpu.memory_space<hbm>>
      %dma_start3A_61 = tpu.memref_slice %arg4[%add3A_60] : memref<163840xi32, #tpu.memory_space<hbm>> -> memref<128xi32, #tpu.memory_space<hbm>>
      tpu.enqueue_dma source(%dma_start3A_61 : memref<128xi32, #tpu.memory_space<hbm>>) target(%arg12 : memref<128xi32, #tpu.memory_space<vmem>>) target_semaphore(%arg18 : memref<!tpu.dma_semaphore, #tpu.memory_space<semaphore_mem>>)
      %add3A_62 = arith.constant 128 : i32
      %add3A_63 = arith.addi %mul3A_18, %add3A_62 : i32
      %dma_start3A_64 = tpu.memref_slice %arg4[%add3A_63] : memref<163840xi32, #tpu.memory_space<hbm>> -> memref<128xi32, #tpu.memory_space<hbm>>
      %dma_start3A_65 = tpu.memref_slice %arg4[%add3A_63] : memref<163840xi32, #tpu.memory_space<hbm>> -> memref<128xi32, #tpu.memory_space<hbm>>
      tpu.enqueue_dma source(%dma_start3A_65 : memref<128xi32, #tpu.memory_space<hbm>>) target(%arg13 : memref<128xi32, #tpu.memory_space<vmem>>) target_semaphore(%arg19 : memref<!tpu.dma_semaphore, #tpu.memory_space<semaphore_mem>>)
      %dma_wait3A = arith.constant 0 : i32
      %dma_wait3A_66 = tpu.memref_slice %arg4[%dma_wait3A] : memref<163840xi32, #tpu.memory_space<hbm>> -> memref<128xi32, #tpu.memory_space<hbm>>
      %dma_wait3A_67 = arith.constant 0 : i32
      %dma_wait3A_68 = tpu.memref_slice %arg4[%dma_wait3A_67] : memref<163840xi32, #tpu.memory_space<hbm>> -> memref<128xi32, #tpu.memory_space<hbm>>
      tpu.wait_dma2 semaphore(%arg18 : memref<!tpu.dma_semaphore, #tpu.memory_space<semaphore_mem>>) src(%dma_wait3A_68 : memref<128xi32, #tpu.memory_space<hbm>>) dst(%arg12 : memref<128xi32, #tpu.memory_space<vmem>>)
      %dma_start3A_69 = arith.constant 0 : i32
      %dma_start3A_70 = arith.constant 0 : i32
      %dma_start3A_71 = tpu.memref_slice %arg2[%dma_start3A_69, %dma_start3A_70] : memref<10000x128xf32, #tpu.memory_space<hbm>> -> memref<10000x128xf32, #tpu.memory_space<hbm>>
      tpu.enqueue_indirect_dma source(%dma_start3A_71 : memref<10000x128xf32, #tpu.memory_space<hbm>>) target(%arg10 : memref<128x128xf32, #tpu.memory_space<vmem>>) offsets(%arg12 : memref<128xi32, #tpu.memory_space<vmem>>) semaphore(%arg14 : memref<!tpu.dma_semaphore, #tpu.memory_space<semaphore_mem>>)
      %dma_wait3A_72 = arith.constant 0 : i32
      %dma_wait3A_73 = tpu.memref_slice %arg4[%dma_wait3A_72] : memref<163840xi32, #tpu.memory_space<hbm>> -> memref<128xi32, #tpu.memory_space<hbm>>
      %dma_wait3A_74 = arith.constant 0 : i32
      %dma_wait3A_75 = tpu.memref_slice %arg4[%dma_wait3A_74] : memref<163840xi32, #tpu.memory_space<hbm>> -> memref<128xi32, #tpu.memory_space<hbm>>
      tpu.wait_dma2 semaphore(%arg19 : memref<!tpu.dma_semaphore, #tpu.memory_space<semaphore_mem>>) src(%dma_wait3A_75 : memref<128xi32, #tpu.memory_space<hbm>>) dst(%arg13 : memref<128xi32, #tpu.memory_space<vmem>>)
      %dma_start3A_76 = arith.constant 0 : i32
      %dma_start3A_77 = arith.constant 0 : i32
      %dma_start3A_78 = tpu.memref_slice %arg2[%dma_start3A_76, %dma_start3A_77] : memref<10000x128xf32, #tpu.memory_space<hbm>> -> memref<10000x128xf32, #tpu.memory_space<hbm>>
      tpu.enqueue_indirect_dma source(%dma_start3A_78 : memref<10000x128xf32, #tpu.memory_space<hbm>>) target(%arg11 : memref<128x128xf32, #tpu.memory_space<vmem>>) offsets(%arg13 : memref<128xi32, #tpu.memory_space<vmem>>) semaphore(%arg15 : memref<!tpu.dma_semaphore, #tpu.memory_space<semaphore_mem>>)
      %scan3A_79 = arith.constant 0 : i32
      %scan3A_80 = arith.constant 0 : i32
      %scan3A_81 = arith.constant 39 : i32
      %scan3A_82 = arith.addi %scan3A_80, %scan3A_81 : i32
      %scan3A_83 = arith.constant 1 : i32
      scf.for %scan3A_123 = %scan3A_80 to %scan3A_82 step %scan3A_83  : i32 {
        %mul3A_124 = arith.constant 2 : i32
        %mul3A_125 = arith.muli %scan3A_123, %mul3A_124 : i32
        %dma_wait3A_126 = arith.constant 0 : i32
        %dma_wait3A_127 = arith.constant 0 : i32
        %dma_wait3A_128 = tpu.memref_slice %arg2[%dma_wait3A_126, %dma_wait3A_127] : memref<10000x128xf32, #tpu.memory_space<hbm>> -> memref<128x128xf32, #tpu.memory_space<hbm>>
        %dma_wait3A_129 = arith.constant 0 : i32
        %dma_wait3A_130 = arith.constant 0 : i32
        %dma_wait3A_131 = tpu.memref_slice %arg2[%dma_wait3A_129, %dma_wait3A_130] : memref<10000x128xf32, #tpu.memory_space<hbm>> -> memref<128x128xf32, #tpu.memory_space<hbm>>
        tpu.wait_dma2 semaphore(%arg14 : memref<!tpu.dma_semaphore, #tpu.memory_space<semaphore_mem>>) src(%dma_wait3A_131 : memref<128x128xf32, #tpu.memory_space<hbm>>) dst(%arg10 : memref<128x128xf32, #tpu.memory_space<vmem>>)
        %add3A_132 = arith.constant 2 : i32
        %add3A_133 = arith.addi %mul3A_125, %add3A_132 : i32
        %add3A_134 = arith.constant 0 : i32
        %add3A_135 = arith.addi %add3A_133, %add3A_134 : i32
        %mul3A_136 = arith.constant 128 : i32
        %mul3A_137 = arith.muli %add3A_135, %mul3A_136 : i32
        %add3A_138 = arith.addi %mul3A_18, %mul3A_137 : i32
        %dma_start3A_139 = tpu.memref_slice %arg4[%add3A_138] : memref<163840xi32, #tpu.memory_space<hbm>> -> memref<128xi32, #tpu.memory_space<hbm>>
        %dma_start3A_140 = tpu.memref_slice %arg4[%add3A_138] : memref<163840xi32, #tpu.memory_space<hbm>> -> memref<128xi32, #tpu.memory_space<hbm>>
        tpu.enqueue_dma source(%dma_start3A_140 : memref<128xi32, #tpu.memory_space<hbm>>) target(%arg12 : memref<128xi32, #tpu.memory_space<vmem>>) target_semaphore(%arg18 : memref<!tpu.dma_semaphore, #tpu.memory_space<semaphore_mem>>)
        %add3A_141 = arith.constant 0 : i32
        %add3A_142 = arith.addi %mul3A_125, %add3A_141 : i32
        %dma_start3A_143 = arith.constant 0 : i32
        %dma_start3A_144 = tpu.memref_slice %arg9[%add3A_142, %dma_start3A_143] : memref<80x128xi32, #tpu.memory_space<vmem>> -> memref<1x128xi32, #tpu.memory_space<vmem>>
        %dma_start3A_145 = tpu.memref_squeeze %dma_start3A_144 : memref<1x128xi32, #tpu.memory_space<vmem>> -> memref<128xi32, #tpu.memory_space<vmem>>
        %dma_start3A_146 = arith.constant 0 : i32
        %dma_start3A_147 = arith.constant 0 : i32
        %dma_start3A_148 = tpu.memref_slice %arg8[%dma_start3A_146, %dma_start3A_147] : memref<10112x128xf32, #tpu.memory_space<vmem_shared>> -> memref<10112x128xf32, #tpu.memory_space<vmem_shared>>
        tpu.enqueue_indirect_dma source(%arg10 : memref<128x128xf32, #tpu.memory_space<vmem>>) target(%dma_start3A_148 : memref<10112x128xf32, #tpu.memory_space<vmem_shared>>) offsets(%dma_start3A_145 : memref<128xi32, #tpu.memory_space<vmem>>) semaphore(%arg16 : memref<!tpu.dma_semaphore, #tpu.memory_space<semaphore_mem>>) {add = true}
        %dma_wait3A_149 = arith.constant 0 : i32
        %dma_wait3A_150 = arith.constant 0 : i32
        %dma_wait3A_151 = tpu.memref_slice %arg2[%dma_wait3A_149, %dma_wait3A_150] : memref<10000x128xf32, #tpu.memory_space<hbm>> -> memref<128x128xf32, #tpu.memory_space<hbm>>
        %dma_wait3A_152 = arith.constant 0 : i32
        %dma_wait3A_153 = arith.constant 0 : i32
        %dma_wait3A_154 = tpu.memref_slice %arg2[%dma_wait3A_152, %dma_wait3A_153] : memref<10000x128xf32, #tpu.memory_space<hbm>> -> memref<128x128xf32, #tpu.memory_space<hbm>>
        tpu.wait_dma2 semaphore(%arg15 : memref<!tpu.dma_semaphore, #tpu.memory_space<semaphore_mem>>) src(%dma_wait3A_154 : memref<128x128xf32, #tpu.memory_space<hbm>>) dst(%arg11 : memref<128x128xf32, #tpu.memory_space<vmem>>)
        %add3A_155 = arith.constant 2 : i32
        %add3A_156 = arith.addi %mul3A_125, %add3A_155 : i32
        %add3A_157 = arith.constant 1 : i32
        %add3A_158 = arith.addi %add3A_156, %add3A_157 : i32
        %mul3A_159 = arith.constant 128 : i32
        %mul3A_160 = arith.muli %add3A_158, %mul3A_159 : i32
        %add3A_161 = arith.addi %mul3A_18, %mul3A_160 : i32
        %dma_start3A_162 = tpu.memref_slice %arg4[%add3A_161] : memref<163840xi32, #tpu.memory_space<hbm>> -> memref<128xi32, #tpu.memory_space<hbm>>
        %dma_start3A_163 = tpu.memref_slice %arg4[%add3A_161] : memref<163840xi32, #tpu.memory_space<hbm>> -> memref<128xi32, #tpu.memory_space<hbm>>
        tpu.enqueue_dma source(%dma_start3A_163 : memref<128xi32, #tpu.memory_space<hbm>>) target(%arg13 : memref<128xi32, #tpu.memory_space<vmem>>) target_semaphore(%arg19 : memref<!tpu.dma_semaphore, #tpu.memory_space<semaphore_mem>>)
        %add3A_164 = arith.constant 1 : i32
        %add3A_165 = arith.addi %mul3A_125, %add3A_164 : i32
        %dma_start3A_166 = arith.constant 0 : i32
        %dma_start3A_167 = tpu.memref_slice %arg9[%add3A_165, %dma_start3A_166] : memref<80x128xi32, #tpu.memory_space<vmem>> -> memref<1x128xi32, #tpu.memory_space<vmem>>
        %dma_start3A_168 = tpu.memref_squeeze %dma_start3A_167 : memref<1x128xi32, #tpu.memory_space<vmem>> -> memref<128xi32, #tpu.memory_space<vmem>>
        %dma_start3A_169 = arith.constant 0 : i32
        %dma_start3A_170 = arith.constant 0 : i32
        %dma_start3A_171 = tpu.memref_slice %arg8[%dma_start3A_169, %dma_start3A_170] : memref<10112x128xf32, #tpu.memory_space<vmem_shared>> -> memref<10112x128xf32, #tpu.memory_space<vmem_shared>>
        tpu.enqueue_indirect_dma source(%arg11 : memref<128x128xf32, #tpu.memory_space<vmem>>) target(%dma_start3A_171 : memref<10112x128xf32, #tpu.memory_space<vmem_shared>>) offsets(%dma_start3A_168 : memref<128xi32, #tpu.memory_space<vmem>>) semaphore(%arg17 : memref<!tpu.dma_semaphore, #tpu.memory_space<semaphore_mem>>) {add = true}
        %dma_wait3A_172 = arith.constant 0 : i32
        %dma_wait3A_173 = arith.constant 0 : i32
        %dma_wait3A_174 = tpu.memref_slice %arg2[%dma_wait3A_172, %dma_wait3A_173] : memref<10000x128xf32, #tpu.memory_space<hbm>> -> memref<128x128xf32, #tpu.memory_space<hbm>>
        %dma_wait3A_175 = arith.constant 0 : i32
        %dma_wait3A_176 = arith.constant 0 : i32
        %dma_wait3A_177 = tpu.memref_slice %arg2[%dma_wait3A_175, %dma_wait3A_176] : memref<10000x128xf32, #tpu.memory_space<hbm>> -> memref<128x128xf32, #tpu.memory_space<hbm>>
        tpu.wait_dma2 semaphore(%arg16 : memref<!tpu.dma_semaphore, #tpu.memory_space<semaphore_mem>>) src(%dma_wait3A_177 : memref<128x128xf32, #tpu.memory_space<hbm>>) dst(%arg10 : memref<128x128xf32, #tpu.memory_space<vmem>>)
        %dma_wait3A_178 = arith.constant 0 : i32
        %dma_wait3A_179 = tpu.memref_slice %arg4[%dma_wait3A_178] : memref<163840xi32, #tpu.memory_space<hbm>> -> memref<128xi32, #tpu.memory_space<hbm>>
        %dma_wait3A_180 = arith.constant 0 : i32
        %dma_wait3A_181 = tpu.memref_slice %arg4[%dma_wait3A_180] : memref<163840xi32, #tpu.memory_space<hbm>> -> memref<128xi32, #tpu.memory_space<hbm>>
        tpu.wait_dma2 semaphore(%arg18 : memref<!tpu.dma_semaphore, #tpu.memory_space<semaphore_mem>>) src(%dma_wait3A_181 : memref<128xi32, #tpu.memory_space<hbm>>) dst(%arg12 : memref<128xi32, #tpu.memory_space<vmem>>)
        %dma_start3A_182 = arith.constant 0 : i32
        %dma_start3A_183 = arith.constant 0 : i32
        %dma_start3A_184 = tpu.memref_slice %arg2[%dma_start3A_182, %dma_start3A_183] : memref<10000x128xf32, #tpu.memory_space<hbm>> -> memref<10000x128xf32, #tpu.memory_space<hbm>>
        tpu.enqueue_indirect_dma source(%dma_start3A_184 : memref<10000x128xf32, #tpu.memory_space<hbm>>) target(%arg10 : memref<128x128xf32, #tpu.memory_space<vmem>>) offsets(%arg12 : memref<128xi32, #tpu.memory_space<vmem>>) semaphore(%arg14 : memref<!tpu.dma_semaphore, #tpu.memory_space<semaphore_mem>>)
        %dma_wait3A_185 = arith.constant 0 : i32
        %dma_wait3A_186 = arith.constant 0 : i32
        %dma_wait3A_187 = tpu.memref_slice %arg2[%dma_wait3A_185, %dma_wait3A_186] : memref<10000x128xf32, #tpu.memory_space<hbm>> -> memref<128x128xf32, #tpu.memory_space<hbm>>
        %dma_wait3A_188 = arith.constant 0 : i32
        %dma_wait3A_189 = arith.constant 0 : i32
        %dma_wait3A_190 = tpu.memref_slice %arg2[%dma_wait3A_188, %dma_wait3A_189] : memref<10000x128xf32, #tpu.memory_space<hbm>> -> memref<128x128xf32, #tpu.memory_space<hbm>>
        tpu.wait_dma2 semaphore(%arg17 : memref<!tpu.dma_semaphore, #tpu.memory_space<semaphore_mem>>) src(%dma_wait3A_190 : memref<128x128xf32, #tpu.memory_space<hbm>>) dst(%arg11 : memref<128x128xf32, #tpu.memory_space<vmem>>)
        %dma_wait3A_191 = arith.constant 0 : i32
        %dma_wait3A_192 = tpu.memref_slice %arg4[%dma_wait3A_191] : memref<163840xi32, #tpu.memory_space<hbm>> -> memref<128xi32, #tpu.memory_space<hbm>>
        %dma_wait3A_193 = arith.constant 0 : i32
        %dma_wait3A_194 = tpu.memref_slice %arg4[%dma_wait3A_193] : memref<163840xi32, #tpu.memory_space<hbm>> -> memref<128xi32, #tpu.memory_space<hbm>>
        tpu.wait_dma2 semaphore(%arg19 : memref<!tpu.dma_semaphore, #tpu.memory_space<semaphore_mem>>) src(%dma_wait3A_194 : memref<128xi32, #tpu.memory_space<hbm>>) dst(%arg13 : memref<128xi32, #tpu.memory_space<vmem>>)
        %dma_start3A_195 = arith.constant 0 : i32
        %dma_start3A_196 = arith.constant 0 : i32
        %dma_start3A_197 = tpu.memref_slice %arg2[%dma_start3A_195, %dma_start3A_196] : memref<10000x128xf32, #tpu.memory_space<hbm>> -> memref<10000x128xf32, #tpu.memory_space<hbm>>
        tpu.enqueue_indirect_dma source(%dma_start3A_197 : memref<10000x128xf32, #tpu.memory_space<hbm>>) target(%arg11 : memref<128x128xf32, #tpu.memory_space<vmem>>) offsets(%arg13 : memref<128xi32, #tpu.memory_space<vmem>>) semaphore(%arg15 : memref<!tpu.dma_semaphore, #tpu.memory_space<semaphore_mem>>)
      }
      %scan3A_84 = arith.constant 39 : i32
      %dma_wait3A_85 = arith.constant 0 : i32
      %dma_wait3A_86 = arith.constant 0 : i32
      %dma_wait3A_87 = tpu.memref_slice %arg2[%dma_wait3A_85, %dma_wait3A_86] : memref<10000x128xf32, #tpu.memory_space<hbm>> -> memref<128x128xf32, #tpu.memory_space<hbm>>
      %dma_wait3A_88 = arith.constant 0 : i32
      %dma_wait3A_89 = arith.constant 0 : i32
      %dma_wait3A_90 = tpu.memref_slice %arg2[%dma_wait3A_88, %dma_wait3A_89] : memref<10000x128xf32, #tpu.memory_space<hbm>> -> memref<128x128xf32, #tpu.memory_space<hbm>>
      tpu.wait_dma2 semaphore(%arg14 : memref<!tpu.dma_semaphore, #tpu.memory_space<semaphore_mem>>) src(%dma_wait3A_90 : memref<128x128xf32, #tpu.memory_space<hbm>>) dst(%arg10 : memref<128x128xf32, #tpu.memory_space<vmem>>)
      %dma_start3A_91 = arith.constant 78 : i32
      %dma_start3A_92 = arith.constant 0 : i32
      %dma_start3A_93 = tpu.memref_slice %arg9[%dma_start3A_91, %dma_start3A_92] : memref<80x128xi32, #tpu.memory_space<vmem>> -> memref<1x128xi32, #tpu.memory_space<vmem>>
      %dma_start3A_94 = tpu.memref_squeeze %dma_start3A_93 : memref<1x128xi32, #tpu.memory_space<vmem>> -> memref<128xi32, #tpu.memory_space<vmem>>
      %dma_start3A_95 = arith.constant 0 : i32
      %dma_start3A_96 = arith.constant 0 : i32
      %dma_start3A_97 = tpu.memref_slice %arg8[%dma_start3A_95, %dma_start3A_96] : memref<10112x128xf32, #tpu.memory_space<vmem_shared>> -> memref<10112x128xf32, #tpu.memory_space<vmem_shared>>
      tpu.enqueue_indirect_dma source(%arg10 : memref<128x128xf32, #tpu.memory_space<vmem>>) target(%dma_start3A_97 : memref<10112x128xf32, #tpu.memory_space<vmem_shared>>) offsets(%dma_start3A_94 : memref<128xi32, #tpu.memory_space<vmem>>) semaphore(%arg16 : memref<!tpu.dma_semaphore, #tpu.memory_space<semaphore_mem>>) {add = true}
      %dma_wait3A_98 = arith.constant 0 : i32
      %dma_wait3A_99 = arith.constant 0 : i32
      %dma_wait3A_100 = tpu.memref_slice %arg2[%dma_wait3A_98, %dma_wait3A_99] : memref<10000x128xf32, #tpu.memory_space<hbm>> -> memref<128x128xf32, #tpu.memory_space<hbm>>
      %dma_wait3A_101 = arith.constant 0 : i32
      %dma_wait3A_102 = arith.constant 0 : i32
      %dma_wait3A_103 = tpu.memref_slice %arg2[%dma_wait3A_101, %dma_wait3A_102] : memref<10000x128xf32, #tpu.memory_space<hbm>> -> memref<128x128xf32, #tpu.memory_space<hbm>>
      tpu.wait_dma2 semaphore(%arg15 : memref<!tpu.dma_semaphore, #tpu.memory_space<semaphore_mem>>) src(%dma_wait3A_103 : memref<128x128xf32, #tpu.memory_space<hbm>>) dst(%arg11 : memref<128x128xf32, #tpu.memory_space<vmem>>)
      %dma_start3A_104 = arith.constant 79 : i32
      %dma_start3A_105 = arith.constant 0 : i32
      %dma_start3A_106 = tpu.memref_slice %arg9[%dma_start3A_104, %dma_start3A_105] : memref<80x128xi32, #tpu.memory_space<vmem>> -> memref<1x128xi32, #tpu.memory_space<vmem>>
      %dma_start3A_107 = tpu.memref_squeeze %dma_start3A_106 : memref<1x128xi32, #tpu.memory_space<vmem>> -> memref<128xi32, #tpu.memory_space<vmem>>
      %dma_start3A_108 = arith.constant 0 : i32
      %dma_start3A_109 = arith.constant 0 : i32
      %dma_start3A_110 = tpu.memref_slice %arg8[%dma_start3A_108, %dma_start3A_109] : memref<10112x128xf32, #tpu.memory_space<vmem_shared>> -> memref<10112x128xf32, #tpu.memory_space<vmem_shared>>
      tpu.enqueue_indirect_dma source(%arg11 : memref<128x128xf32, #tpu.memory_space<vmem>>) target(%dma_start3A_110 : memref<10112x128xf32, #tpu.memory_space<vmem_shared>>) offsets(%dma_start3A_107 : memref<128xi32, #tpu.memory_space<vmem>>) semaphore(%arg17 : memref<!tpu.dma_semaphore, #tpu.memory_space<semaphore_mem>>) {add = true}
      %dma_wait3A_111 = arith.constant 0 : i32
      %dma_wait3A_112 = arith.constant 0 : i32
      %dma_wait3A_113 = tpu.memref_slice %arg2[%dma_wait3A_111, %dma_wait3A_112] : memref<10000x128xf32, #tpu.memory_space<hbm>> -> memref<128x128xf32, #tpu.memory_space<hbm>>
      %dma_wait3A_114 = arith.constant 0 : i32
      %dma_wait3A_115 = arith.constant 0 : i32
      %dma_wait3A_116 = tpu.memref_slice %arg2[%dma_wait3A_114, %dma_wait3A_115] : memref<10000x128xf32, #tpu.memory_space<hbm>> -> memref<128x128xf32, #tpu.memory_space<hbm>>
      tpu.wait_dma2 semaphore(%arg16 : memref<!tpu.dma_semaphore, #tpu.memory_space<semaphore_mem>>) src(%dma_wait3A_116 : memref<128x128xf32, #tpu.memory_space<hbm>>) dst(%arg10 : memref<128x128xf32, #tpu.memory_space<vmem>>)
      %dma_wait3A_117 = arith.constant 0 : i32
      %dma_wait3A_118 = arith.constant 0 : i32
      %dma_wait3A_119 = tpu.memref_slice %arg2[%dma_wait3A_117, %dma_wait3A_118] : memref<10000x128xf32, #tpu.memory_space<hbm>> -> memref<128x128xf32, #tpu.memory_space<hbm>>
      %dma_wait3A_120 = arith.constant 0 : i32
      %dma_wait3A_121 = arith.constant 0 : i32
      %dma_wait3A_122 = tpu.memref_slice %arg2[%dma_wait3A_120, %dma_wait3A_121] : memref<10000x128xf32, #tpu.memory_space<hbm>> -> memref<128x128xf32, #tpu.memory_space<hbm>>
      tpu.wait_dma2 semaphore(%arg17 : memref<!tpu.dma_semaphore, #tpu.memory_space<semaphore_mem>>) src(%dma_wait3A_122 : memref<128x128xf32, #tpu.memory_space<hbm>>) dst(%arg11 : memref<128x128xf32, #tpu.memory_space<vmem>>)
    } else {
    }
    %eq3A_21 = arith.constant 1 : i32
    %eq3A_22 = arith.cmpi eq, %arg0, %eq3A_21 : i32
    %convert_element_type3A_23 = arith.extui %eq3A_22 : i1 to i32
    %cond3A_24 = arith.constant 0 : i32
    %cond3A_25 = arith.cmpi ne, %convert_element_type3A_23, %cond3A_24 : i32
    scf.if %cond3A_25 {
      %add3A_59 = arith.constant 0 : i32
      %add3A_60 = arith.addi %mul3A_18, %add3A_59 : i32
      %dma_start3A = tpu.memref_slice %arg4[%add3A_60] : memref<163840xi32, #tpu.memory_space<hbm>> -> memref<128xi32, #tpu.memory_space<hbm>>
      %dma_start3A_61 = tpu.memref_slice %arg4[%add3A_60] : memref<163840xi32, #tpu.memory_space<hbm>> -> memref<128xi32, #tpu.memory_space<hbm>>
      tpu.enqueue_dma source(%dma_start3A_61 : memref<128xi32, #tpu.memory_space<hbm>>) target(%arg12 : memref<128xi32, #tpu.memory_space<vmem>>) target_semaphore(%arg18 : memref<!tpu.dma_semaphore, #tpu.memory_space<semaphore_mem>>)
      %add3A_62 = arith.constant 128 : i32
      %add3A_63 = arith.addi %mul3A_18, %add3A_62 : i32
      %dma_start3A_64 = tpu.memref_slice %arg4[%add3A_63] : memref<163840xi32, #tpu.memory_space<hbm>> -> memref<128xi32, #tpu.memory_space<hbm>>
      %dma_start3A_65 = tpu.memref_slice %arg4[%add3A_63] : memref<163840xi32, #tpu.memory_space<hbm>> -> memref<128xi32, #tpu.memory_space<hbm>>
      tpu.enqueue_dma source(%dma_start3A_65 : memref<128xi32, #tpu.memory_space<hbm>>) target(%arg13 : memref<128xi32, #tpu.memory_space<vmem>>) target_semaphore(%arg19 : memref<!tpu.dma_semaphore, #tpu.memory_space<semaphore_mem>>)
      %dma_wait3A = arith.constant 0 : i32
      %dma_wait3A_66 = tpu.memref_slice %arg4[%dma_wait3A] : memref<163840xi32, #tpu.memory_space<hbm>> -> memref<128xi32, #tpu.memory_space<hbm>>
      %dma_wait3A_67 = arith.constant 0 : i32
      %dma_wait3A_68 = tpu.memref_slice %arg4[%dma_wait3A_67] : memref<163840xi32, #tpu.memory_space<hbm>> -> memref<128xi32, #tpu.memory_space<hbm>>
      tpu.wait_dma2 semaphore(%arg18 : memref<!tpu.dma_semaphore, #tpu.memory_space<semaphore_mem>>) src(%dma_wait3A_68 : memref<128xi32, #tpu.memory_space<hbm>>) dst(%arg12 : memref<128xi32, #tpu.memory_space<vmem>>)
      %dma_start3A_69 = arith.constant 0 : i32
      %dma_start3A_70 = arith.constant 0 : i32
      %dma_start3A_71 = tpu.memref_slice %arg3[%dma_start3A_69, %dma_start3A_70] : memref<10000x128xf32, #tpu.memory_space<hbm>> -> memref<10000x128xf32, #tpu.memory_space<hbm>>
      tpu.enqueue_indirect_dma source(%dma_start3A_71 : memref<10000x128xf32, #tpu.memory_space<hbm>>) target(%arg10 : memref<128x128xf32, #tpu.memory_space<vmem>>) offsets(%arg12 : memref<128xi32, #tpu.memory_space<vmem>>) semaphore(%arg14 : memref<!tpu.dma_semaphore, #tpu.memory_space<semaphore_mem>>)
      %dma_wait3A_72 = arith.constant 0 : i32
      %dma_wait3A_73 = tpu.memref_slice %arg4[%dma_wait3A_72] : memref<163840xi32, #tpu.memory_space<hbm>> -> memref<128xi32, #tpu.memory_space<hbm>>
      %dma_wait3A_74 = arith.constant 0 : i32
      %dma_wait3A_75 = tpu.memref_slice %arg4[%dma_wait3A_74] : memref<163840xi32, #tpu.memory_space<hbm>> -> memref<128xi32, #tpu.memory_space<hbm>>
      tpu.wait_dma2 semaphore(%arg19 : memref<!tpu.dma_semaphore, #tpu.memory_space<semaphore_mem>>) src(%dma_wait3A_75 : memref<128xi32, #tpu.memory_space<hbm>>) dst(%arg13 : memref<128xi32, #tpu.memory_space<vmem>>)
      %dma_start3A_76 = arith.constant 0 : i32
      %dma_start3A_77 = arith.constant 0 : i32
      %dma_start3A_78 = tpu.memref_slice %arg3[%dma_start3A_76, %dma_start3A_77] : memref<10000x128xf32, #tpu.memory_space<hbm>> -> memref<10000x128xf32, #tpu.memory_space<hbm>>
      tpu.enqueue_indirect_dma source(%dma_start3A_78 : memref<10000x128xf32, #tpu.memory_space<hbm>>) target(%arg11 : memref<128x128xf32, #tpu.memory_space<vmem>>) offsets(%arg13 : memref<128xi32, #tpu.memory_space<vmem>>) semaphore(%arg15 : memref<!tpu.dma_semaphore, #tpu.memory_space<semaphore_mem>>)
      %scan3A_79 = arith.constant 0 : i32
      %scan3A_80 = arith.constant 0 : i32
      %scan3A_81 = arith.constant 39 : i32
      %scan3A_82 = arith.addi %scan3A_80, %scan3A_81 : i32
      %scan3A_83 = arith.constant 1 : i32
      scf.for %scan3A_123 = %scan3A_80 to %scan3A_82 step %scan3A_83  : i32 {
        %mul3A_124 = arith.constant 2 : i32
        %mul3A_125 = arith.muli %scan3A_123, %mul3A_124 : i32
        %dma_wait3A_126 = arith.constant 0 : i32
        %dma_wait3A_127 = arith.constant 0 : i32
        %dma_wait3A_128 = tpu.memref_slice %arg3[%dma_wait3A_126, %dma_wait3A_127] : memref<10000x128xf32, #tpu.memory_space<hbm>> -> memref<128x128xf32, #tpu.memory_space<hbm>>
        %dma_wait3A_129 = arith.constant 0 : i32
        %dma_wait3A_130 = arith.constant 0 : i32
        %dma_wait3A_131 = tpu.memref_slice %arg3[%dma_wait3A_129, %dma_wait3A_130] : memref<10000x128xf32, #tpu.memory_space<hbm>> -> memref<128x128xf32, #tpu.memory_space<hbm>>
        tpu.wait_dma2 semaphore(%arg14 : memref<!tpu.dma_semaphore, #tpu.memory_space<semaphore_mem>>) src(%dma_wait3A_131 : memref<128x128xf32, #tpu.memory_space<hbm>>) dst(%arg10 : memref<128x128xf32, #tpu.memory_space<vmem>>)
        %add3A_132 = arith.constant 2 : i32
        %add3A_133 = arith.addi %mul3A_125, %add3A_132 : i32
        %add3A_134 = arith.constant 0 : i32
        %add3A_135 = arith.addi %add3A_133, %add3A_134 : i32
        %mul3A_136 = arith.constant 128 : i32
        %mul3A_137 = arith.muli %add3A_135, %mul3A_136 : i32
        %add3A_138 = arith.addi %mul3A_18, %mul3A_137 : i32
        %dma_start3A_139 = tpu.memref_slice %arg4[%add3A_138] : memref<163840xi32, #tpu.memory_space<hbm>> -> memref<128xi32, #tpu.memory_space<hbm>>
        %dma_start3A_140 = tpu.memref_slice %arg4[%add3A_138] : memref<163840xi32, #tpu.memory_space<hbm>> -> memref<128xi32, #tpu.memory_space<hbm>>
        tpu.enqueue_dma source(%dma_start3A_140 : memref<128xi32, #tpu.memory_space<hbm>>) target(%arg12 : memref<128xi32, #tpu.memory_space<vmem>>) target_semaphore(%arg18 : memref<!tpu.dma_semaphore, #tpu.memory_space<semaphore_mem>>)
        %add3A_141 = arith.constant 0 : i32
        %add3A_142 = arith.addi %mul3A_125, %add3A_141 : i32
        %dma_start3A_143 = arith.constant 0 : i32
        %dma_start3A_144 = tpu.memref_slice %arg9[%add3A_142, %dma_start3A_143] : memref<80x128xi32, #tpu.memory_space<vmem>> -> memref<1x128xi32, #tpu.memory_space<vmem>>
        %dma_start3A_145 = tpu.memref_squeeze %dma_start3A_144 : memref<1x128xi32, #tpu.memory_space<vmem>> -> memref<128xi32, #tpu.memory_space<vmem>>
        %dma_start3A_146 = arith.constant 0 : i32
        %dma_start3A_147 = arith.constant 0 : i32
        %dma_start3A_148 = tpu.memref_slice %arg8[%dma_start3A_146, %dma_start3A_147] : memref<10112x128xf32, #tpu.memory_space<vmem_shared>> -> memref<10112x128xf32, #tpu.memory_space<vmem_shared>>
        tpu.enqueue_indirect_dma source(%arg10 : memref<128x128xf32, #tpu.memory_space<vmem>>) target(%dma_start3A_148 : memref<10112x128xf32, #tpu.memory_space<vmem_shared>>) offsets(%dma_start3A_145 : memref<128xi32, #tpu.memory_space<vmem>>) semaphore(%arg16 : memref<!tpu.dma_semaphore, #tpu.memory_space<semaphore_mem>>) {add = true}
        %dma_wait3A_149 = arith.constant 0 : i32
        %dma_wait3A_150 = arith.constant 0 : i32
        %dma_wait3A_151 = tpu.memref_slice %arg3[%dma_wait3A_149, %dma_wait3A_150] : memref<10000x128xf32, #tpu.memory_space<hbm>> -> memref<128x128xf32, #tpu.memory_space<hbm>>
        %dma_wait3A_152 = arith.constant 0 : i32
        %dma_wait3A_153 = arith.constant 0 : i32
        %dma_wait3A_154 = tpu.memref_slice %arg3[%dma_wait3A_152, %dma_wait3A_153] : memref<10000x128xf32, #tpu.memory_space<hbm>> -> memref<128x128xf32, #tpu.memory_space<hbm>>
        tpu.wait_dma2 semaphore(%arg15 : memref<!tpu.dma_semaphore, #tpu.memory_space<semaphore_mem>>) src(%dma_wait3A_154 : memref<128x128xf32, #tpu.memory_space<hbm>>) dst(%arg11 : memref<128x128xf32, #tpu.memory_space<vmem>>)
        %add3A_155 = arith.constant 2 : i32
        %add3A_156 = arith.addi %mul3A_125, %add3A_155 : i32
        %add3A_157 = arith.constant 1 : i32
        %add3A_158 = arith.addi %add3A_156, %add3A_157 : i32
        %mul3A_159 = arith.constant 128 : i32
        %mul3A_160 = arith.muli %add3A_158, %mul3A_159 : i32
        %add3A_161 = arith.addi %mul3A_18, %mul3A_160 : i32
        %dma_start3A_162 = tpu.memref_slice %arg4[%add3A_161] : memref<163840xi32, #tpu.memory_space<hbm>> -> memref<128xi32, #tpu.memory_space<hbm>>
        %dma_start3A_163 = tpu.memref_slice %arg4[%add3A_161] : memref<163840xi32, #tpu.memory_space<hbm>> -> memref<128xi32, #tpu.memory_space<hbm>>
        tpu.enqueue_dma source(%dma_start3A_163 : memref<128xi32, #tpu.memory_space<hbm>>) target(%arg13 : memref<128xi32, #tpu.memory_space<vmem>>) target_semaphore(%arg19 : memref<!tpu.dma_semaphore, #tpu.memory_space<semaphore_mem>>)
        %add3A_164 = arith.constant 1 : i32
        %add3A_165 = arith.addi %mul3A_125, %add3A_164 : i32
        %dma_start3A_166 = arith.constant 0 : i32
        %dma_start3A_167 = tpu.memref_slice %arg9[%add3A_165, %dma_start3A_166] : memref<80x128xi32, #tpu.memory_space<vmem>> -> memref<1x128xi32, #tpu.memory_space<vmem>>
        %dma_start3A_168 = tpu.memref_squeeze %dma_start3A_167 : memref<1x128xi32, #tpu.memory_space<vmem>> -> memref<128xi32, #tpu.memory_space<vmem>>
        %dma_start3A_169 = arith.constant 0 : i32
        %dma_start3A_170 = arith.constant 0 : i32
        %dma_start3A_171 = tpu.memref_slice %arg8[%dma_start3A_169, %dma_start3A_170] : memref<10112x128xf32, #tpu.memory_space<vmem_shared>> -> memref<10112x128xf32, #tpu.memory_space<vmem_shared>>
        tpu.enqueue_indirect_dma source(%arg11 : memref<128x128xf32, #tpu.memory_space<vmem>>) target(%dma_start3A_171 : memref<10112x128xf32, #tpu.memory_space<vmem_shared>>) offsets(%dma_start3A_168 : memref<128xi32, #tpu.memory_space<vmem>>) semaphore(%arg17 : memref<!tpu.dma_semaphore, #tpu.memory_space<semaphore_mem>>) {add = true}
        %dma_wait3A_172 = arith.constant 0 : i32
        %dma_wait3A_173 = arith.constant 0 : i32
        %dma_wait3A_174 = tpu.memref_slice %arg3[%dma_wait3A_172, %dma_wait3A_173] : memref<10000x128xf32, #tpu.memory_space<hbm>> -> memref<128x128xf32, #tpu.memory_space<hbm>>
        %dma_wait3A_175 = arith.constant 0 : i32
        %dma_wait3A_176 = arith.constant 0 : i32
        %dma_wait3A_177 = tpu.memref_slice %arg3[%dma_wait3A_175, %dma_wait3A_176] : memref<10000x128xf32, #tpu.memory_space<hbm>> -> memref<128x128xf32, #tpu.memory_space<hbm>>
        tpu.wait_dma2 semaphore(%arg16 : memref<!tpu.dma_semaphore, #tpu.memory_space<semaphore_mem>>) src(%dma_wait3A_177 : memref<128x128xf32, #tpu.memory_space<hbm>>) dst(%arg10 : memref<128x128xf32, #tpu.memory_space<vmem>>)
        %dma_wait3A_178 = arith.constant 0 : i32
        %dma_wait3A_179 = tpu.memref_slice %arg4[%dma_wait3A_178] : memref<163840xi32, #tpu.memory_space<hbm>> -> memref<128xi32, #tpu.memory_space<hbm>>
        %dma_wait3A_180 = arith.constant 0 : i32
        %dma_wait3A_181 = tpu.memref_slice %arg4[%dma_wait3A_180] : memref<163840xi32, #tpu.memory_space<hbm>> -> memref<128xi32, #tpu.memory_space<hbm>>
        tpu.wait_dma2 semaphore(%arg18 : memref<!tpu.dma_semaphore, #tpu.memory_space<semaphore_mem>>) src(%dma_wait3A_181 : memref<128xi32, #tpu.memory_space<hbm>>) dst(%arg12 : memref<128xi32, #tpu.memory_space<vmem>>)
        %dma_start3A_182 = arith.constant 0 : i32
        %dma_start3A_183 = arith.constant 0 : i32
        %dma_start3A_184 = tpu.memref_slice %arg3[%dma_start3A_182, %dma_start3A_183] : memref<10000x128xf32, #tpu.memory_space<hbm>> -> memref<10000x128xf32, #tpu.memory_space<hbm>>
        tpu.enqueue_indirect_dma source(%dma_start3A_184 : memref<10000x128xf32, #tpu.memory_space<hbm>>) target(%arg10 : memref<128x128xf32, #tpu.memory_space<vmem>>) offsets(%arg12 : memref<128xi32, #tpu.memory_space<vmem>>) semaphore(%arg14 : memref<!tpu.dma_semaphore, #tpu.memory_space<semaphore_mem>>)
        %dma_wait3A_185 = arith.constant 0 : i32
        %dma_wait3A_186 = arith.constant 0 : i32
        %dma_wait3A_187 = tpu.memref_slice %arg3[%dma_wait3A_185, %dma_wait3A_186] : memref<10000x128xf32, #tpu.memory_space<hbm>> -> memref<128x128xf32, #tpu.memory_space<hbm>>
        %dma_wait3A_188 = arith.constant 0 : i32
        %dma_wait3A_189 = arith.constant 0 : i32
        %dma_wait3A_190 = tpu.memref_slice %arg3[%dma_wait3A_188, %dma_wait3A_189] : memref<10000x128xf32, #tpu.memory_space<hbm>> -> memref<128x128xf32, #tpu.memory_space<hbm>>
        tpu.wait_dma2 semaphore(%arg17 : memref<!tpu.dma_semaphore, #tpu.memory_space<semaphore_mem>>) src(%dma_wait3A_190 : memref<128x128xf32, #tpu.memory_space<hbm>>) dst(%arg11 : memref<128x128xf32, #tpu.memory_space<vmem>>)
        %dma_wait3A_191 = arith.constant 0 : i32
        %dma_wait3A_192 = tpu.memref_slice %arg4[%dma_wait3A_191] : memref<163840xi32, #tpu.memory_space<hbm>> -> memref<128xi32, #tpu.memory_space<hbm>>
        %dma_wait3A_193 = arith.constant 0 : i32
        %dma_wait3A_194 = tpu.memref_slice %arg4[%dma_wait3A_193] : memref<163840xi32, #tpu.memory_space<hbm>> -> memref<128xi32, #tpu.memory_space<hbm>>
        tpu.wait_dma2 semaphore(%arg19 : memref<!tpu.dma_semaphore, #tpu.memory_space<semaphore_mem>>) src(%dma_wait3A_194 : memref<128xi32, #tpu.memory_space<hbm>>) dst(%arg13 : memref<128xi32, #tpu.memory_space<vmem>>)
        %dma_start3A_195 = arith.constant 0 : i32
        %dma_start3A_196 = arith.constant 0 : i32
        %dma_start3A_197 = tpu.memref_slice %arg3[%dma_start3A_195, %dma_start3A_196] : memref<10000x128xf32, #tpu.memory_space<hbm>> -> memref<10000x128xf32, #tpu.memory_space<hbm>>
        tpu.enqueue_indirect_dma source(%dma_start3A_197 : memref<10000x128xf32, #tpu.memory_space<hbm>>) target(%arg11 : memref<128x128xf32, #tpu.memory_space<vmem>>) offsets(%arg13 : memref<128xi32, #tpu.memory_space<vmem>>) semaphore(%arg15 : memref<!tpu.dma_semaphore, #tpu.memory_space<semaphore_mem>>)
      }
      %scan3A_84 = arith.constant 39 : i32
      %dma_wait3A_85 = arith.constant 0 : i32
      %dma_wait3A_86 = arith.constant 0 : i32
      %dma_wait3A_87 = tpu.memref_slice %arg3[%dma_wait3A_85, %dma_wait3A_86] : memref<10000x128xf32, #tpu.memory_space<hbm>> -> memref<128x128xf32, #tpu.memory_space<hbm>>
      %dma_wait3A_88 = arith.constant 0 : i32
      %dma_wait3A_89 = arith.constant 0 : i32
      %dma_wait3A_90 = tpu.memref_slice %arg3[%dma_wait3A_88, %dma_wait3A_89] : memref<10000x128xf32, #tpu.memory_space<hbm>> -> memref<128x128xf32, #tpu.memory_space<hbm>>
      tpu.wait_dma2 semaphore(%arg14 : memref<!tpu.dma_semaphore, #tpu.memory_space<semaphore_mem>>) src(%dma_wait3A_90 : memref<128x128xf32, #tpu.memory_space<hbm>>) dst(%arg10 : memref<128x128xf32, #tpu.memory_space<vmem>>)
      %dma_start3A_91 = arith.constant 78 : i32
      %dma_start3A_92 = arith.constant 0 : i32
      %dma_start3A_93 = tpu.memref_slice %arg9[%dma_start3A_91, %dma_start3A_92] : memref<80x128xi32, #tpu.memory_space<vmem>> -> memref<1x128xi32, #tpu.memory_space<vmem>>
      %dma_start3A_94 = tpu.memref_squeeze %dma_start3A_93 : memref<1x128xi32, #tpu.memory_space<vmem>> -> memref<128xi32, #tpu.memory_space<vmem>>
      %dma_start3A_95 = arith.constant 0 : i32
      %dma_start3A_96 = arith.constant 0 : i32
      %dma_start3A_97 = tpu.memref_slice %arg8[%dma_start3A_95, %dma_start3A_96] : memref<10112x128xf32, #tpu.memory_space<vmem_shared>> -> memref<10112x128xf32, #tpu.memory_space<vmem_shared>>
      tpu.enqueue_indirect_dma source(%arg10 : memref<128x128xf32, #tpu.memory_space<vmem>>) target(%dma_start3A_97 : memref<10112x128xf32, #tpu.memory_space<vmem_shared>>) offsets(%dma_start3A_94 : memref<128xi32, #tpu.memory_space<vmem>>) semaphore(%arg16 : memref<!tpu.dma_semaphore, #tpu.memory_space<semaphore_mem>>) {add = true}
      %dma_wait3A_98 = arith.constant 0 : i32
      %dma_wait3A_99 = arith.constant 0 : i32
      %dma_wait3A_100 = tpu.memref_slice %arg3[%dma_wait3A_98, %dma_wait3A_99] : memref<10000x128xf32, #tpu.memory_space<hbm>> -> memref<128x128xf32, #tpu.memory_space<hbm>>
      %dma_wait3A_101 = arith.constant 0 : i32
      %dma_wait3A_102 = arith.constant 0 : i32
      %dma_wait3A_103 = tpu.memref_slice %arg3[%dma_wait3A_101, %dma_wait3A_102] : memref<10000x128xf32, #tpu.memory_space<hbm>> -> memref<128x128xf32, #tpu.memory_space<hbm>>
      tpu.wait_dma2 semaphore(%arg15 : memref<!tpu.dma_semaphore, #tpu.memory_space<semaphore_mem>>) src(%dma_wait3A_103 : memref<128x128xf32, #tpu.memory_space<hbm>>) dst(%arg11 : memref<128x128xf32, #tpu.memory_space<vmem>>)
      %dma_start3A_104 = arith.constant 79 : i32
      %dma_start3A_105 = arith.constant 0 : i32
      %dma_start3A_106 = tpu.memref_slice %arg9[%dma_start3A_104, %dma_start3A_105] : memref<80x128xi32, #tpu.memory_space<vmem>> -> memref<1x128xi32, #tpu.memory_space<vmem>>
      %dma_start3A_107 = tpu.memref_squeeze %dma_start3A_106 : memref<1x128xi32, #tpu.memory_space<vmem>> -> memref<128xi32, #tpu.memory_space<vmem>>
      %dma_start3A_108 = arith.constant 0 : i32
      %dma_start3A_109 = arith.constant 0 : i32
      %dma_start3A_110 = tpu.memref_slice %arg8[%dma_start3A_108, %dma_start3A_109] : memref<10112x128xf32, #tpu.memory_space<vmem_shared>> -> memref<10112x128xf32, #tpu.memory_space<vmem_shared>>
      tpu.enqueue_indirect_dma source(%arg11 : memref<128x128xf32, #tpu.memory_space<vmem>>) target(%dma_start3A_110 : memref<10112x128xf32, #tpu.memory_space<vmem_shared>>) offsets(%dma_start3A_107 : memref<128xi32, #tpu.memory_space<vmem>>) semaphore(%arg17 : memref<!tpu.dma_semaphore, #tpu.memory_space<semaphore_mem>>) {add = true}
      %dma_wait3A_111 = arith.constant 0 : i32
      %dma_wait3A_112 = arith.constant 0 : i32
      %dma_wait3A_113 = tpu.memref_slice %arg3[%dma_wait3A_111, %dma_wait3A_112] : memref<10000x128xf32, #tpu.memory_space<hbm>> -> memref<128x128xf32, #tpu.memory_space<hbm>>
      %dma_wait3A_114 = arith.constant 0 : i32
      %dma_wait3A_115 = arith.constant 0 : i32
      %dma_wait3A_116 = tpu.memref_slice %arg3[%dma_wait3A_114, %dma_wait3A_115] : memref<10000x128xf32, #tpu.memory_space<hbm>> -> memref<128x128xf32, #tpu.memory_space<hbm>>
      tpu.wait_dma2 semaphore(%arg16 : memref<!tpu.dma_semaphore, #tpu.memory_space<semaphore_mem>>) src(%dma_wait3A_116 : memref<128x128xf32, #tpu.memory_space<hbm>>) dst(%arg10 : memref<128x128xf32, #tpu.memory_space<vmem>>)
      %dma_wait3A_117 = arith.constant 0 : i32
      %dma_wait3A_118 = arith.constant 0 : i32
      %dma_wait3A_119 = tpu.memref_slice %arg3[%dma_wait3A_117, %dma_wait3A_118] : memref<10000x128xf32, #tpu.memory_space<hbm>> -> memref<128x128xf32, #tpu.memory_space<hbm>>
      %dma_wait3A_120 = arith.constant 0 : i32
      %dma_wait3A_121 = arith.constant 0 : i32
      %dma_wait3A_122 = tpu.memref_slice %arg3[%dma_wait3A_120, %dma_wait3A_121] : memref<10000x128xf32, #tpu.memory_space<hbm>> -> memref<128x128xf32, #tpu.memory_space<hbm>>
      tpu.wait_dma2 semaphore(%arg17 : memref<!tpu.dma_semaphore, #tpu.memory_space<semaphore_mem>>) src(%dma_wait3A_122 : memref<128x128xf32, #tpu.memory_space<hbm>>) dst(%arg11 : memref<128x128xf32, #tpu.memory_space<vmem>>)
    } else {
    }
    %barrier3A_26 = arith.constant 0 : index
    tpu.barrier barrier_id(%barrier3A_26)
    %mul3A_27 = arith.constant 632 : i32
    %mul3A_28 = arith.muli %arg1, %mul3A_27 : i32
    %eq3A_29 = arith.constant 0 : i32
    %eq3A_30 = arith.cmpi eq, %arg0, %eq3A_29 : i32
    %lt3A = arith.constant 15 : i32
    %lt3A_31 = arith.cmpi slt, %arg1, %lt3A : i32
    %and3A = arith.andi %eq3A_30, %lt3A_31 : i1
    %convert_element_type3A_32 = arith.extui %and3A : i1 to i32
    %cond3A_33 = arith.constant 0 : i32
    %cond3A_34 = arith.cmpi ne, %convert_element_type3A_32, %cond3A_33 : i32
    scf.if %cond3A_34 {
      "tpu.region"() ({
        %run_scoped3A = tpu.sem_alloc : memref<!tpu.dma_semaphore, #tpu.memory_space<semaphore_mem>>
        %dma_start3A = arith.constant 0 : i32
        %dma_start3A_59 = tpu.memref_slice %arg6[%mul3A_28, %dma_start3A] : memref<10000x128xf32, #tpu.memory_space<hbm>> -> memref<632x128xf32, #tpu.memory_space<hbm>>
        %dma_start3A_60 = arith.constant 0 : i32
        %dma_start3A_61 = tpu.memref_slice %arg8[%mul3A_28, %dma_start3A_60] : memref<10112x128xf32, #tpu.memory_space<vmem_shared>> -> memref<632x128xf32, #tpu.memory_space<vmem_shared>>
        tpu.enqueue_dma source(%dma_start3A_61 : memref<632x128xf32, #tpu.memory_space<vmem_shared>>) target(%dma_start3A_59 : memref<632x128xf32, #tpu.memory_space<hbm>>) target_semaphore(%run_scoped3A : memref<!tpu.dma_semaphore, #tpu.memory_space<semaphore_mem>>)
        %dma_wait3A = arith.constant 0 : i32
        %dma_wait3A_62 = tpu.memref_slice %arg6[%mul3A_28, %dma_wait3A] : memref<10000x128xf32, #tpu.memory_space<hbm>> -> memref<632x128xf32, #tpu.memory_space<hbm>>
        %dma_wait3A_63 = arith.constant 0 : i32
        %dma_wait3A_64 = tpu.memref_slice %arg8[%mul3A_28, %dma_wait3A_63] : memref<10112x128xf32, #tpu.memory_space<vmem_shared>> -> memref<632x128xf32, #tpu.memory_space<vmem_shared>>
        tpu.wait_dma2 semaphore(%run_scoped3A : memref<!tpu.dma_semaphore, #tpu.memory_space<semaphore_mem>>) src(%dma_wait3A_64 : memref<632x128xf32, #tpu.memory_space<vmem_shared>>) dst(%dma_wait3A_62 : memref<632x128xf32, #tpu.memory_space<hbm>>)
        tpu.yield
      }) : () -> ()
    } else {
    }
    %eq3A_35 = arith.constant 0 : i32
    %eq3A_36 = arith.cmpi eq, %arg0, %eq3A_35 : i32
    %eq3A_37 = arith.constant 15 : i32
    %eq3A_38 = arith.cmpi eq, %arg1, %eq3A_37 : i32
    %and3A_39 = arith.andi %eq3A_36, %eq3A_38 : i1
    %convert_element_type3A_40 = arith.extui %and3A_39 : i1 to i32
    %cond3A_41 = arith.constant 0 : i32
    %cond3A_42 = arith.cmpi ne, %convert_element_type3A_40, %cond3A_41 : i32
    scf.if %cond3A_42 {
      "tpu.region"() ({
        %run_scoped3A = tpu.sem_alloc : memref<!tpu.dma_semaphore, #tpu.memory_space<semaphore_mem>>
        %dma_start3A = arith.constant 9480 : i32
        %dma_start3A_59 = arith.constant 0 : i32
        %dma_start3A_60 = tpu.memref_slice %arg6[%dma_start3A, %dma_start3A_59] : memref<10000x128xf32, #tpu.memory_space<hbm>> -> memref<520x128xf32, #tpu.memory_space<hbm>>
        %dma_start3A_61 = arith.constant 9480 : i32
        %dma_start3A_62 = arith.constant 0 : i32
        %dma_start3A_63 = tpu.memref_slice %arg8[%dma_start3A_61, %dma_start3A_62] : memref<10112x128xf32, #tpu.memory_space<vmem_shared>> -> memref<520x128xf32, #tpu.memory_space<vmem_shared>>
        tpu.enqueue_dma source(%dma_start3A_63 : memref<520x128xf32, #tpu.memory_space<vmem_shared>>) target(%dma_start3A_60 : memref<520x128xf32, #tpu.memory_space<hbm>>) target_semaphore(%run_scoped3A : memref<!tpu.dma_semaphore, #tpu.memory_space<semaphore_mem>>)
        %dma_wait3A = arith.constant 9480 : i32
        %dma_wait3A_64 = arith.constant 0 : i32
        %dma_wait3A_65 = tpu.memref_slice %arg6[%dma_wait3A, %dma_wait3A_64] : memref<10000x128xf32, #tpu.memory_space<hbm>> -> memref<520x128xf32, #tpu.memory_space<hbm>>
        %dma_wait3A_66 = arith.constant 9480 : i32
        %dma_wait3A_67 = arith.constant 0 : i32
        %dma_wait3A_68 = tpu.memref_slice %arg8[%dma_wait3A_66, %dma_wait3A_67] : memref<10112x128xf32, #tpu.memory_space<vmem_shared>> -> memref<520x128xf32, #tpu.memory_space<vmem_shared>>
        tpu.wait_dma2 semaphore(%run_scoped3A : memref<!tpu.dma_semaphore, #tpu.memory_space<semaphore_mem>>) src(%dma_wait3A_68 : memref<520x128xf32, #tpu.memory_space<vmem_shared>>) dst(%dma_wait3A_65 : memref<520x128xf32, #tpu.memory_space<hbm>>)
        tpu.yield
      }) : () -> ()
    } else {
    }
    %eq3A_43 = arith.constant 1 : i32
    %eq3A_44 = arith.cmpi eq, %arg0, %eq3A_43 : i32
    %lt3A_45 = arith.constant 15 : i32
    %lt3A_46 = arith.cmpi slt, %arg1, %lt3A_45 : i32
    %and3A_47 = arith.andi %eq3A_44, %lt3A_46 : i1
    %convert_element_type3A_48 = arith.extui %and3A_47 : i1 to i32
    %cond3A_49 = arith.constant 0 : i32
    %cond3A_50 = arith.cmpi ne, %convert_element_type3A_48, %cond3A_49 : i32
    scf.if %cond3A_50 {
      "tpu.region"() ({
        %run_scoped3A = tpu.sem_alloc : memref<!tpu.dma_semaphore, #tpu.memory_space<semaphore_mem>>
        %dma_start3A = arith.constant 0 : i32
        %dma_start3A_59 = tpu.memref_slice %arg7[%mul3A_28, %dma_start3A] : memref<10000x128xf32, #tpu.memory_space<hbm>> -> memref<632x128xf32, #tpu.memory_space<hbm>>
        %dma_start3A_60 = arith.constant 0 : i32
        %dma_start3A_61 = tpu.memref_slice %arg8[%mul3A_28, %dma_start3A_60] : memref<10112x128xf32, #tpu.memory_space<vmem_shared>> -> memref<632x128xf32, #tpu.memory_space<vmem_shared>>
        tpu.enqueue_dma source(%dma_start3A_61 : memref<632x128xf32, #tpu.memory_space<vmem_shared>>) target(%dma_start3A_59 : memref<632x128xf32, #tpu.memory_space<hbm>>) target_semaphore(%run_scoped3A : memref<!tpu.dma_semaphore, #tpu.memory_space<semaphore_mem>>)
        %dma_wait3A = arith.constant 0 : i32
        %dma_wait3A_62 = tpu.memref_slice %arg7[%mul3A_28, %dma_wait3A] : memref<10000x128xf32, #tpu.memory_space<hbm>> -> memref<632x128xf32, #tpu.memory_space<hbm>>
        %dma_wait3A_63 = arith.constant 0 : i32
        %dma_wait3A_64 = tpu.memref_slice %arg8[%mul3A_28, %dma_wait3A_63] : memref<10112x128xf32, #tpu.memory_space<vmem_shared>> -> memref<632x128xf32, #tpu.memory_space<vmem_shared>>
        tpu.wait_dma2 semaphore(%run_scoped3A : memref<!tpu.dma_semaphore, #tpu.memory_space<semaphore_mem>>) src(%dma_wait3A_64 : memref<632x128xf32, #tpu.memory_space<vmem_shared>>) dst(%dma_wait3A_62 : memref<632x128xf32, #tpu.memory_space<hbm>>)
        tpu.yield
      }) : () -> ()
    } else {
    }
    %eq3A_51 = arith.constant 1 : i32
    %eq3A_52 = arith.cmpi eq, %arg0, %eq3A_51 : i32
    %eq3A_53 = arith.constant 15 : i32
    %eq3A_54 = arith.cmpi eq, %arg1, %eq3A_53 : i32
    %and3A_55 = arith.andi %eq3A_52, %eq3A_54 : i1
    %convert_element_type3A_56 = arith.extui %and3A_55 : i1 to i32
    %cond3A_57 = arith.constant 0 : i32
    %cond3A_58 = arith.cmpi ne, %convert_element_type3A_56, %cond3A_57 : i32
    scf.if %cond3A_58 {
      "tpu.region"() ({
        %run_scoped3A = tpu.sem_alloc : memref<!tpu.dma_semaphore, #tpu.memory_space<semaphore_mem>>
        %dma_start3A = arith.constant 9480 : i32
        %dma_start3A_59 = arith.constant 0 : i32
        %dma_start3A_60 = tpu.memref_slice %arg7[%dma_start3A, %dma_start3A_59] : memref<10000x128xf32, #tpu.memory_space<hbm>> -> memref<520x128xf32, #tpu.memory_space<hbm>>
        %dma_start3A_61 = arith.constant 9480 : i32
        %dma_start3A_62 = arith.constant 0 : i32
        %dma_start3A_63 = tpu.memref_slice %arg8[%dma_start3A_61, %dma_start3A_62] : memref<10112x128xf32, #tpu.memory_space<vmem_shared>> -> memref<520x128xf32, #tpu.memory_space<vmem_shared>>
        tpu.enqueue_dma source(%dma_start3A_63 : memref<520x128xf32, #tpu.memory_space<vmem_shared>>) target(%dma_start3A_60 : memref<520x128xf32, #tpu.memory_space<hbm>>) target_semaphore(%run_scoped3A : memref<!tpu.dma_semaphore, #tpu.memory_space<semaphore_mem>>)
        %dma_wait3A = arith.constant 9480 : i32
        %dma_wait3A_64 = arith.constant 0 : i32
        %dma_wait3A_65 = tpu.memref_slice %arg7[%dma_wait3A, %dma_wait3A_64] : memref<10000x128xf32, #tpu.memory_space<hbm>> -> memref<520x128xf32, #tpu.memory_space<hbm>>
        %dma_wait3A_66 = arith.constant 9480 : i32
        %dma_wait3A_67 = arith.constant 0 : i32
        %dma_wait3A_68 = tpu.memref_slice %arg8[%dma_wait3A_66, %dma_wait3A_67] : memref<10112x128xf32, #tpu.memory_space<vmem_shared>> -> memref<520x128xf32, #tpu.memory_space<vmem_shared>>
        tpu.wait_dma2 semaphore(%run_scoped3A : memref<!tpu.dma_semaphore, #tpu.memory_space<semaphore_mem>>) src(%dma_wait3A_68 : memref<520x128xf32, #tpu.memory_space<vmem_shared>>) dst(%dma_wait3A_65 : memref<520x128xf32, #tpu.memory_space<hbm>>)
        tpu.yield
      }) : () -> ()
    } else {
    }
    return
  }
}

module attributes {stable_mosaic.version = 14 : i64} {
  func.func @_tc1_body(%arg0: i32, %arg1: memref<400x256xf32, #tpu.memory_space<vmem>>, %arg2: memref<256x256xf32, #tpu.memory_space<vmem>>, %arg3: memref<1x256xf32, #tpu.memory_space<vmem>>, %arg4: memref<256x256xf32, #tpu.memory_space<vmem>>, %arg5: memref<1x256xf32, #tpu.memory_space<vmem>>, %arg6: memref<400x128xf32, #tpu.memory_space<vmem>>, %arg7: memref<400x128xf32, #tpu.memory_space<vmem>>) attributes {dimension_semantics = [#tpu.dimension_semantics<arbitrary>], iteration_bounds = array<i64: 25>, scalar_prefetch = 0 : i64, scratch_operands = 0 : i64, tpu.core_type = #tpu.core_type<tc>, window_params = [{transform_indices = @transform_0, window_bounds = array<i64: 400, 256>}, {pipeline_mode = #tpu.pipeline_mode<synchronous>, transform_indices = @transform_1, window_bounds = array<i64: 256, 256>}, {pipeline_mode = #tpu.pipeline_mode<synchronous>, transform_indices = @transform_2, window_bounds = array<i64: 1, 256>}, {pipeline_mode = #tpu.pipeline_mode<synchronous>, transform_indices = @transform_3, window_bounds = array<i64: 256, 256>}, {pipeline_mode = #tpu.pipeline_mode<synchronous>, transform_indices = @transform_4, window_bounds = array<i64: 1, 256>}, {transform_indices = @transform_5, window_bounds = array<i64: 400, 128>}, {transform_indices = @transform_6, window_bounds = array<i64: 400, 128>}]} {
    %get3A = arith.constant 0 : index
    %get3A_0 = arith.constant 0 : index
    %get3A_1 = vector.load %arg1[%get3A, %get3A_0] : memref<400x256xf32, #tpu.memory_space<vmem>>, vector<400x256xf32>
    %get3A_2 = arith.constant 0 : index
    %get3A_3 = arith.constant 0 : index
    %get3A_4 = vector.load %arg2[%get3A_2, %get3A_3] : memref<256x256xf32, #tpu.memory_space<vmem>>, vector<256x256xf32>
    %dot_general3A = arith.constant dense<0.000000e+00> : vector<400x256xf32>
    %dot_general3A_5 = tpu.matmul %get3A_1, %get3A_4, %dot_general3A {dimension_numbers = #tpu.dot_dimension_numbers<[1], [1], [0], [0], [0, 0, 1, 0], [], []>, transpose_lhs_hint = false} : vector<400x256xf32>, vector<256x256xf32>, vector<400x256xf32> -> vector<400x256xf32>
    %get3A_6 = arith.constant 0 : index
    %get3A_7 = arith.constant 0 : index
    %get3A_8 = vector.load %arg3[%get3A_6, %get3A_7] : memref<1x256xf32, #tpu.memory_space<vmem>>, vector<1x256xf32>
    %add3A = vector.broadcast %get3A_8 : vector<1x256xf32> to vector<400x256xf32>
    %add3A_9 = arith.addf %dot_general3A_5, %add3A : vector<400x256xf32>
    %max3A = arith.constant 0.000000e+00 : f32
    %max3A_10 = vector.broadcast %max3A : f32 to vector<400x256xf32>
    %max3A_11 = arith.maximumf %add3A_9, %max3A_10 : vector<400x256xf32>
    %get3A_12 = arith.constant 0 : index
    %get3A_13 = arith.constant 0 : index
    %get3A_14 = vector.load %arg4[%get3A_12, %get3A_13] : memref<256x256xf32, #tpu.memory_space<vmem>>, vector<256x256xf32>
    %dot_general3A_15 = arith.constant dense<0.000000e+00> : vector<400x256xf32>
    %dot_general3A_16 = tpu.matmul %max3A_11, %get3A_14, %dot_general3A_15 {dimension_numbers = #tpu.dot_dimension_numbers<[1], [1], [0], [0], [0, 0, 1, 0], [], []>, transpose_lhs_hint = false} : vector<400x256xf32>, vector<256x256xf32>, vector<400x256xf32> -> vector<400x256xf32>
    %get3A_17 = arith.constant 0 : index
    %get3A_18 = arith.constant 0 : index
    %get3A_19 = vector.load %arg5[%get3A_17, %get3A_18] : memref<1x256xf32, #tpu.memory_space<vmem>>, vector<1x256xf32>
    %add3A_20 = vector.broadcast %get3A_19 : vector<1x256xf32> to vector<400x256xf32>
    %add3A_21 = arith.addf %dot_general3A_16, %add3A_20 : vector<400x256xf32>
    %slice3A = vector.extract_strided_slice %add3A_21 {offsets = [0, 0], sizes = [400, 128], strides = [1, 1]} : vector<400x256xf32> to vector<400x128xf32>
    %swap3A = arith.constant 0 : index
    %swap3A_22 = arith.constant 0 : index
    %swap3A_23 = vector.load %arg6[%swap3A, %swap3A_22] : memref<400x128xf32, #tpu.memory_space<vmem>>, vector<400x128xf32>
    tpu.vector_store %arg6[%swap3A, %swap3A_22], %slice3A {strides = array<i32>} : memref<400x128xf32, #tpu.memory_space<vmem>>, vector<400x128xf32>,
    %slice3A_24 = vector.extract_strided_slice %add3A_21 {offsets = [0, 128], sizes = [400, 128], strides = [1, 1]} : vector<400x256xf32> to vector<400x128xf32>
    %swap3A_25 = arith.constant 0 : index
    %swap3A_26 = arith.constant 0 : index
    %swap3A_27 = vector.load %arg7[%swap3A_25, %swap3A_26] : memref<400x128xf32, #tpu.memory_space<vmem>>, vector<400x128xf32>
    tpu.vector_store %arg7[%swap3A_25, %swap3A_26], %slice3A_24 {strides = array<i32>} : memref<400x128xf32, #tpu.memory_space<vmem>>, vector<400x128xf32>,
    return
  }
  func.func @transform_0(%arg0: i32) -> (i32, i32) {
    %c0_i32 = arith.constant 0 : i32
    %c0_i32_0 = arith.constant 0 : i32
    return %arg0, %c0_i32 : i32, i32
  }
  func.func @transform_1(%arg0: i32) -> (i32, i32) {
    %c0_i32 = arith.constant 0 : i32
    %c0_i32_0 = arith.constant 0 : i32
    %c0_i32_1 = arith.constant 0 : i32
    return %c0_i32, %c0_i32_0 : i32, i32
  }
  func.func @transform_2(%arg0: i32) -> (i32, i32) {
    %c0_i32 = arith.constant 0 : i32
    %c0_i32_0 = arith.constant 0 : i32
    %c0_i32_1 = arith.constant 0 : i32
    return %c0_i32, %c0_i32_0 : i32, i32
  }
  func.func @transform_3(%arg0: i32) -> (i32, i32) {
    %c0_i32 = arith.constant 0 : i32
    %c0_i32_0 = arith.constant 0 : i32
    %c0_i32_1 = arith.constant 0 : i32
    return %c0_i32, %c0_i32_0 : i32, i32
  }
  func.func @transform_4(%arg0: i32) -> (i32, i32) {
    %c0_i32 = arith.constant 0 : i32
    %c0_i32_0 = arith.constant 0 : i32
    %c0_i32_1 = arith.constant 0 : i32
    return %c0_i32, %c0_i32_0 : i32, i32
  }
  func.func @transform_5(%arg0: i32) -> (i32, i32) {
    %c0_i32 = arith.constant 0 : i32
    %c0_i32_0 = arith.constant 0 : i32
    return %arg0, %c0_i32 : i32, i32
  }
  func.func @transform_6(%arg0: i32) -> (i32, i32) {
    %c0_i32 = arith.constant 0 : i32
    %c0_i32_0 = arith.constant 0 : i32
    return %arg0, %c0_i32 : i32, i32
  }
}

module attributes {stable_mosaic.version = 14 : i64} {
  func.func @_tc2_body(%arg0: i32, %arg1: memref<1x1xf32, #tpu.memory_space<smem>>, %arg2: memref<400x128xf32, #tpu.memory_space<vmem>>, %arg3: memref<400x128xf32, #tpu.memory_space<vmem>>, %arg4: memref<400x128xf32, #tpu.memory_space<vmem>>, %arg5: memref<400x128xf32, #tpu.memory_space<vmem>>, %arg6: memref<400x128xf32, #tpu.memory_space<vmem>>, %arg7: memref<400x128xf32, #tpu.memory_space<vmem>>, %arg8: memref<256x256xf32, #tpu.memory_space<vmem>>, %arg9: memref<1x256xf32, #tpu.memory_space<vmem>>, %arg10: memref<256x256xf32, #tpu.memory_space<vmem>>, %arg11: memref<1x256xf32, #tpu.memory_space<vmem>>, %arg12: memref<256x256xf32, #tpu.memory_space<vmem>>, %arg13: memref<1x256xf32, #tpu.memory_space<vmem>>, %arg14: memref<400x128xf32, #tpu.memory_space<vmem>>, %arg15: memref<400x128xf32, #tpu.memory_space<vmem>>) attributes {dimension_semantics = [#tpu.dimension_semantics<arbitrary>], iteration_bounds = array<i64: 25>, scalar_prefetch = 0 : i64, scratch_operands = 0 : i64, tpu.core_type = #tpu.core_type<tc>, window_params = [{transform_indices = @transform_0, window_bounds = array<i64: 1, 1>}, {transform_indices = @transform_1, window_bounds = array<i64: 400, 128>}, {transform_indices = @transform_2, window_bounds = array<i64: 400, 128>}, {transform_indices = @transform_3, window_bounds = array<i64: 400, 128>}, {transform_indices = @transform_4, window_bounds = array<i64: 400, 128>}, {transform_indices = @transform_5, window_bounds = array<i64: 400, 128>}, {transform_indices = @transform_6, window_bounds = array<i64: 400, 128>}, {pipeline_mode = #tpu.pipeline_mode<synchronous>, transform_indices = @transform_7, window_bounds = array<i64: 256, 256>}, {pipeline_mode = #tpu.pipeline_mode<synchronous>, transform_indices = @transform_8, window_bounds = array<i64: 1, 256>}, {pipeline_mode = #tpu.pipeline_mode<synchronous>, transform_indices = @transform_9, window_bounds = array<i64: 256, 256>}, {pipeline_mode = #tpu.pipeline_mode<synchronous>, transform_indices = @transform_10, window_bounds = array<i64: 1, 256>}, {pipeline_mode = #tpu.pipeline_mode<synchronous>, transform_indices = @transform_11, window_bounds = array<i64: 256, 256>}, {pipeline_mode = #tpu.pipeline_mode<synchronous>, transform_indices = @transform_12, window_bounds = array<i64: 1, 256>}, {transform_indices = @transform_13, window_bounds = array<i64: 400, 128>}, {transform_indices = @transform_14, window_bounds = array<i64: 400, 128>}]} {
    %get3A = arith.constant 0 : index
    %get3A_0 = arith.constant 0 : index
    %get3A_1 = memref.load %arg1[%get3A, %get3A_0] : memref<1x1xf32, #tpu.memory_space<smem>>
    %logistic3A = arith.negf %get3A_1 : f32
    %logistic3A_2 = math.exp %logistic3A : f32
    %logistic3A_3 = arith.constant 1.000000e+00 : f32
    %logistic3A_4 = arith.addf %logistic3A_3, %logistic3A_2 : f32
    %logistic3A_5 = arith.divf %logistic3A_3, %logistic3A_4 : f32
    %get3A_6 = arith.constant 0 : index
    %get3A_7 = arith.constant 0 : index
    %get3A_8 = vector.load %arg2[%get3A_6, %get3A_7] : memref<400x128xf32, #tpu.memory_space<vmem>>, vector<400x128xf32>
    %slice3A = vector.extract_strided_slice %get3A_8 {offsets = [0, 0], sizes = [400, 1], strides = [1, 1]} : vector<400x128xf32> to vector<400x1xf32>
    %get3A_9 = arith.constant 0 : index
    %get3A_10 = arith.constant 0 : index
    %get3A_11 = vector.load %arg3[%get3A_9, %get3A_10] : memref<400x128xf32, #tpu.memory_space<vmem>>, vector<400x128xf32>
    %slice3A_12 = vector.extract_strided_slice %get3A_11 {offsets = [0, 0], sizes = [400, 1], strides = [1, 1]} : vector<400x128xf32> to vector<400x1xf32>
    %add3A = arith.addf %slice3A, %slice3A_12 : vector<400x1xf32>
    %max3A = arith.constant 1.000000e+00 : f32
    %max3A_13 = vector.broadcast %max3A : f32 to vector<400x1xf32>
    %max3A_14 = arith.maximumf %add3A, %max3A_13 : vector<400x1xf32>
    %div3A = arith.constant 1.000000e+00 : f32
    %div3A_15 = vector.broadcast %div3A : f32 to vector<400x1xf32>
    %div3A_16 = arith.divf %div3A_15, %max3A_14 : vector<400x1xf32>
    %gt3A = arith.constant 0.000000e+00 : f32
    %gt3A_17 = vector.broadcast %gt3A : f32 to vector<400x1xf32>
    %gt3A_18 = arith.cmpf ogt, %add3A, %gt3A_17 : vector<400x1xf32>
    %convert_element_type3A = arith.extui %gt3A_18 : vector<400x1xi1> to vector<400x1xi32>
    %convert_element_type3A_19 = arith.sitofp %convert_element_type3A : vector<400x1xi32> to vector<400x1xf32>
    %get3A_20 = arith.constant 0 : index
    %get3A_21 = arith.constant 0 : index
    %get3A_22 = vector.load %arg6[%get3A_20, %get3A_21] : memref<400x128xf32, #tpu.memory_space<vmem>>, vector<400x128xf32>
    %get3A_23 = arith.constant 0 : index
    %get3A_24 = arith.constant 0 : index
    %get3A_25 = vector.load %arg7[%get3A_23, %get3A_24] : memref<400x128xf32, #tpu.memory_space<vmem>>, vector<400x128xf32>
    %concatenate3A = tpu.concatenate %get3A_22, %get3A_25 in 1 : vector<400x128xf32>, vector<400x128xf32> -> vector<400x256xf32>
    %mul3A = vector.broadcast %div3A_16 : vector<400x1xf32> to vector<400x256xf32>
    %mul3A_26 = arith.mulf %concatenate3A, %mul3A : vector<400x256xf32>
    %get3A_27 = arith.constant 0 : index
    %get3A_28 = arith.constant 0 : index
    %get3A_29 = vector.load %arg8[%get3A_27, %get3A_28] : memref<256x256xf32, #tpu.memory_space<vmem>>, vector<256x256xf32>
    %dot_general3A = arith.constant dense<0.000000e+00> : vector<400x256xf32>
    %dot_general3A_30 = tpu.matmul %mul3A_26, %get3A_29, %dot_general3A {dimension_numbers = #tpu.dot_dimension_numbers<[1], [1], [0], [0], [0, 0, 1, 0], [], []>, transpose_lhs_hint = false} : vector<400x256xf32>, vector<256x256xf32>, vector<400x256xf32> -> vector<400x256xf32>
    %get3A_31 = arith.constant 0 : index
    %get3A_32 = arith.constant 0 : index
    %get3A_33 = vector.load %arg9[%get3A_31, %get3A_32] : memref<1x256xf32, #tpu.memory_space<vmem>>, vector<1x256xf32>
    %mul3A_34 = vector.broadcast %convert_element_type3A_19 : vector<400x1xf32> to vector<400x256xf32>
    %mul3A_35 = vector.broadcast %get3A_33 : vector<1x256xf32> to vector<400x256xf32>
    %mul3A_36 = arith.mulf %mul3A_34, %mul3A_35 : vector<400x256xf32>
    %add3A_37 = arith.addf %dot_general3A_30, %mul3A_36 : vector<400x256xf32>
    %get3A_38 = arith.constant 0 : index
    %get3A_39 = arith.constant 0 : index
    %get3A_40 = vector.load %arg4[%get3A_38, %get3A_39] : memref<400x128xf32, #tpu.memory_space<vmem>>, vector<400x128xf32>
    %get3A_41 = arith.constant 0 : index
    %get3A_42 = arith.constant 0 : index
    %get3A_43 = vector.load %arg5[%get3A_41, %get3A_42] : memref<400x128xf32, #tpu.memory_space<vmem>>, vector<400x128xf32>
    %concatenate3A_44 = tpu.concatenate %get3A_40, %get3A_43 in 1 : vector<400x128xf32>, vector<400x128xf32> -> vector<400x256xf32>
    %mul3A_45 = vector.broadcast %logistic3A_5 : f32 to vector<400x256xf32>
    %mul3A_46 = arith.mulf %mul3A_45, %add3A_37 : vector<400x256xf32>
    %sub3A = arith.subf %concatenate3A_44, %mul3A_46 : vector<400x256xf32>
    %max3A_47 = arith.constant 0.000000e+00 : f32
    %max3A_48 = vector.broadcast %max3A_47 : f32 to vector<400x256xf32>
    %max3A_49 = arith.maximumf %sub3A, %max3A_48 : vector<400x256xf32>
    %get3A_50 = arith.constant 0 : index
    %get3A_51 = arith.constant 0 : index
    %get3A_52 = vector.load %arg10[%get3A_50, %get3A_51] : memref<256x256xf32, #tpu.memory_space<vmem>>, vector<256x256xf32>
    %dot_general3A_53 = arith.constant dense<0.000000e+00> : vector<400x256xf32>
    %dot_general3A_54 = tpu.matmul %max3A_49, %get3A_52, %dot_general3A_53 {dimension_numbers = #tpu.dot_dimension_numbers<[1], [1], [0], [0], [0, 0, 1, 0], [], []>, transpose_lhs_hint = false} : vector<400x256xf32>, vector<256x256xf32>, vector<400x256xf32> -> vector<400x256xf32>
    %get3A_55 = arith.constant 0 : index
    %get3A_56 = arith.constant 0 : index
    %get3A_57 = vector.load %arg11[%get3A_55, %get3A_56] : memref<1x256xf32, #tpu.memory_space<vmem>>, vector<1x256xf32>
    %add3A_58 = vector.broadcast %get3A_57 : vector<1x256xf32> to vector<400x256xf32>
    %add3A_59 = arith.addf %dot_general3A_54, %add3A_58 : vector<400x256xf32>
    %max3A_60 = arith.constant 0.000000e+00 : f32
    %max3A_61 = vector.broadcast %max3A_60 : f32 to vector<400x256xf32>
    %max3A_62 = arith.maximumf %add3A_59, %max3A_61 : vector<400x256xf32>
    %get3A_63 = arith.constant 0 : index
    %get3A_64 = arith.constant 0 : index
    %get3A_65 = vector.load %arg12[%get3A_63, %get3A_64] : memref<256x256xf32, #tpu.memory_space<vmem>>, vector<256x256xf32>
    %dot_general3A_66 = arith.constant dense<0.000000e+00> : vector<400x256xf32>
    %dot_general3A_67 = tpu.matmul %max3A_62, %get3A_65, %dot_general3A_66 {dimension_numbers = #tpu.dot_dimension_numbers<[1], [1], [0], [0], [0, 0, 1, 0], [], []>, transpose_lhs_hint = false} : vector<400x256xf32>, vector<256x256xf32>, vector<400x256xf32> -> vector<400x256xf32>
    %get3A_68 = arith.constant 0 : index
    %get3A_69 = arith.constant 0 : index
    %get3A_70 = vector.load %arg13[%get3A_68, %get3A_69] : memref<1x256xf32, #tpu.memory_space<vmem>>, vector<1x256xf32>
    %add3A_71 = vector.broadcast %get3A_70 : vector<1x256xf32> to vector<400x256xf32>
    %add3A_72 = arith.addf %dot_general3A_67, %add3A_71 : vector<400x256xf32>
    %slice3A_73 = vector.extract_strided_slice %add3A_72 {offsets = [0, 0], sizes = [400, 128], strides = [1, 1]} : vector<400x256xf32> to vector<400x128xf32>
    %swap3A = arith.constant 0 : index
    %swap3A_74 = arith.constant 0 : index
    %swap3A_75 = vector.load %arg14[%swap3A, %swap3A_74] : memref<400x128xf32, #tpu.memory_space<vmem>>, vector<400x128xf32>
    tpu.vector_store %arg14[%swap3A, %swap3A_74], %slice3A_73 {strides = array<i32>} : memref<400x128xf32, #tpu.memory_space<vmem>>, vector<400x128xf32>,
    %slice3A_76 = vector.extract_strided_slice %add3A_72 {offsets = [0, 128], sizes = [400, 128], strides = [1, 1]} : vector<400x256xf32> to vector<400x128xf32>
    %swap3A_77 = arith.constant 0 : index
    %swap3A_78 = arith.constant 0 : index
    %swap3A_79 = vector.load %arg15[%swap3A_77, %swap3A_78] : memref<400x128xf32, #tpu.memory_space<vmem>>, vector<400x128xf32>
    tpu.vector_store %arg15[%swap3A_77, %swap3A_78], %slice3A_76 {strides = array<i32>} : memref<400x128xf32, #tpu.memory_space<vmem>>, vector<400x128xf32>,
    return
  }
  func.func @transform_0(%arg0: i32) -> (i32, i32) {
    %c0_i32 = arith.constant 0 : i32
    %c0_i32_0 = arith.constant 0 : i32
    %c0_i32_1 = arith.constant 0 : i32
    return %c0_i32, %c0_i32_0 : i32, i32
  }
  func.func @transform_1(%arg0: i32) -> (i32, i32) {
    %c0_i32 = arith.constant 0 : i32
    %c0_i32_0 = arith.constant 0 : i32
    return %arg0, %c0_i32 : i32, i32
  }
  func.func @transform_2(%arg0: i32) -> (i32, i32) {
    %c0_i32 = arith.constant 0 : i32
    %c0_i32_0 = arith.constant 0 : i32
    return %arg0, %c0_i32 : i32, i32
  }
  func.func @transform_3(%arg0: i32) -> (i32, i32) {
    %c0_i32 = arith.constant 0 : i32
    %c0_i32_0 = arith.constant 0 : i32
    return %arg0, %c0_i32 : i32, i32
  }
  func.func @transform_4(%arg0: i32) -> (i32, i32) {
    %c0_i32 = arith.constant 0 : i32
    %c0_i32_0 = arith.constant 0 : i32
    return %arg0, %c0_i32 : i32, i32
  }
  func.func @transform_5(%arg0: i32) -> (i32, i32) {
    %c0_i32 = arith.constant 0 : i32
    %c0_i32_0 = arith.constant 0 : i32
    return %arg0, %c0_i32 : i32, i32
  }
  func.func @transform_6(%arg0: i32) -> (i32, i32) {
    %c0_i32 = arith.constant 0 : i32
    %c0_i32_0 = arith.constant 0 : i32
    return %arg0, %c0_i32 : i32, i32
  }
  func.func @transform_7(%arg0: i32) -> (i32, i32) {
    %c0_i32 = arith.constant 0 : i32
    %c0_i32_0 = arith.constant 0 : i32
    %c0_i32_1 = arith.constant 0 : i32
    return %c0_i32, %c0_i32_0 : i32, i32
  }
  func.func @transform_8(%arg0: i32) -> (i32, i32) {
    %c0_i32 = arith.constant 0 : i32
    %c0_i32_0 = arith.constant 0 : i32
    %c0_i32_1 = arith.constant 0 : i32
    return %c0_i32, %c0_i32_0 : i32, i32
  }
  func.func @transform_9(%arg0: i32) -> (i32, i32) {
    %c0_i32 = arith.constant 0 : i32
    %c0_i32_0 = arith.constant 0 : i32
    %c0_i32_1 = arith.constant 0 : i32
    return %c0_i32, %c0_i32_0 : i32, i32
  }
  func.func @transform_10(%arg0: i32) -> (i32, i32) {
    %c0_i32 = arith.constant 0 : i32
    %c0_i32_0 = arith.constant 0 : i32
    %c0_i32_1 = arith.constant 0 : i32
    return %c0_i32, %c0_i32_0 : i32, i32
  }
  func.func @transform_11(%arg0: i32) -> (i32, i32) {
    %c0_i32 = arith.constant 0 : i32
    %c0_i32_0 = arith.constant 0 : i32
    %c0_i32_1 = arith.constant 0 : i32
    return %c0_i32, %c0_i32_0 : i32, i32
  }
  func.func @transform_12(%arg0: i32) -> (i32, i32) {
    %c0_i32 = arith.constant 0 : i32
    %c0_i32_0 = arith.constant 0 : i32
    %c0_i32_1 = arith.constant 0 : i32
    return %c0_i32, %c0_i32_0 : i32, i32
  }
  func.func @transform_13(%arg0: i32) -> (i32, i32) {
    %c0_i32 = arith.constant 0 : i32
    %c0_i32_0 = arith.constant 0 : i32
    return %arg0, %c0_i32 : i32, i32
  }
  func.func @transform_14(%arg0: i32) -> (i32, i32) {
    %c0_i32 = arith.constant 0 : i32
    %c0_i32_0 = arith.constant 0 : i32
    return %arg0, %c0_i32 : i32, i32
  }
}

module attributes {stable_mosaic.version = 14 : i64} {
  func.func @_tc3_body(%arg0: i32, %arg1: memref<1x1xf32, #tpu.memory_space<smem>>, %arg2: memref<400x128xf32, #tpu.memory_space<vmem>>, %arg3: memref<400x128xf32, #tpu.memory_space<vmem>>, %arg4: memref<400x128xf32, #tpu.memory_space<vmem>>, %arg5: memref<400x128xf32, #tpu.memory_space<vmem>>, %arg6: memref<400x128xf32, #tpu.memory_space<vmem>>, %arg7: memref<400x128xf32, #tpu.memory_space<vmem>>, %arg8: memref<256x256xf32, #tpu.memory_space<vmem>>, %arg9: memref<1x256xf32, #tpu.memory_space<vmem>>, %arg10: memref<256x256xf32, #tpu.memory_space<vmem>>, %arg11: memref<1x256xf32, #tpu.memory_space<vmem>>, %arg12: memref<400x256xf32, #tpu.memory_space<vmem>>) attributes {dimension_semantics = [#tpu.dimension_semantics<arbitrary>], iteration_bounds = array<i64: 25>, scalar_prefetch = 0 : i64, scratch_operands = 0 : i64, tpu.core_type = #tpu.core_type<tc>, window_params = [{transform_indices = @transform_0, window_bounds = array<i64: 1, 1>}, {transform_indices = @transform_1, window_bounds = array<i64: 400, 128>}, {transform_indices = @transform_2, window_bounds = array<i64: 400, 128>}, {transform_indices = @transform_3, window_bounds = array<i64: 400, 128>}, {transform_indices = @transform_4, window_bounds = array<i64: 400, 128>}, {transform_indices = @transform_5, window_bounds = array<i64: 400, 128>}, {transform_indices = @transform_6, window_bounds = array<i64: 400, 128>}, {pipeline_mode = #tpu.pipeline_mode<synchronous>, transform_indices = @transform_7, window_bounds = array<i64: 256, 256>}, {pipeline_mode = #tpu.pipeline_mode<synchronous>, transform_indices = @transform_8, window_bounds = array<i64: 1, 256>}, {pipeline_mode = #tpu.pipeline_mode<synchronous>, transform_indices = @transform_9, window_bounds = array<i64: 256, 256>}, {pipeline_mode = #tpu.pipeline_mode<synchronous>, transform_indices = @transform_10, window_bounds = array<i64: 1, 256>}, {transform_indices = @transform_11, window_bounds = array<i64: 400, 256>}]} {
    %get3A = arith.constant 0 : index
    %get3A_0 = arith.constant 0 : index
    %get3A_1 = memref.load %arg1[%get3A, %get3A_0] : memref<1x1xf32, #tpu.memory_space<smem>>
    %logistic3A = arith.negf %get3A_1 : f32
    %logistic3A_2 = math.exp %logistic3A : f32
    %logistic3A_3 = arith.constant 1.000000e+00 : f32
    %logistic3A_4 = arith.addf %logistic3A_3, %logistic3A_2 : f32
    %logistic3A_5 = arith.divf %logistic3A_3, %logistic3A_4 : f32
    %get3A_6 = arith.constant 0 : index
    %get3A_7 = arith.constant 0 : index
    %get3A_8 = vector.load %arg2[%get3A_6, %get3A_7] : memref<400x128xf32, #tpu.memory_space<vmem>>, vector<400x128xf32>
    %slice3A = vector.extract_strided_slice %get3A_8 {offsets = [0, 0], sizes = [400, 1], strides = [1, 1]} : vector<400x128xf32> to vector<400x1xf32>
    %get3A_9 = arith.constant 0 : index
    %get3A_10 = arith.constant 0 : index
    %get3A_11 = vector.load %arg3[%get3A_9, %get3A_10] : memref<400x128xf32, #tpu.memory_space<vmem>>, vector<400x128xf32>
    %slice3A_12 = vector.extract_strided_slice %get3A_11 {offsets = [0, 0], sizes = [400, 1], strides = [1, 1]} : vector<400x128xf32> to vector<400x1xf32>
    %add3A = arith.addf %slice3A, %slice3A_12 : vector<400x1xf32>
    %max3A = arith.constant 1.000000e+00 : f32
    %max3A_13 = vector.broadcast %max3A : f32 to vector<400x1xf32>
    %max3A_14 = arith.maximumf %add3A, %max3A_13 : vector<400x1xf32>
    %div3A = arith.constant 1.000000e+00 : f32
    %div3A_15 = vector.broadcast %div3A : f32 to vector<400x1xf32>
    %div3A_16 = arith.divf %div3A_15, %max3A_14 : vector<400x1xf32>
    %gt3A = arith.constant 0.000000e+00 : f32
    %gt3A_17 = vector.broadcast %gt3A : f32 to vector<400x1xf32>
    %gt3A_18 = arith.cmpf ogt, %add3A, %gt3A_17 : vector<400x1xf32>
    %convert_element_type3A = arith.extui %gt3A_18 : vector<400x1xi1> to vector<400x1xi32>
    %convert_element_type3A_19 = arith.sitofp %convert_element_type3A : vector<400x1xi32> to vector<400x1xf32>
    %get3A_20 = arith.constant 0 : index
    %get3A_21 = arith.constant 0 : index
    %get3A_22 = vector.load %arg6[%get3A_20, %get3A_21] : memref<400x128xf32, #tpu.memory_space<vmem>>, vector<400x128xf32>
    %get3A_23 = arith.constant 0 : index
    %get3A_24 = arith.constant 0 : index
    %get3A_25 = vector.load %arg7[%get3A_23, %get3A_24] : memref<400x128xf32, #tpu.memory_space<vmem>>, vector<400x128xf32>
    %concatenate3A = tpu.concatenate %get3A_22, %get3A_25 in 1 : vector<400x128xf32>, vector<400x128xf32> -> vector<400x256xf32>
    %mul3A = vector.broadcast %div3A_16 : vector<400x1xf32> to vector<400x256xf32>
    %mul3A_26 = arith.mulf %concatenate3A, %mul3A : vector<400x256xf32>
    %get3A_27 = arith.constant 0 : index
    %get3A_28 = arith.constant 0 : index
    %get3A_29 = vector.load %arg8[%get3A_27, %get3A_28] : memref<256x256xf32, #tpu.memory_space<vmem>>, vector<256x256xf32>
    %dot_general3A = arith.constant dense<0.000000e+00> : vector<400x256xf32>
    %dot_general3A_30 = tpu.matmul %mul3A_26, %get3A_29, %dot_general3A {dimension_numbers = #tpu.dot_dimension_numbers<[1], [1], [0], [0], [0, 0, 1, 0], [], []>, transpose_lhs_hint = false} : vector<400x256xf32>, vector<256x256xf32>, vector<400x256xf32> -> vector<400x256xf32>
    %get3A_31 = arith.constant 0 : index
    %get3A_32 = arith.constant 0 : index
    %get3A_33 = vector.load %arg9[%get3A_31, %get3A_32] : memref<1x256xf32, #tpu.memory_space<vmem>>, vector<1x256xf32>
    %mul3A_34 = vector.broadcast %convert_element_type3A_19 : vector<400x1xf32> to vector<400x256xf32>
    %mul3A_35 = vector.broadcast %get3A_33 : vector<1x256xf32> to vector<400x256xf32>
    %mul3A_36 = arith.mulf %mul3A_34, %mul3A_35 : vector<400x256xf32>
    %add3A_37 = arith.addf %dot_general3A_30, %mul3A_36 : vector<400x256xf32>
    %get3A_38 = arith.constant 0 : index
    %get3A_39 = arith.constant 0 : index
    %get3A_40 = vector.load %arg4[%get3A_38, %get3A_39] : memref<400x128xf32, #tpu.memory_space<vmem>>, vector<400x128xf32>
    %get3A_41 = arith.constant 0 : index
    %get3A_42 = arith.constant 0 : index
    %get3A_43 = vector.load %arg5[%get3A_41, %get3A_42] : memref<400x128xf32, #tpu.memory_space<vmem>>, vector<400x128xf32>
    %concatenate3A_44 = tpu.concatenate %get3A_40, %get3A_43 in 1 : vector<400x128xf32>, vector<400x128xf32> -> vector<400x256xf32>
    %mul3A_45 = vector.broadcast %logistic3A_5 : f32 to vector<400x256xf32>
    %mul3A_46 = arith.mulf %mul3A_45, %add3A_37 : vector<400x256xf32>
    %sub3A = arith.subf %concatenate3A_44, %mul3A_46 : vector<400x256xf32>
    %max3A_47 = arith.constant 0.000000e+00 : f32
    %max3A_48 = vector.broadcast %max3A_47 : f32 to vector<400x256xf32>
    %max3A_49 = arith.maximumf %sub3A, %max3A_48 : vector<400x256xf32>
    %get3A_50 = arith.constant 0 : index
    %get3A_51 = arith.constant 0 : index
    %get3A_52 = vector.load %arg10[%get3A_50, %get3A_51] : memref<256x256xf32, #tpu.memory_space<vmem>>, vector<256x256xf32>
    %dot_general3A_53 = arith.constant dense<0.000000e+00> : vector<400x256xf32>
    %dot_general3A_54 = tpu.matmul %max3A_49, %get3A_52, %dot_general3A_53 {dimension_numbers = #tpu.dot_dimension_numbers<[1], [1], [0], [0], [0, 0, 1, 0], [], []>, transpose_lhs_hint = false} : vector<400x256xf32>, vector<256x256xf32>, vector<400x256xf32> -> vector<400x256xf32>
    %get3A_55 = arith.constant 0 : index
    %get3A_56 = arith.constant 0 : index
    %get3A_57 = vector.load %arg11[%get3A_55, %get3A_56] : memref<1x256xf32, #tpu.memory_space<vmem>>, vector<1x256xf32>
    %add3A_58 = vector.broadcast %get3A_57 : vector<1x256xf32> to vector<400x256xf32>
    %add3A_59 = arith.addf %dot_general3A_54, %add3A_58 : vector<400x256xf32>
    %swap3A = arith.constant 0 : index
    %swap3A_60 = arith.constant 0 : index
    %swap3A_61 = vector.load %arg12[%swap3A, %swap3A_60] : memref<400x256xf32, #tpu.memory_space<vmem>>, vector<400x256xf32>
    tpu.vector_store %arg12[%swap3A, %swap3A_60], %add3A_59 {strides = array<i32>} : memref<400x256xf32, #tpu.memory_space<vmem>>, vector<400x256xf32>,
    return
  }
  func.func @transform_0(%arg0: i32) -> (i32, i32) {
    %c0_i32 = arith.constant 0 : i32
    %c0_i32_0 = arith.constant 0 : i32
    %c0_i32_1 = arith.constant 0 : i32
    return %c0_i32, %c0_i32_0 : i32, i32
  }
  func.func @transform_1(%arg0: i32) -> (i32, i32) {
    %c0_i32 = arith.constant 0 : i32
    %c0_i32_0 = arith.constant 0 : i32
    return %arg0, %c0_i32 : i32, i32
  }
  func.func @transform_2(%arg0: i32) -> (i32, i32) {
    %c0_i32 = arith.constant 0 : i32
    %c0_i32_0 = arith.constant 0 : i32
    return %arg0, %c0_i32 : i32, i32
  }
  func.func @transform_3(%arg0: i32) -> (i32, i32) {
    %c0_i32 = arith.constant 0 : i32
    %c0_i32_0 = arith.constant 0 : i32
    return %arg0, %c0_i32 : i32, i32
  }
  func.func @transform_4(%arg0: i32) -> (i32, i32) {
    %c0_i32 = arith.constant 0 : i32
    %c0_i32_0 = arith.constant 0 : i32
    return %arg0, %c0_i32 : i32, i32
  }
  func.func @transform_5(%arg0: i32) -> (i32, i32) {
    %c0_i32 = arith.constant 0 : i32
    %c0_i32_0 = arith.constant 0 : i32
    return %arg0, %c0_i32 : i32, i32
  }
  func.func @transform_6(%arg0: i32) -> (i32, i32) {
    %c0_i32 = arith.constant 0 : i32
    %c0_i32_0 = arith.constant 0 : i32
    return %arg0, %c0_i32 : i32, i32
  }
  func.func @transform_7(%arg0: i32) -> (i32, i32) {
    %c0_i32 = arith.constant 0 : i32
    %c0_i32_0 = arith.constant 0 : i32
    %c0_i32_1 = arith.constant 0 : i32
    return %c0_i32, %c0_i32_0 : i32, i32
  }
  func.func @transform_8(%arg0: i32) -> (i32, i32) {
    %c0_i32 = arith.constant 0 : i32
    %c0_i32_0 = arith.constant 0 : i32
    %c0_i32_1 = arith.constant 0 : i32
    return %c0_i32, %c0_i32_0 : i32, i32
  }
  func.func @transform_9(%arg0: i32) -> (i32, i32) {
    %c0_i32 = arith.constant 0 : i32
    %c0_i32_0 = arith.constant 0 : i32
    %c0_i32_1 = arith.constant 0 : i32
    return %c0_i32, %c0_i32_0 : i32, i32
  }
  func.func @transform_10(%arg0: i32) -> (i32, i32) {
    %c0_i32 = arith.constant 0 : i32
    %c0_i32_0 = arith.constant 0 : i32
    %c0_i32_1 = arith.constant 0 : i32
    return %c0_i32, %c0_i32_0 : i32, i32
  }
  func.func @transform_11(%arg0: i32) -> (i32, i32) {
    %c0_i32 = arith.constant 0 : i32
    %c0_i32_0 = arith.constant 0 : i32
    return %arg0, %c0_i32 : i32, i32
  }
}

</mosaic_0001>

<sc_bundles>
// kernel: kernel.11.cloned.1.call-start
scs
__scs_entry_jumppad:
0x0: {  	(pc) =	sbr.rel $0x88, $3  }
0x1: {  	(tag) =	ssettag $0x0;
	lr =	simm.s32 $0x1  }
0x2: {  	[smem:$0x3F8F] =	sst lr;
	_ =	strace $0xD0000000  }
0x3: {  	_ = 	snop  }
0x4: {  	_ = 	snop  }
0x5: {  	_ = 	snop  }
0x6: {  	_ = 	snop  }
0x7: {  	_ = 	snop  }
__scs_overlays_trampoline_lowered:
0x8: {  	[smem:$0x3F9E] =	sst s0  }
0x9: {  	[smem:$0x3F9F] =	sst s1  }
0xa: {  	[smem:$0x3FA0] =	sst s2  }
0xb: {  	[smem:$0x3FA1] =	sst s3  }
0xc: {  	[smem:$0x3FA2] =	sst s4  }
0xd: {  	[smem:$0x3FA3] =	sst s5  }
0xe: {  	[smem:$0x3FA4] =	sst s6  }
0xf: {  	[smem:$0x3FA5] =	sst s7  }
0x10: {  	[smem:$0x3FA6] =	sst s8  }
0x11: {  	[smem:$0x3FA7] =	sst s9;
	s0 =	simm.s32 @!p0 $0x0  }
0x12: {  	s1 =	sld [smem:$0x3F8D];
	s0 =	simm.s32 @p0 $0x1  }
0x13: {  	[smem:$0x3FA8] =	sst s0;
	s0 =	simm.s32 @!p1 $0x0  }
0x14: {  	s2 =	sld [smem:$0x3F8C];
	s0 =	simm.s32 @p1 $0x1  }
0x15: {  	[smem:$0x3FA9] =	sst s0;
	s0 =	simm.s32 @!p2 $0x0  }
0x16: {  	s3 =	sld [smem:$0x3FDB];
	s0 =	simm.s32 @p2 $0x1  }
0x17: {  	s4 =	simm.s32 $0x1BF5;
	[smem:$0x3FAB] =	sst s0  }
0x18: {  	s0 =	sld [smem:$0x3F8E];
	_ =	swait.ge [sflag:s4], $0x0  }
0x19: {  	s7 =	sld [smem:$0x3F8F]  }
0x1a: {  	s8 =	sadd.s32 $0xFFFFE003, lr  }
0x1b: {  	s9 =	sadd.s32 $0xFFFFFEF7, lr;
	s5 =	simm.s32 $0xFFFFFFFF;
	p2 =	slt.u32 s8, $0xFFFFF086  }
0x1c: {  	p1 =	slt.u32 s9, $0xF7A;
	s5 =	simm.s32 @!p2 $0x0  }
0x1d: {  	s5 =	simm.s32 @p1 $0x1;
	p0 =	seq.s32 s7, s2  }
0x1e: {  	s7 =	smul.u32 @!p0 $0xF7A, s2;
	p2 =	seq.s32 @!p0 s5, $0x0  }
0x1f: {  	s9 =	smul.u32 $0xF7A, s1;
	s8 =	simm.s32 @!p0 $0x1BF5;
	p2 =	por !p2, p0  }
0x20: {  	[sflag:s8] =	ssyncset.s32 @!p0 $0xFFFFF086;
	s6 =	sadd.s32 @!p0 s3, s7;
	s7 =	simm.s32 @!p0 $0x108  }
0x21: {  	s3 =	sadd.s32 s3, s9;
	s6 =	sadd.s32 @!p0 $0x88, s6;
	s7 =	simm.s32 @p2 $0x1082  }
0x22: {  	[simem:s7], [sflag:s8] =	dma.local @!p0 [hbm:s6], $0xF7A  }
0x23: {  	s9 =	sor.u32 $0xD0000000, s2;
	s6 =	simm.s32 $0x108;
	_ =	swait.ge @!p0 [sflag:s8], $0x0  }
0x24: {  	s3 =	sadd.s32 $0x88, s3;
	s6 =	simm.s32 @!p1 $0x1082;
	[sflag:s4] =	ssyncset.s32 $0xFFFFF086  }
0x25: {  	[simem:s6], [sflag:s4] =	dma.local [hbm:s3], $0xF7A  }
0x26: {  	[smem:$0x3F8F] =	sst s1;
	(tag) =	ssettag s2;
	_ =	strace s9  }
0x27: {  	s1 =	sld [smem:$0x3F9F]  }
0x28: {  	s2 =	sld [smem:$0x3FA0]  }
0x29: {  	s4 =	sld [smem:$0x3FA2]  }
0x2a: {  	p0 =	seq.s32 s5, $0x0;
	s5 =	sld [smem:$0x3FA3]  }
0x2b: {  	s6 =	sld [smem:$0x3FA4]  }
0x2c: {  	s7 =	sld [smem:$0x3FA5]  }
0x2d: {  	s3 =	simm.s32 $0x108;
	s8 =	sld [smem:$0x3FA6]  }
0x2e: {  	s3 =	simm.s32 @!p0 $0x1082;
	s9 =	sld [smem:$0x3FA7]  }
0x2f: {  	lr =	sadd.s32 s0, s3;
	s0 =	sld [smem:$0x3F9E]  }
0x30: {  	s3 =	sld [smem:$0x3FA1]  }
0x31: {  	[smem:$0x3FAA] =	sst s10  }
0x32: {  	s10 =	sld [smem:$0x3FA8];
	_ =	sdelay $0x3  }
0x33: {  	p0 =	seq.s32 s10, $0x1;
	s10 =	sld [smem:$0x3FAA];
	_ =	sdelay $0x3  }
0x34: {  	[smem:$0x3FAA] =	sst s10  }
0x35: {  	s10 =	sld [smem:$0x3FA9];
	_ =	sdelay $0x3  }
0x36: {  	p1 =	seq.s32 s10, $0x1;
	s10 =	sld [smem:$0x3FAA];
	_ =	sdelay $0x3  }
0x37: {  	[smem:$0x3FAA] =	sst s10  }
0x38: {  	s10 =	sld [smem:$0x3FAB]  }
0x39: {  	_ = 	snop;
	(pc) =	sbr.ind lr, $3  }
0x3a: {  	_ = 	snop  }
0x3b: {  	_ = 	snop  }
0x3c: {  	p2 =	seq.s32 s10, $0x1;
	s10 =	sld [smem:$0x3FAA]  }
0x3d: {  	_ =	shalt  }
0x3e: {  	_ =	shalt  }
0x3f: {  	_ =	shalt  }
0x40: {  	_ =	shalt  }
0x41: {  	_ =	shalt  }
0x42: {  	_ =	shalt  }
0x43: {  	_ =	shalt  }
0x44: {  	_ =	shalt  }
0x45: {  	_ =	shalt  }
0x46: {  	_ =	shalt  }
0x47: {  	_ =	shalt  }
0x48: {  	_ =	shalt  }
0x49: {  	_ =	shalt  }
0x4a: {  	_ =	shalt  }
0x4b: {  	_ =	shalt  }
0x4c: {  	_ =	shalt  }
0x4d: {  	_ =	shalt  }
0x4e: {  	_ =	shalt  }
0x4f: {  	_ =	shalt  }
0x50: {  	_ =	shalt  }
0x51: {  	_ =	shalt  }
0x52: {  	_ =	shalt  }
0x53: {  	_ =	shalt  }
0x54: {  	_ =	shalt  }
0x55: {  	_ =	shalt  }
0x56: {  	_ =	shalt  }
0x57: {  	_ =	shalt  }
0x58: {  	_ =	shalt  }
0x59: {  	_ =	shalt  }
0x5a: {  	_ =	shalt  }
0x5b: {  	_ =	shalt  }
0x5c: {  	_ =	shalt  }
0x5d: {  	_ =	shalt  }
0x5e: {  	_ =	shalt  }
0x5f: {  	_ =	shalt  }
0x60: {  	_ =	shalt  }
0x61: {  	_ =	shalt  }
0x62: {  	_ =	shalt  }
0x63: {  	_ =	shalt  }
0x64: {  	_ =	shalt  }
0x65: {  	_ =	shalt  }
0x66: {  	_ =	shalt  }
0x67: {  	_ =	shalt  }
0x68: {  	_ =	shalt  }
0x69: {  	_ =	shalt  }
0x6a: {  	_ =	shalt  }
0x6b: {  	_ =	shalt  }
0x6c: {  	_ =	shalt  }
0x6d: {  	_ =	shalt  }
0x6e: {  	_ =	shalt  }
0x6f: {  	_ =	shalt  }
0x70: {  	_ =	shalt  }
0x71: {  	_ =	shalt  }
0x72: {  	_ =	shalt  }
0x73: {  	_ =	shalt  }
0x74: {  	_ =	shalt  }
0x75: {  	_ =	shalt  }
0x76: {  	_ =	shalt  }
0x77: {  	_ =	shalt  }
0x78: {  	_ =	shalt  }
0x79: {  	_ =	shalt  }
0x7a: {  	_ =	shalt  }
0x7b: {  	_ =	shalt  }
0x7c: {  	_ =	shalt  }
0x7d: {  	_ =	shalt  }
0x7e: {  	_ =	shalt  }
0x7f: {  	_ =	shalt  }
0x80: {  	_ =	shalt  }
0x81: {  	_ =	shalt  }
0x82: {  	_ =	shalt  }
0x83: {  	_ =	shalt  }
0x84: {  	_ =	shalt  }
0x85: {  	_ =	shalt  }
0x86: {  	_ =	shalt  }
0x87: {  	_ =	shalt  }
.Lfunc_end0:
.L_simem_size_0:
called_computation.1_lowered:
.L_overlay_start_0:
0x88: {  	s2 =	sld [smem:$0x3FD9]  }
0x89: {  	s3 =	sld [smem:$0x3FFE];
	_ =	sdelay $0x1  }
0x8a: {  	s1 =	srdreg.scid  }
0x8b: {  	s0 =	sand.u32 $0x1, s1  }
0x8c: {  	s17 =	sshll.u32 s0, $0xA;
	s2 =	sadd.s32 s3, s2  }
0x8d: {  	s2 =	sadd.s32 s2, s17  }
0x8e: {  	[smem:$0x3FB6] =	sst s2  }
0x8f: {  	_ = 	snop  }
0x90: {  	s2 =	sld [smem:$0x3FD0];
	(tm) =	ssettm $0x1  }
0x91: {  	s18 =	sld [smem:$0x3FFB];
	_ =	sdelay $0x3  }
0x92: {  	_ =	strace s18  }
0x93: {  	s3 =	sld [smem:$0x3FFC];
	_ =	sdelay $0x3  }
0x94: {  	_ =	strace s3  }
0x95: {  	s3 =	sld [smem:$0x3FFD];
	_ =	sdelay $0x3  }
0x96: {  	_ =	strace s3  }
0x97: {  	_ =	strace $0x8FFFFFFF  }
0x98: {  	s19 =	sld [smem:$0x3FDB];
	_ =	sdelay $0x1  }
0x99: {  	s4 =	simm.s32 $_scs_section_size  }
0x9a: {  	s5 =	simm.s32 $_size__tile_overlayer_lowered;
	s6 =	simm.s32 $_tile_overlayer_lowered  }
0x9b: {  	s22 =	simm.s32 $0x1BFF;
	s21 =	sshll.u32 s6, $0x1;
	s3 =	sadd.s32 s4, s19  }
0x9c: {  	s7 =	simm.s32 $0x0;
	s20 =	sshll.u32 s5, $0x1;
	s5 =	sadd.s32 s21, s3  }
0x9d: {  	[timem:s7], [sflag:s22] =	dma.local [hbm:s5], s20  }
0x9e: {  	_ =	swait.ge [sflag:s22], s20  }
0x9f: {  	s4 =	ssub.s32 $0x0, s20;
	[sflag:s22] =	ssyncset.done $0x0  }
0xa0: {  	[sflag:s22] =	ssyncadd.s32 s4;
	_ =	sdelay $0x1  }
0xa1: {  	s23 =	simm.s32 $0x1B8B  }
0xa2: {  	_ =	swait.ge [sflag:s23], $0x1  }
0xa3: {  	[sflag:s23] =	ssyncset.done $0x0  }
0xa4: {  	s25 =	simm.s32 $0x1B8E;
	s24 =	sld [smem:$0x3FFE];
	[sflag:s23] =	ssyncadd.s32 $0xFFFFFFFF  }
0xa5: {  	s26 =	simm.s32 $execute0_lowered;
	[smem:$0x3FD2] =	sst s25  }
0xa6: {  	s5 =	sshll.u32 s26, $0x1;
	_ =	strace $0x80000046;
	[dreg:$0x1] =	wrdreg $0xFFFFFFFF  }
0xa7: {  	s28 =	simm.s32 $_size_execute0_lowered;
	s3 =	sadd.s32 s3, s5;
	[dreg:$0x0] =	wrdreg $0x0  }
0xa8: {  	s5 =	sshll.u32 s28, $0x1;
	[dreg:$0x2] =	wrdreg s3  }
0xa9: {  	[dreg:$0x3] =	wrdreg s5  }
0xaa: {  	[dreg:$0x4] =	wrdreg $0xC0  }
0xab: {  	_ =	task [dreg:s7], $0x5FFFF  }
0xac: {  	[dreg:$0x1] =	wrdreg $0xFFFFFFFF  }
0xad: {  	[dreg:$0x0] =	wrdreg $0x60  }
0xae: {  	[dreg:$0x2] =	wrdreg s2  }
0xaf: {  	[dreg:$0x3] =	wrdreg s24  }
0xb0: {  	[dreg:$0x4] =	wrdreg $0x0  }
0xb1: {  	[dreg:$0x5] =	wrdreg $0xA  }
0xb2: {  	_ =	task.clear_ibuf [dreg:s7], $0x6FFFF;
	_ =	strace $0x90000046  }
0xb3: {  	s29 =	simm.s32 $0xA;
	_ =	strace $0x80000048  }
0xb4: {  	_ =	swait.ge [sflag:s29], $0x1  }
0xb5: {  	[sflag:s29] =	ssyncadd.s32 $0xFFFFFFFF  }
0xb6: {  	_ =	strace $0x90000048  }
0xb7: {  	_ =	sfence  }
0xb8: {  	s30 =	sld [smem:$0x0];
	_ =	sdelay $0x2  }
0xb9: {  	s31 =	sshll.u32 s1, $0xD;
	s1 =	sshrl.u32 s1, $0x2  }
0xba: {  	s3 =	sand.u32 $0x4000, s31;
	s1 =	sadd.s32 s1, s30  }
0xbb: {  	s0 =	sor.u32 s3, s0;
	s1 =	sshll.u32 s1, $0x11  }
0xbc: {  	s0 =	sor.u32 s1, s0  }
0xbd: {  	s0 =	sadd.s32 $0x8F2B, s0  }
0xbe: {  	[sflag:s0] =	ssyncadd.remote.s32 $0x1  }
0xbf: {  	_ =	sfence.sel $0xFFFF  }
0xc0: {  	[dreg:$0x0] =	wrdreg $0xFFFFFFFF;
	(pc) =	sbr.abs _section_cstart, $3  }
0xc1: {  	[dreg:$0x1] =	wrdreg $0xFFFFFFFF  }
0xc2: {  	_ =	task.clear_ibuf [dreg:s7], $0x2FFFF;
	_ =	strace $0x9FFFFFFF  }
0xc3: {  	(tm) =	ssettm $0x7FFFFFFF  }
tec
execute0_lowered:
.L_overlay_start_1:
0x0: {  	(tag) =	ssettag $0x1  }
0x1: {  	s1 =	rddreg [dreg:$0x0]  }
0x2: {  	s0 =	rddreg [dreg:$0x1]  }
0x3: {  	s3 =	rddreg [dreg:$0x2]  }
0x4: {  	s4 =	simm.s32 $0x0;
	s2 =	stileid.u32;
	s8 =	srdreg.scid  }
0x5: {  	s28 =	simm.s32 $0x80;
	s29 =	simm.s32 $0x6;
	s7 =	smul.u32 $0x500, s2  }
0x6: {  	s30 =	simm.s32 $0x1A400;
	s31 =	simm.s32 $0x1;
	s6 =	smul.u32 $0x2780, s2  }
0x7: {  	[smem:$0x7FF] =	sst s4;
	s5 =	sadd.s32 $0xE200, s0;
	s9 =	smul.u32 $0x4F000, s2  }
0x8: {  	s15 =	sadd.s32 $0x9200, s0;
	s16 =	sand.u32 $0x1, s8;
	s11 =	smul.u32 $0x2800, s2  }
0x9: {  	p4 =	sne.s32 s2, $0xF;
	p0 =	seq.s32 s2, $0xF;
	s14 =	sadd.s32 $0x128400, s3  }
0xa: {  	s24 =	sadd.s32 $0x5A480, s0;
	s18 =	sadd.s32 $0x81680, s0;
	_ =	strace $0x80000047  }
0xb: {  	s8 =	ssub.s32 $0x2, s16;
	p2 =	seq.s32 s16, $0x0;
	p1 =	seq.s32 s16, $0x1  }
0xc: {  	[dreg:$0x7] =	wrdreg s24;
	s24 =	simm.s32 $0x1E400;
	s10 =	sadd.s32 s7, s0  }
0xd: {  	s17 =	sadd.s32 s6, s0;
	s19 =	sshrl.u32 s9, $0x2;
	s20 =	sshrl.u32 s8, $0x1  }
0xe: {  	s12 =	sshrl.u32 s11, $0x3;
	p3 =	por !p2, !p4;
	p5 =	por !p2, !p0  }
0xf: {  	p4 =	por !p4, !p1;
	s7 =	sadd.s32 s7, s15;
	s0 =	simm.s32 $0x2  }
0x10: {  	s6 =	sadd.s32 s19, s3;
	s19 =	ssub.s32 s8, s20;
	s21 =	sadd.s32 $0x4200, s10  }
0x11: {  	s12 =	sadd.s32 s15, s12;
	p2 =	por !p3, !p3;
	p3 =	por !p5, !p5  }
0x12: {  	s25 =	sadd.s32 $0x35400, s17;
	p4 =	por !p4, !p4;
	s26 =	sadd.s32 $0x5C600, s17  }
0x13: {  	s20 =	sadd.s32 $0x30, s7;
	p5 =	sne.s32 s16, $0x0;
	s15 =	simm.s32 $0x3  }
0x14: {  	s16 =	simm.s32 $0x0;
	[dreg:$0x4] =	wrdreg s21;
	s22 =	sadd.s32 $0x4000, s6  }
0x15: {  	s23 =	sadd.s32 $0x8000, s6;
	s10 =	sadd.s32 $0xC000, s6;
	s11 =	sadd.s32 $0x10000, s6  }
.Ltmp0:
0x16: {  	s13 =	sadd.s32 $0x10, s12;
	[dreg:$0x8] =	wrdreg s25;
	(pc) =	sbr.rel .LBB2_1-.Ltmp0, $4  }
0x17: {  	s8 =	simm.s32 @!p3 $0x0;
	[dreg:$0x9] =	wrdreg s26;
	s19 =	smax.u32 s19, $0x1  }
0x18: {  	s25 =	simm.s32 $0x1E480;
	s26 =	simm.s32 $0x5;
	[dreg:$0x5] =	wrdreg s22  }
0x19: {  	s21 =	simm.s32 $0x4;
	[dreg:$0x6] =	wrdreg s23;
	s8 =	simm.s32 @p3 $0x1  }
0x1a: {  	v0 =	vimm.f32 $0.0e+00;
	s22 =	simm.s32 $0x7;
	s23 =	simm.s32 $0x16400;
	[smem:$0x7FD] =	sst s8  }
.LBB2_15:
0x1b: {  	s7 =	sshrl.u32 s14, $0x3;
	s8 =	rddreg [dreg:$0x7];
	s9 =	simm.s32 $0x1FC7  }
0x1c: {  	[hbm:s8], [sflag:s9] =	dma.local [spmem:s7], $0x2080  }
0x1d: {  	_ =	swait.ge [sflag:s22], $0x2080  }
0x1e: {  	[sflag:s22] =	ssyncset.done $0x0  }
0x1f: {  	p6 =	por $0x1, $0x1;
	[sflag:s22] =	ssyncadd.s32 $0xFFFFDF80  }
.LBB2_16:
0x20: {  	p6 =	por !p6, !p1  }
0x21: {  	p6 =	por !p6, !p6  }
0x22: {  	s16 =	sadd.s32 $0x1, s16;
	s7 =	sshll.u32 @p6 s2, $0x6  }
0x23: {  	p3 =	sne.s32 s16, s19;
	s8 =	sshrl.u32 @p6 s14, $0x3;
	s7 =	sor.u32 @p6 $0x1C07, s7  }
0x24: {  	[hbm:s18], [sflag:s7] =	dma.local @p6 [spmem:s8], $0x2080  }
.Ltmp1:
0x25: {  	_ = 	snop;
	(pc) =	sbr.rel @!p3 .LBB2_17-.Ltmp1, $4  }
0x26: {  	s7 =	simm.s32 @p6 $0x7  }
0x27: {  	_ =	swait.ge @p6 [sflag:s7], $0x2080  }
0x28: {  	[sflag:s7] =	ssyncset.done @p6 $0x0  }
0x29: {  	[sflag:s7] =	ssyncadd.s32 @p6 $0xFFFFDF80  }
.LBB2_1:
0x2a: {  	s7 =	rddreg [dreg:$0x4];
	s8 =	simm.s32 $0x13C00  }
0x2b: {  	[tilespmem:s8], [sflag:$0x7] =	stream.linear.gather [hbm4b:s7+s4], $0x2800, $0x38;
	[tilespmem:$0x1E500] =	vst v63  }
0x2c: {  	_ =	swait.ge [sflag:s22], $0x2800  }
0x2d: {  	[sflag:s22] =	ssyncset.done $0x0  }
0x2e: {  	s17 =	simm.s32 $0x200;
	s7 =	simm.s32 $0x0;
	[sflag:s22] =	ssyncadd.s32 $0xFFFFD800  }
.LBB2_2:
0x2f: {  	p6 =	sne.s32 s17, $0xFE00;
	[tilespmem:s7+$0x16470] =	vst v0  }
0x30: {  	[tilespmem:s7+$0x16400] =	vst v0  }
0x31: {  	[tilespmem:s7+$0x16410] =	vst v0  }
.Ltmp2:
0x32: {  	[tilespmem:s7+$0x16420] =	vst v0;
	(pc) =	sbr.rel @p6 .LBB2_2-.Ltmp2, $4  }
0x33: {  	[tilespmem:s7+$0x16430] =	vst v0  }
0x34: {  	[tilespmem:s7+$0x16440] =	vst v0  }
0x35: {  	[tilespmem:s7+$0x16450] =	vst v0  }
0x36: {  	[tilespmem:s7+$0x16460] =	vst v0;
	s7 =	sshra.s32 s17, $0x2;
	s17 =	sadd.s32 $0x200, s17  }
0x37: {  	[tilespmem:s7+$0x16470] =	vst v0  }
0x38: {  	[tilespmem:s7+$0x16400] =	vst v0  }
0x39: {  	[tilespmem:s7+$0x16410] =	vst v0  }
0x3a: {  	[tilespmem:s7+$0x16420] =	vst v0  }
0x3b: {  	[tilespmem:s7+$0x16430] =	vst v0  }
0x3c: {  	[tilespmem:s7+$0x16440] =	vst v0  }
0x3d: {  	[tilespmem:s7+$0x16450] =	vst v0  }
0x3e: {  	[tilespmem:s7+$0x16460] =	vst v0  }
0x3f: {  	[spmem:s6] =	stream.linear.scatter [tilespmem:s23], [sflag:$0x7], $0x4000, $0x38;
	[tilespmem:$0x1E500] =	vst v63  }
0x40: {  	_ =	swait.ge [sflag:s22], $0x4000  }
0x41: {  	[sflag:s22] =	ssyncset.done $0x0  }
0x42: {  	s9 =	rddreg [dreg:$0x5];
	[sflag:s22] =	ssyncadd.s32 $0xFFFFC000  }
0x43: {  	[spmem:s9] =	stream.linear.scatter [tilespmem:s23], [sflag:$0x7], $0x4000, $0x38;
	[tilespmem:$0x1E500] =	vst v63  }
0x44: {  	_ =	swait.ge [sflag:s22], $0x4000  }
0x45: {  	[sflag:s22] =	ssyncset.done $0x0  }
0x46: {  	s17 =	rddreg [dreg:$0x6];
	[sflag:s22] =	ssyncadd.s32 $0xFFFFC000  }
0x47: {  	[spmem:s17] =	stream.linear.scatter [tilespmem:s23], [sflag:$0x7], $0x4000, $0x38;
	[tilespmem:$0x1E500] =	vst v63  }
0x48: {  	_ =	swait.ge [sflag:s22], $0x4000  }
0x49: {  	[sflag:s22] =	ssyncset.done $0x0  }
0x4a: {  	[sflag:s22] =	ssyncadd.s32 $0xFFFFC000  }
0x4b: {  	[spmem:s10] =	stream.linear.scatter [tilespmem:s23], [sflag:$0x7], $0x4000, $0x38;
	[tilespmem:$0x1E500] =	vst v63  }
0x4c: {  	_ =	swait.ge [sflag:s22], $0x4000  }
0x4d: {  	[sflag:s22] =	ssyncset.done $0x0  }
0x4e: {  	[sflag:s22] =	ssyncadd.s32 $0xFFFFC000  }
0x4f: {  	[spmem:s11] =	stream.linear.scatter [tilespmem:s23], [sflag:$0x7], $0x3C00, $0x38;
	[tilespmem:$0x1E500] =	vst v63  }
.Ltmp3:
0x50: {  	_ =	swait.ge [sflag:s22], $0x3C00;
	(pc) =	sbr.rel @p5 .LBB2_7-.Ltmp3, $3  }
0x51: {  	[sflag:s22] =	ssyncset.done $0x0  }
0x52: {  	[sflag:s22] =	ssyncadd.s32 $0xFFFFC400  }
0x53: {  	[bflag:$0x0] =	sbarrier.arrive $0xFFFF;
	_ =	sdelay $0x1  }
0x54: {  	s7 =	simm.s32 $0x0  }
0x55: {  	[tilespmem:s24], [sflag:$0x5] =	stream.linear.gather [hbm4b:s12+s7], $0x80, $0x38;
	[tilespmem:$0x1E500] =	vst v63  }
0x56: {  	_ = 	snop  }
0x57: {  	[tilespmem:s25], [sflag:$0x6] =	stream.linear.gather [hbm4b:s13+s7], $0x80, $0x38;
	[tilespmem:$0x1E500] =	vst v63  }
0x58: {  	_ =	swait.ge [sflag:s26], $0x80  }
0x59: {  	[sflag:s26] =	ssyncset.done $0x0  }
0x5a: {  	[sflag:s26] =	ssyncadd.s32 $0xFFFFFF80  }
0x5b: {  	[tilespmem:s23], [sflag:$0x1] =	stream.indirect.gather [hbm4b:s1+s28], $0x80, s24, s28, $0xb8;
	[tilespmem:$0x1E500] =	vst v63  }
0x5c: {  	_ =	swait.ge [sflag:s29], $0x80  }
0x5d: {  	[sflag:s29] =	ssyncset.done $0x0  }
0x5e: {  	[sflag:s29] =	ssyncadd.s32 $0xFFFFFF80  }
0x5f: {  	[tilespmem:s30], [sflag:$0x2] =	stream.indirect.gather [hbm4b:s1+s28], $0x80, s25, s28, $0xb8;
	[tilespmem:$0x1E500] =	vst v63  }
0x60: {  	_ =	swait.ge [sflag:s31], $0x4000  }
0x61: {  	[sflag:s31] =	ssyncset.done $0x0  }
0x62: {  	s8 =	sadd.s32 $0xFFFFFFF0, s20;
	[sflag:s31] =	ssyncadd.s32 $0xFFFFC000  }
0x63: {  	[tilespmem:s24], [sflag:$0x5] =	stream.linear.gather [hbm4b:s8+s4], $0x80, $0x38;
	[tilespmem:$0x1E500] =	vst v63  }
0x64: {  	s9 =	simm.s32 $0x13C00  }
0x65: {  	[spmem:s3] =	stream.indirect.scatter.add.f32 [tilespmem:s23], [sflag:$0x3], $0x80, s9, s28, $0xb8;
	[tilespmem:$0x1E500] =	vst v63  }
0x66: {  	_ =	swait.ge [sflag:s0], $0x4000  }
0x67: {  	[sflag:s0] =	ssyncset.done $0x0  }
0x68: {  	[sflag:s0] =	ssyncadd.s32 $0xFFFFC000  }
0x69: {  	[tilespmem:s25], [sflag:$0x6] =	stream.linear.gather [hbm4b:s20+s4], $0x80, $0x38;
	[tilespmem:$0x1E500] =	vst v63  }
0x6a: {  	s17 =	simm.s32 $0x13C80  }
0x6b: {  	[spmem:s3] =	stream.indirect.scatter.add.f32 [tilespmem:s30], [sflag:$0x4], $0x80, s17, s28, $0xb8;
	[tilespmem:$0x1E500] =	vst v63  }
0x6c: {  	_ =	swait.ge [sflag:s15], $0x4000  }
0x6d: {  	[sflag:s15] =	ssyncset.done $0x0  }
0x6e: {  	[sflag:s15] =	ssyncadd.s32 $0xFFFFC000  }
0x6f: {  	_ =	swait.ge [sflag:s26], $0x80  }
0x70: {  	[sflag:s26] =	ssyncset.done $0x0  }
0x71: {  	[sflag:s26] =	ssyncadd.s32 $0xFFFFFF80  }
0x72: {  	[tilespmem:s23], [sflag:$0x1] =	stream.indirect.gather [hbm4b:s1+s28], $0x80, s24, s28, $0xb8;
	[tilespmem:$0x1E500] =	vst v63  }
0x73: {  	_ =	swait.ge [sflag:s21], $0x4000  }
0x74: {  	[sflag:s21] =	ssyncset.done $0x0  }
0x75: {  	[sflag:s21] =	ssyncadd.s32 $0xFFFFC000  }
0x76: {  	_ =	swait.ge [sflag:s29], $0x80  }
0x77: {  	[sflag:s29] =	ssyncset.done $0x0  }
0x78: {  	s7 =	sadd.s32 $0x20, s20;
	s17 =	simm.s32 $0x400;
	[sflag:s29] =	ssyncadd.s32 $0xFFFFFF80  }
.LBB2_5:
0x79: {  	[tilespmem:s30], [sflag:$0x2] =	stream.indirect.gather [hbm4b:s1+s28], $0x80, s25, s28, $0xb8;
	[tilespmem:$0x1E500] =	vst v63  }
0x7a: {  	s8 =	smov.u32 s17  }
0x7b: {  	p6 =	sne.s32 s17, $0x9800;
	s17 =	sadd.s32 $0x400, s17;
	_ =	swait.ge [sflag:s31], $0x4000  }
0x7c: {  	[sflag:s31] =	ssyncset.done $0x0  }
0x7d: {  	s9 =	sadd.s32 $0xFFFFFFF0, s7;
	s8 =	sshra.s32 s8, $0x2;
	[sflag:s31] =	ssyncadd.s32 $0xFFFFC000  }
0x7e: {  	[tilespmem:s24], [sflag:$0x5] =	stream.linear.gather [hbm4b:s9+s4], $0x80, $0x38;
	[tilespmem:$0x1E500] =	vst v63  }
0x7f: {  	s9 =	sadd.s32 $0x13C00, s8  }
0x80: {  	[spmem:s3] =	stream.indirect.scatter.add.f32 [tilespmem:s23], [sflag:$0x3], $0x80, s9, s28, $0xb8;
	[tilespmem:$0x1E500] =	vst v63  }
0x81: {  	_ =	swait.ge [sflag:s0], $0x4000  }
0x82: {  	[sflag:s0] =	ssyncset.done $0x0  }
0x83: {  	[sflag:s0] =	ssyncadd.s32 $0xFFFFC000  }
0x84: {  	[tilespmem:s25], [sflag:$0x6] =	stream.linear.gather [hbm4b:s7+s4], $0x80, $0x38;
	[tilespmem:$0x1E500] =	vst v63  }
0x85: {  	s8 =	sadd.s32 $0x13C80, s8  }
0x86: {  	[spmem:s3] =	stream.indirect.scatter.add.f32 [tilespmem:s30], [sflag:$0x4], $0x80, s8, s28, $0xb8;
	[tilespmem:$0x1E500] =	vst v63  }
0x87: {  	_ =	swait.ge [sflag:s15], $0x4000  }
0x88: {  	[sflag:s15] =	ssyncset.done $0x0  }
0x89: {  	[sflag:s15] =	ssyncadd.s32 $0xFFFFC000  }
0x8a: {  	_ =	swait.ge [sflag:s26], $0x80  }
0x8b: {  	[sflag:s26] =	ssyncset.done $0x0  }
0x8c: {  	[sflag:s26] =	ssyncadd.s32 $0xFFFFFF80  }
0x8d: {  	[tilespmem:s23], [sflag:$0x1] =	stream.indirect.gather [hbm4b:s1+s28], $0x80, s24, s28, $0xb8;
	[tilespmem:$0x1E500] =	vst v63  }
0x8e: {  	_ =	swait.ge [sflag:s21], $0x4000  }
.Ltmp4:
0x8f: {  	[sflag:s21] =	ssyncset.done $0x0;
	(pc) =	sbr.rel @p6 .LBB2_5-.Ltmp4, $4  }
0x90: {  	[sflag:s21] =	ssyncadd.s32 $0xFFFFC000  }
0x91: {  	_ =	swait.ge [sflag:s29], $0x80  }
0x92: {  	[sflag:s29] =	ssyncset.done $0x0  }
0x93: {  	s7 =	sadd.s32 $0x20, s7;
	[sflag:s29] =	ssyncadd.s32 $0xFFFFFF80  }
0x94: {  	[tilespmem:s30], [sflag:$0x2] =	stream.indirect.gather [hbm4b:s1+s28], $0x80, s25, s28, $0xb8;
	[tilespmem:$0x1E500] =	vst v63  }
0x95: {  	_ =	swait.ge [sflag:s31], $0x4000  }
0x96: {  	[sflag:s31] =	ssyncset.done $0x0  }
0x97: {  	s7 =	simm.s32 $0x16300;
	[sflag:s31] =	ssyncadd.s32 $0xFFFFC000  }
0x98: {  	[spmem:s3] =	stream.indirect.scatter.add.f32 [tilespmem:s23], [sflag:$0x3], $0x80, s7, s28, $0xb8;
	[tilespmem:$0x1E500] =	vst v63  }
0x99: {  	_ =	swait.ge [sflag:s0], $0x4000  }
0x9a: {  	[sflag:s0] =	ssyncset.done $0x0  }
0x9b: {  	s17 =	simm.s32 $0x16380;
	[sflag:s0] =	ssyncadd.s32 $0xFFFFC000  }
0x9c: {  	[spmem:s3] =	stream.indirect.scatter.add.f32 [tilespmem:s30], [sflag:$0x4], $0x80, s17, s28, $0xb8;
	[tilespmem:$0x1E500] =	vst v63  }
0x9d: {  	_ =	swait.ge [sflag:s15], $0x4000  }
0x9e: {  	[sflag:s15] =	ssyncset.done $0x0  }
0x9f: {  	[sflag:s15] =	ssyncadd.s32 $0xFFFFC000  }
0xa0: {  	_ =	swait.ge [sflag:s21], $0x4000  }
0xa1: {  	[sflag:s21] =	ssyncset.done $0x0  }
0xa2: {  	[sflag:s21] =	ssyncadd.s32 $0xFFFFC000  }
.LBB2_7:
.Ltmp5:
0xa3: {  	(pc) =	sbr.rel @!p1 .LBB2_11-.Ltmp5, $1  }
0xa4: {  	_ =	sdelay $0x3  }
0xa5: {  	s7 =	simm.s32 $0x0  }
0xa6: {  	[tilespmem:s24], [sflag:$0x5] =	stream.linear.gather [hbm4b:s12+s7], $0x80, $0x38;
	[tilespmem:$0x1E500] =	vst v63  }
0xa7: {  	_ = 	snop  }
0xa8: {  	[tilespmem:s25], [sflag:$0x6] =	stream.linear.gather [hbm4b:s13+s7], $0x80, $0x38;
	[tilespmem:$0x1E500] =	vst v63  }
0xa9: {  	_ =	swait.ge [sflag:s26], $0x80  }
0xaa: {  	[sflag:s26] =	ssyncset.done $0x0  }
0xab: {  	[sflag:s26] =	ssyncadd.s32 $0xFFFFFF80  }
0xac: {  	[tilespmem:s23], [sflag:$0x1] =	stream.indirect.gather [hbm4b:s5+s28], $0x80, s24, s28, $0xb8;
	[tilespmem:$0x1E500] =	vst v63  }
0xad: {  	_ =	swait.ge [sflag:s29], $0x80  }
0xae: {  	[sflag:s29] =	ssyncset.done $0x0  }
0xaf: {  	[sflag:s29] =	ssyncadd.s32 $0xFFFFFF80  }
0xb0: {  	[tilespmem:s30], [sflag:$0x2] =	stream.indirect.gather [hbm4b:s5+s28], $0x80, s25, s28, $0xb8;
	[tilespmem:$0x1E500] =	vst v63  }
0xb1: {  	_ =	swait.ge [sflag:s31], $0x4000  }
0xb2: {  	[sflag:s31] =	ssyncset.done $0x0  }
0xb3: {  	s8 =	sadd.s32 $0xFFFFFFF0, s20;
	[sflag:s31] =	ssyncadd.s32 $0xFFFFC000  }
0xb4: {  	[tilespmem:s24], [sflag:$0x5] =	stream.linear.gather [hbm4b:s8+s4], $0x80, $0x38;
	[tilespmem:$0x1E500] =	vst v63  }
0xb5: {  	s9 =	simm.s32 $0x13C00  }
0xb6: {  	[spmem:s3] =	stream.indirect.scatter.add.f32 [tilespmem:s23], [sflag:$0x3], $0x80, s9, s28, $0xb8;
	[tilespmem:$0x1E500] =	vst v63  }
0xb7: {  	_ =	swait.ge [sflag:s0], $0x4000  }
0xb8: {  	[sflag:s0] =	ssyncset.done $0x0  }
0xb9: {  	[sflag:s0] =	ssyncadd.s32 $0xFFFFC000  }
0xba: {  	[tilespmem:s25], [sflag:$0x6] =	stream.linear.gather [hbm4b:s20+s4], $0x80, $0x38;
	[tilespmem:$0x1E500] =	vst v63  }
0xbb: {  	s17 =	simm.s32 $0x13C80  }
0xbc: {  	[spmem:s3] =	stream.indirect.scatter.add.f32 [tilespmem:s30], [sflag:$0x4], $0x80, s17, s28, $0xb8;
	[tilespmem:$0x1E500] =	vst v63  }
0xbd: {  	_ =	swait.ge [sflag:s15], $0x4000  }
0xbe: {  	[sflag:s15] =	ssyncset.done $0x0  }
0xbf: {  	[sflag:s15] =	ssyncadd.s32 $0xFFFFC000  }
0xc0: {  	_ =	swait.ge [sflag:s26], $0x80  }
0xc1: {  	[sflag:s26] =	ssyncset.done $0x0  }
0xc2: {  	[sflag:s26] =	ssyncadd.s32 $0xFFFFFF80  }
0xc3: {  	[tilespmem:s23], [sflag:$0x1] =	stream.indirect.gather [hbm4b:s5+s28], $0x80, s24, s28, $0xb8;
	[tilespmem:$0x1E500] =	vst v63  }
0xc4: {  	_ =	swait.ge [sflag:s21], $0x4000  }
0xc5: {  	[sflag:s21] =	ssyncset.done $0x0  }
0xc6: {  	[sflag:s21] =	ssyncadd.s32 $0xFFFFC000  }
0xc7: {  	_ =	swait.ge [sflag:s29], $0x80  }
0xc8: {  	[sflag:s29] =	ssyncset.done $0x0  }
0xc9: {  	s7 =	sadd.s32 $0x20, s20;
	s17 =	simm.s32 $0x400;
	[sflag:s29] =	ssyncadd.s32 $0xFFFFFF80  }
.LBB2_9:
0xca: {  	[tilespmem:s30], [sflag:$0x2] =	stream.indirect.gather [hbm4b:s5+s28], $0x80, s25, s28, $0xb8;
	[tilespmem:$0x1E500] =	vst v63  }
0xcb: {  	s8 =	smov.u32 s17  }
0xcc: {  	p6 =	sne.s32 s17, $0x9800;
	s17 =	sadd.s32 $0x400, s17;
	_ =	swait.ge [sflag:s31], $0x4000  }
0xcd: {  	[sflag:s31] =	ssyncset.done $0x0  }
0xce: {  	s9 =	sadd.s32 $0xFFFFFFF0, s7;
	s8 =	sshra.s32 s8, $0x2;
	[sflag:s31] =	ssyncadd.s32 $0xFFFFC000  }
0xcf: {  	[tilespmem:s24], [sflag:$0x5] =	stream.linear.gather [hbm4b:s9+s4], $0x80, $0x38;
	[tilespmem:$0x1E500] =	vst v63  }
0xd0: {  	s9 =	sadd.s32 $0x13C00, s8  }
0xd1: {  	[spmem:s3] =	stream.indirect.scatter.add.f32 [tilespmem:s23], [sflag:$0x3], $0x80, s9, s28, $0xb8;
	[tilespmem:$0x1E500] =	vst v63  }
0xd2: {  	_ =	swait.ge [sflag:s0], $0x4000  }
0xd3: {  	[sflag:s0] =	ssyncset.done $0x0  }
0xd4: {  	[sflag:s0] =	ssyncadd.s32 $0xFFFFC000  }
0xd5: {  	[tilespmem:s25], [sflag:$0x6] =	stream.linear.gather [hbm4b:s7+s4], $0x80, $0x38;
	[tilespmem:$0x1E500] =	vst v63  }
0xd6: {  	s8 =	sadd.s32 $0x13C80, s8  }
0xd7: {  	[spmem:s3] =	stream.indirect.scatter.add.f32 [tilespmem:s30], [sflag:$0x4], $0x80, s8, s28, $0xb8;
	[tilespmem:$0x1E500] =	vst v63  }
0xd8: {  	_ =	swait.ge [sflag:s15], $0x4000  }
0xd9: {  	[sflag:s15] =	ssyncset.done $0x0  }
0xda: {  	[sflag:s15] =	ssyncadd.s32 $0xFFFFC000  }
0xdb: {  	_ =	swait.ge [sflag:s26], $0x80  }
0xdc: {  	[sflag:s26] =	ssyncset.done $0x0  }
0xdd: {  	[sflag:s26] =	ssyncadd.s32 $0xFFFFFF80  }
0xde: {  	[tilespmem:s23], [sflag:$0x1] =	stream.indirect.gather [hbm4b:s5+s28], $0x80, s24, s28, $0xb8;
	[tilespmem:$0x1E500] =	vst v63  }
0xdf: {  	_ =	swait.ge [sflag:s21], $0x4000  }
.Ltmp6:
0xe0: {  	[sflag:s21] =	ssyncset.done $0x0;
	(pc) =	sbr.rel @p6 .LBB2_9-.Ltmp6, $4  }
0xe1: {  	[sflag:s21] =	ssyncadd.s32 $0xFFFFC000  }
0xe2: {  	_ =	swait.ge [sflag:s29], $0x80  }
0xe3: {  	[sflag:s29] =	ssyncset.done $0x0  }
0xe4: {  	s7 =	sadd.s32 $0x20, s7;
	[sflag:s29] =	ssyncadd.s32 $0xFFFFFF80  }
0xe5: {  	[tilespmem:s30], [sflag:$0x2] =	stream.indirect.gather [hbm4b:s5+s28], $0x80, s25, s28, $0xb8;
	[tilespmem:$0x1E500] =	vst v63  }
0xe6: {  	_ =	swait.ge [sflag:s31], $0x4000  }
0xe7: {  	[sflag:s31] =	ssyncset.done $0x0  }
0xe8: {  	s7 =	simm.s32 $0x16300;
	[sflag:s31] =	ssyncadd.s32 $0xFFFFC000  }
0xe9: {  	[spmem:s3] =	stream.indirect.scatter.add.f32 [tilespmem:s23], [sflag:$0x3], $0x80, s7, s28, $0xb8;
	[tilespmem:$0x1E500] =	vst v63  }
0xea: {  	_ =	swait.ge [sflag:s0], $0x4000  }
0xeb: {  	[sflag:s0] =	ssyncset.done $0x0  }
0xec: {  	s17 =	simm.s32 $0x16380;
	[sflag:s0] =	ssyncadd.s32 $0xFFFFC000  }
0xed: {  	[spmem:s3] =	stream.indirect.scatter.add.f32 [tilespmem:s30], [sflag:$0x4], $0x80, s17, s28, $0xb8;
	[tilespmem:$0x1E500] =	vst v63  }
0xee: {  	_ =	swait.ge [sflag:s15], $0x4000  }
0xef: {  	[sflag:s15] =	ssyncset.done $0x0  }
0xf0: {  	[sflag:s15] =	ssyncadd.s32 $0xFFFFC000  }
0xf1: {  	_ =	swait.ge [sflag:s21], $0x4000  }
0xf2: {  	[sflag:s21] =	ssyncset.done $0x0  }
0xf3: {  	[sflag:s21] =	ssyncadd.s32 $0xFFFFC000  }
.LBB2_11:
.Ltmp7:
0xf4: {  	(pc) =	sbr.rel @!p2 .LBB2_14-.Ltmp7, $2  }
0xf5: {  	_ =	sdelay $0x1  }
0xf6: {  	[bflag:$0x0] =	sbarrier.arrive $0xFFFF;
	_ =	sdelay $0x1  }
0xf7: {  	s7 =	sshll.u32 s2, $0x6;
	s8 =	sshrl.u32 s6, $0x3  }
.Ltmp8:
0xf8: {  	s9 =	rddreg [dreg:$0x8];
	s7 =	sor.u32 $0x1C07, s7;
	(pc) =	sbr.rel .LBB2_13-.Ltmp8, $4  }
0xf9: {  	[hbm:s9], [sflag:s7] =	dma.local [spmem:s8], $0x2780  }
0xfa: {  	_ =	swait.ge [sflag:s22], $0x2780  }
0xfb: {  	[sflag:s22] =	ssyncset.done $0x0  }
0xfc: {  	p6 =	por $0x0, $0x0;
	[sflag:s22] =	ssyncadd.s32 $0xFFFFD880  }
.LBB2_14:
0xfd: {  	s7 =	sld [smem:$0x7FD];
	_ =	sdelay $0x2  }
0xfe: {  	p3 =	seq.s32 s7, $0x1  }
.Ltmp9:
0xff: {  	_ = 	snop;
	(pc) =	sbr.rel @p3 .LBB2_15-.Ltmp9, $2  }
0x100: {  	_ =	sdelay $0x2  }
0x101: {  	p6 =	por p0, p0  }
.LBB2_13:
0x102: {  	s7 =	sshll.u32 @p4 s2, $0x6  }
0x103: {  	s8 =	sshrl.u32 @p4 s6, $0x3;
	s9 =	rddreg [dreg:$0x9];
	s7 =	sor.u32 @p4 $0x1C07, s7  }
0x104: {  	[hbm:s9], [sflag:s7] =	dma.local @p4 [spmem:s8], $0x2780  }
.Ltmp10:
0x105: {  	_ = 	snop;
	(pc) =	sbr.rel .LBB2_16-.Ltmp10, $4  }
0x106: {  	s7 =	simm.s32 @p4 $0x7  }
0x107: {  	_ =	swait.ge @p4 [sflag:s7], $0x2780  }
0x108: {  	[sflag:s7] =	ssyncset.done @p4 $0x0  }
0x109: {  	[sflag:s7] =	ssyncadd.s32 @p4 $0xFFFFD880  }
.LBB2_17:
0x10a: {  	_ =	sfence.sel $0x180000  }
0x10b: {  	[bflag:$0x0] =	sbarrier.arrive $0xFFFF  }
0x10c: {  	_ =	strace $0x90000047  }
0x10d: {  	[bflag:$0x2] =	sbarrier.arrive $0xFFFF  }
0x10e: {  	p0 =	sne.s32 s2, $0x0;
	s0 =	rddreg [dreg:$0x3]  }
0x10f: {  	s0 =	sadd.s32 @!p0 $0x100000, s0  }
0x110: {  	[sflag:s0] =	ssyncadd.tile.s32 @!p0 $0x1;
	_ =	shalt  }
.Lfunc_end2:
_tile_overlayer_lowered:
.L_overlay_start_2:
0x111: {  	(tag) =	ssettag $0x2  }
0x112: {  	s0 =	rddreg [dreg:$0x0];
	s2 =	stileid.u32  }
0x113: {  	s1 =	rddreg [dreg:$0x1];
	p0 =	sne.s32 s2, $0x0  }
0x114: {  	s3 =	rddreg [dreg:$0x2];
	[bflag:$0x3] =	sbarrier.arrive $0xFFFF;
	s2 =	simm.s32 @!p0 $0x1C07  }
0x115: {  	[timem:s3], [sflag:s2] =	dma.local @!p0 [hbm:s0], s1  }
0x116: {  	s0 =	simm.s32 @!p0 $0x7  }
0x117: {  	_ =	swait.ge @!p0 [sflag:s0], s1  }
0x118: {  	s1 =	ssub.s32 @!p0 $0x0, s1;
	[sflag:s0] =	ssyncset.done @!p0 $0x0  }
0x119: {  	[sflag:s0] =	ssyncadd.s32 @!p0 s1  }
0x11a: {  	[bflag:$0x3] =	sbarrier.arrive $0xFFFF  }
0x11b: {  	_ =	shalt  }

// kernel: kernel.14.cloned.1.call-start
scs
__scs_entry_jumppad:
0x0: {  	(pc) =	sbr.rel $0x88, $3  }
0x1: {  	(tag) =	ssettag $0x0;
	lr =	simm.s32 $0x1  }
0x2: {  	[smem:$0x3F8F] =	sst lr;
	_ =	strace $0xD0000000  }
0x3: {  	_ = 	snop  }
0x4: {  	_ = 	snop  }
0x5: {  	_ = 	snop  }
0x6: {  	_ = 	snop  }
0x7: {  	_ = 	snop  }
__scs_overlays_trampoline_lowered:
0x8: {  	[smem:$0x3F9E] =	sst s0  }
0x9: {  	[smem:$0x3F9F] =	sst s1  }
0xa: {  	[smem:$0x3FA0] =	sst s2  }
0xb: {  	[smem:$0x3FA1] =	sst s3  }
0xc: {  	[smem:$0x3FA2] =	sst s4  }
0xd: {  	[smem:$0x3FA3] =	sst s5  }
0xe: {  	[smem:$0x3FA4] =	sst s6  }
0xf: {  	[smem:$0x3FA5] =	sst s7  }
0x10: {  	[smem:$0x3FA6] =	sst s8  }
0x11: {  	[smem:$0x3FA7] =	sst s9;
	s0 =	simm.s32 @!p0 $0x0  }
0x12: {  	s1 =	sld [smem:$0x3F8D];
	s0 =	simm.s32 @p0 $0x1  }
0x13: {  	[smem:$0x3FA8] =	sst s0;
	s0 =	simm.s32 @!p1 $0x0  }
0x14: {  	s2 =	sld [smem:$0x3F8C];
	s0 =	simm.s32 @p1 $0x1  }
0x15: {  	[smem:$0x3FA9] =	sst s0;
	s0 =	simm.s32 @!p2 $0x0  }
0x16: {  	s3 =	sld [smem:$0x3FDB];
	s0 =	simm.s32 @p2 $0x1  }
0x17: {  	s4 =	simm.s32 $0x1BF5;
	[smem:$0x3FAB] =	sst s0  }
0x18: {  	s0 =	sld [smem:$0x3F8E];
	_ =	swait.ge [sflag:s4], $0x0  }
0x19: {  	s7 =	sld [smem:$0x3F8F]  }
0x1a: {  	s8 =	sadd.s32 $0xFFFFE003, lr  }
0x1b: {  	s9 =	sadd.s32 $0xFFFFFEF7, lr;
	s5 =	simm.s32 $0xFFFFFFFF;
	p2 =	slt.u32 s8, $0xFFFFF086  }
0x1c: {  	p1 =	slt.u32 s9, $0xF7A;
	s5 =	simm.s32 @!p2 $0x0  }
0x1d: {  	s5 =	simm.s32 @p1 $0x1;
	p0 =	seq.s32 s7, s2  }
0x1e: {  	s7 =	smul.u32 @!p0 $0xF7A, s2;
	p2 =	seq.s32 @!p0 s5, $0x0  }
0x1f: {  	s9 =	smul.u32 $0xF7A, s1;
	s8 =	simm.s32 @!p0 $0x1BF5;
	p2 =	por !p2, p0  }
0x20: {  	[sflag:s8] =	ssyncset.s32 @!p0 $0xFFFFF086;
	s6 =	sadd.s32 @!p0 s3, s7;
	s7 =	simm.s32 @!p0 $0x108  }
0x21: {  	s3 =	sadd.s32 s3, s9;
	s6 =	sadd.s32 @!p0 $0x88, s6;
	s7 =	simm.s32 @p2 $0x1082  }
0x22: {  	[simem:s7], [sflag:s8] =	dma.local @!p0 [hbm:s6], $0xF7A  }
0x23: {  	s9 =	sor.u32 $0xD0000000, s2;
	s6 =	simm.s32 $0x108;
	_ =	swait.ge @!p0 [sflag:s8], $0x0  }
0x24: {  	s3 =	sadd.s32 $0x88, s3;
	s6 =	simm.s32 @!p1 $0x1082;
	[sflag:s4] =	ssyncset.s32 $0xFFFFF086  }
0x25: {  	[simem:s6], [sflag:s4] =	dma.local [hbm:s3], $0xF7A  }
0x26: {  	[smem:$0x3F8F] =	sst s1;
	(tag) =	ssettag s2;
	_ =	strace s9  }
0x27: {  	s1 =	sld [smem:$0x3F9F]  }
0x28: {  	s2 =	sld [smem:$0x3FA0]  }
0x29: {  	s4 =	sld [smem:$0x3FA2]  }
0x2a: {  	p0 =	seq.s32 s5, $0x0;
	s5 =	sld [smem:$0x3FA3]  }
0x2b: {  	s6 =	sld [smem:$0x3FA4]  }
0x2c: {  	s7 =	sld [smem:$0x3FA5]  }
0x2d: {  	s3 =	simm.s32 $0x108;
	s8 =	sld [smem:$0x3FA6]  }
0x2e: {  	s3 =	simm.s32 @!p0 $0x1082;
	s9 =	sld [smem:$0x3FA7]  }
0x2f: {  	lr =	sadd.s32 s0, s3;
	s0 =	sld [smem:$0x3F9E]  }
0x30: {  	s3 =	sld [smem:$0x3FA1]  }
0x31: {  	[smem:$0x3FAA] =	sst s10  }
0x32: {  	s10 =	sld [smem:$0x3FA8];
	_ =	sdelay $0x3  }
0x33: {  	p0 =	seq.s32 s10, $0x1;
	s10 =	sld [smem:$0x3FAA];
	_ =	sdelay $0x3  }
0x34: {  	[smem:$0x3FAA] =	sst s10  }
0x35: {  	s10 =	sld [smem:$0x3FA9];
	_ =	sdelay $0x3  }
0x36: {  	p1 =	seq.s32 s10, $0x1;
	s10 =	sld [smem:$0x3FAA];
	_ =	sdelay $0x3  }
0x37: {  	[smem:$0x3FAA] =	sst s10  }
0x38: {  	s10 =	sld [smem:$0x3FAB]  }
0x39: {  	_ = 	snop;
	(pc) =	sbr.ind lr, $3  }
0x3a: {  	_ = 	snop  }
0x3b: {  	_ = 	snop  }
0x3c: {  	p2 =	seq.s32 s10, $0x1;
	s10 =	sld [smem:$0x3FAA]  }
0x3d: {  	_ =	shalt  }
0x3e: {  	_ =	shalt  }
0x3f: {  	_ =	shalt  }
0x40: {  	_ =	shalt  }
0x41: {  	_ =	shalt  }
0x42: {  	_ =	shalt  }
0x43: {  	_ =	shalt  }
0x44: {  	_ =	shalt  }
0x45: {  	_ =	shalt  }
0x46: {  	_ =	shalt  }
0x47: {  	_ =	shalt  }
0x48: {  	_ =	shalt  }
0x49: {  	_ =	shalt  }
0x4a: {  	_ =	shalt  }
0x4b: {  	_ =	shalt  }
0x4c: {  	_ =	shalt  }
0x4d: {  	_ =	shalt  }
0x4e: {  	_ =	shalt  }
0x4f: {  	_ =	shalt  }
0x50: {  	_ =	shalt  }
0x51: {  	_ =	shalt  }
0x52: {  	_ =	shalt  }
0x53: {  	_ =	shalt  }
0x54: {  	_ =	shalt  }
0x55: {  	_ =	shalt  }
0x56: {  	_ =	shalt  }
0x57: {  	_ =	shalt  }
0x58: {  	_ =	shalt  }
0x59: {  	_ =	shalt  }
0x5a: {  	_ =	shalt  }
0x5b: {  	_ =	shalt  }
0x5c: {  	_ =	shalt  }
0x5d: {  	_ =	shalt  }
0x5e: {  	_ =	shalt  }
0x5f: {  	_ =	shalt  }
0x60: {  	_ =	shalt  }
0x61: {  	_ =	shalt  }
0x62: {  	_ =	shalt  }
0x63: {  	_ =	shalt  }
0x64: {  	_ =	shalt  }
0x65: {  	_ =	shalt  }
0x66: {  	_ =	shalt  }
0x67: {  	_ =	shalt  }
0x68: {  	_ =	shalt  }
0x69: {  	_ =	shalt  }
0x6a: {  	_ =	shalt  }
0x6b: {  	_ =	shalt  }
0x6c: {  	_ =	shalt  }
0x6d: {  	_ =	shalt  }
0x6e: {  	_ =	shalt  }
0x6f: {  	_ =	shalt  }
0x70: {  	_ =	shalt  }
0x71: {  	_ =	shalt  }
0x72: {  	_ =	shalt  }
0x73: {  	_ =	shalt  }
0x74: {  	_ =	shalt  }
0x75: {  	_ =	shalt  }
0x76: {  	_ =	shalt  }
0x77: {  	_ =	shalt  }
0x78: {  	_ =	shalt  }
0x79: {  	_ =	shalt  }
0x7a: {  	_ =	shalt  }
0x7b: {  	_ =	shalt  }
0x7c: {  	_ =	shalt  }
0x7d: {  	_ =	shalt  }
0x7e: {  	_ =	shalt  }
0x7f: {  	_ =	shalt  }
0x80: {  	_ =	shalt  }
0x81: {  	_ =	shalt  }
0x82: {  	_ =	shalt  }
0x83: {  	_ =	shalt  }
0x84: {  	_ =	shalt  }
0x85: {  	_ =	shalt  }
0x86: {  	_ =	shalt  }
0x87: {  	_ =	shalt  }
.Lfunc_end0:
.L_simem_size_0:
called_computation.2_lowered:
.L_overlay_start_0:
0x88: {  	s2 =	sld [smem:$0x3FD9]  }
0x89: {  	s3 =	sld [smem:$0x3FFE];
	_ =	sdelay $0x1  }
0x8a: {  	s1 =	srdreg.scid  }
0x8b: {  	s0 =	sand.u32 $0x1, s1  }
0x8c: {  	s17 =	sshll.u32 s0, $0xA;
	s2 =	sadd.s32 s3, s2  }
0x8d: {  	s2 =	sadd.s32 s2, s17  }
0x8e: {  	[smem:$0x3FB6] =	sst s2  }
0x8f: {  	_ = 	snop  }
0x90: {  	s2 =	sld [smem:$0x3FD0];
	(tm) =	ssettm $0x1  }
0x91: {  	s18 =	sld [smem:$0x3FFB];
	_ =	sdelay $0x3  }
0x92: {  	_ =	strace s18  }
0x93: {  	s3 =	sld [smem:$0x3FFC];
	_ =	sdelay $0x3  }
0x94: {  	_ =	strace s3  }
0x95: {  	s3 =	sld [smem:$0x3FFD];
	_ =	sdelay $0x3  }
0x96: {  	_ =	strace s3  }
0x97: {  	_ =	strace $0x8FFFFFFF  }
0x98: {  	s19 =	sld [smem:$0x3FDB];
	_ =	sdelay $0x1  }
0x99: {  	s4 =	simm.s32 $_scs_section_size  }
0x9a: {  	s5 =	simm.s32 $_size__tile_overlayer_lowered;
	s6 =	simm.s32 $_tile_overlayer_lowered  }
0x9b: {  	s22 =	simm.s32 $0x1BFF;
	s21 =	sshll.u32 s6, $0x1;
	s3 =	sadd.s32 s4, s19  }
0x9c: {  	s7 =	simm.s32 $0x0;
	s20 =	sshll.u32 s5, $0x1;
	s5 =	sadd.s32 s21, s3  }
0x9d: {  	[timem:s7], [sflag:s22] =	dma.local [hbm:s5], s20  }
0x9e: {  	_ =	swait.ge [sflag:s22], s20  }
0x9f: {  	s4 =	ssub.s32 $0x0, s20;
	[sflag:s22] =	ssyncset.done $0x0  }
0xa0: {  	[sflag:s22] =	ssyncadd.s32 s4;
	_ =	sdelay $0x1  }
0xa1: {  	s23 =	simm.s32 $0x1B8B  }
0xa2: {  	_ =	swait.ge [sflag:s23], $0x1  }
0xa3: {  	[sflag:s23] =	ssyncset.done $0x0  }
0xa4: {  	s25 =	simm.s32 $0x1B8E;
	s24 =	sld [smem:$0x3FFE];
	[sflag:s23] =	ssyncadd.s32 $0xFFFFFFFF  }
0xa5: {  	s26 =	simm.s32 $execute0_lowered;
	[smem:$0x3FD2] =	sst s25  }
0xa6: {  	s5 =	sshll.u32 s26, $0x1;
	_ =	strace $0x8000004C;
	[dreg:$0x1] =	wrdreg $0xFFFFFFFF  }
0xa7: {  	s28 =	simm.s32 $_size_execute0_lowered;
	s3 =	sadd.s32 s3, s5;
	[dreg:$0x0] =	wrdreg $0x0  }
0xa8: {  	s5 =	sshll.u32 s28, $0x1;
	[dreg:$0x2] =	wrdreg s3  }
0xa9: {  	[dreg:$0x3] =	wrdreg s5  }
0xaa: {  	[dreg:$0x4] =	wrdreg $0xC0  }
0xab: {  	_ =	task [dreg:s7], $0x5FFFF  }
0xac: {  	[dreg:$0x1] =	wrdreg $0xFFFFFFFF  }
0xad: {  	[dreg:$0x0] =	wrdreg $0x60  }
0xae: {  	[dreg:$0x2] =	wrdreg s2  }
0xaf: {  	[dreg:$0x3] =	wrdreg s24  }
0xb0: {  	[dreg:$0x4] =	wrdreg $0x0  }
0xb1: {  	[dreg:$0x5] =	wrdreg $0x9  }
0xb2: {  	_ =	task.clear_ibuf [dreg:s7], $0x6FFFF;
	_ =	strace $0x9000004C  }
0xb3: {  	s29 =	simm.s32 $0x9;
	_ =	strace $0x8000004E  }
0xb4: {  	_ =	swait.ge [sflag:s29], $0x1  }
0xb5: {  	[sflag:s29] =	ssyncadd.s32 $0xFFFFFFFF  }
0xb6: {  	_ =	strace $0x9000004E  }
0xb7: {  	_ =	sfence  }
0xb8: {  	s30 =	sld [smem:$0x0];
	_ =	sdelay $0x2  }
0xb9: {  	s31 =	sshll.u32 s1, $0xD;
	s1 =	sshrl.u32 s1, $0x2  }
0xba: {  	s3 =	sand.u32 $0x4000, s31;
	s1 =	sadd.s32 s1, s30  }
0xbb: {  	s0 =	sor.u32 s3, s0;
	s1 =	sshll.u32 s1, $0x11  }
0xbc: {  	s0 =	sor.u32 s1, s0  }
0xbd: {  	s0 =	sadd.s32 $0x8F2B, s0  }
0xbe: {  	[sflag:s0] =	ssyncadd.remote.s32 $0x1  }
0xbf: {  	_ =	sfence.sel $0xFFFF  }
0xc0: {  	[dreg:$0x0] =	wrdreg $0xFFFFFFFF;
	(pc) =	sbr.abs _section_cstart, $3  }
0xc1: {  	[dreg:$0x1] =	wrdreg $0xFFFFFFFF  }
0xc2: {  	_ =	task.clear_ibuf [dreg:s7], $0x2FFFF;
	_ =	strace $0x9FFFFFFF  }
0xc3: {  	(tm) =	ssettm $0x7FFFFFFF  }
tec
execute0_lowered:
.L_overlay_start_1:
0x0: {  	(tag) =	ssettag $0x1  }
0x1: {  	s1 =	rddreg [dreg:$0x0]  }
0x2: {  	s0 =	rddreg [dreg:$0x1]  }
0x3: {  	s3 =	rddreg [dreg:$0x2]  }
0x4: {  	s4 =	simm.s32 $0x0;
	s2 =	stileid.u32;
	s8 =	srdreg.scid  }
0x5: {  	s28 =	simm.s32 $0x80;
	s29 =	simm.s32 $0x6;
	s7 =	smul.u32 $0x500, s2  }
0x6: {  	s30 =	simm.s32 $0x1A400;
	s31 =	simm.s32 $0x1;
	s6 =	smul.u32 $0x2780, s2  }
0x7: {  	[smem:$0x7FF] =	sst s4;
	s5 =	sadd.s32 $0xE200, s0;
	s9 =	smul.u32 $0x4F000, s2  }
0x8: {  	s15 =	sadd.s32 $0x9200, s0;
	s16 =	sand.u32 $0x1, s8;
	s11 =	smul.u32 $0x2800, s2  }
0x9: {  	p4 =	sne.s32 s2, $0xF;
	p0 =	seq.s32 s2, $0xF;
	s14 =	sadd.s32 $0x128400, s3  }
0xa: {  	s24 =	sadd.s32 $0x5A480, s0;
	s18 =	sadd.s32 $0x81680, s0;
	_ =	strace $0x8000004D  }
0xb: {  	s8 =	ssub.s32 $0x2, s16;
	p2 =	seq.s32 s16, $0x0;
	p1 =	seq.s32 s16, $0x1  }
0xc: {  	[dreg:$0x7] =	wrdreg s24;
	s24 =	simm.s32 $0x1E400;
	s10 =	sadd.s32 s7, s0  }
0xd: {  	s17 =	sadd.s32 s6, s0;
	s19 =	sshrl.u32 s9, $0x2;
	s20 =	sshrl.u32 s8, $0x1  }
0xe: {  	s12 =	sshrl.u32 s11, $0x3;
	p3 =	por !p2, !p4;
	p5 =	por !p2, !p0  }
0xf: {  	p4 =	por !p4, !p1;
	s7 =	sadd.s32 s7, s15;
	s0 =	simm.s32 $0x2  }
0x10: {  	s6 =	sadd.s32 s19, s3;
	s19 =	ssub.s32 s8, s20;
	s21 =	sadd.s32 $0x4200, s10  }
0x11: {  	s12 =	sadd.s32 s15, s12;
	p2 =	por !p3, !p3;
	p3 =	por !p5, !p5  }
0x12: {  	s25 =	sadd.s32 $0x35400, s17;
	p4 =	por !p4, !p4;
	s26 =	sadd.s32 $0x5C600, s17  }
0x13: {  	s20 =	sadd.s32 $0x30, s7;
	p5 =	sne.s32 s16, $0x0;
	s15 =	simm.s32 $0x3  }
0x14: {  	s16 =	simm.s32 $0x0;
	[dreg:$0x4] =	wrdreg s21;
	s22 =	sadd.s32 $0x4000, s6  }
0x15: {  	s23 =	sadd.s32 $0x8000, s6;
	s10 =	sadd.s32 $0xC000, s6;
	s11 =	sadd.s32 $0x10000, s6  }
.Ltmp0:
0x16: {  	s13 =	sadd.s32 $0x10, s12;
	[dreg:$0x8] =	wrdreg s25;
	(pc) =	sbr.rel .LBB2_1-.Ltmp0, $4  }
0x17: {  	s8 =	simm.s32 @!p3 $0x0;
	[dreg:$0x9] =	wrdreg s26;
	s19 =	smax.u32 s19, $0x1  }
0x18: {  	s25 =	simm.s32 $0x1E480;
	s26 =	simm.s32 $0x5;
	[dreg:$0x5] =	wrdreg s22  }
0x19: {  	s21 =	simm.s32 $0x4;
	[dreg:$0x6] =	wrdreg s23;
	s8 =	simm.s32 @p3 $0x1  }
0x1a: {  	v0 =	vimm.f32 $0.0e+00;
	s22 =	simm.s32 $0x7;
	s23 =	simm.s32 $0x16400;
	[smem:$0x7FD] =	sst s8  }
.LBB2_15:
0x1b: {  	s7 =	sshrl.u32 s14, $0x3;
	s8 =	rddreg [dreg:$0x7];
	s9 =	simm.s32 $0x1FC7  }
0x1c: {  	[hbm:s8], [sflag:s9] =	dma.local [spmem:s7], $0x2080  }
0x1d: {  	_ =	swait.ge [sflag:s22], $0x2080  }
0x1e: {  	[sflag:s22] =	ssyncset.done $0x0  }
0x1f: {  	p6 =	por $0x1, $0x1;
	[sflag:s22] =	ssyncadd.s32 $0xFFFFDF80  }
.LBB2_16:
0x20: {  	p6 =	por !p6, !p1  }
0x21: {  	p6 =	por !p6, !p6  }
0x22: {  	s16 =	sadd.s32 $0x1, s16;
	s7 =	sshll.u32 @p6 s2, $0x6  }
0x23: {  	p3 =	sne.s32 s16, s19;
	s8 =	sshrl.u32 @p6 s14, $0x3;
	s7 =	sor.u32 @p6 $0x1C07, s7  }
0x24: {  	[hbm:s18], [sflag:s7] =	dma.local @p6 [spmem:s8], $0x2080  }
.Ltmp1:
0x25: {  	_ = 	snop;
	(pc) =	sbr.rel @!p3 .LBB2_17-.Ltmp1, $4  }
0x26: {  	s7 =	simm.s32 @p6 $0x7  }
0x27: {  	_ =	swait.ge @p6 [sflag:s7], $0x2080  }
0x28: {  	[sflag:s7] =	ssyncset.done @p6 $0x0  }
0x29: {  	[sflag:s7] =	ssyncadd.s32 @p6 $0xFFFFDF80  }
.LBB2_1:
0x2a: {  	s7 =	rddreg [dreg:$0x4];
	s8 =	simm.s32 $0x13C00  }
0x2b: {  	[tilespmem:s8], [sflag:$0x7] =	stream.linear.gather [hbm4b:s7+s4], $0x2800, $0x38;
	[tilespmem:$0x1E500] =	vst v63  }
0x2c: {  	_ =	swait.ge [sflag:s22], $0x2800  }
0x2d: {  	[sflag:s22] =	ssyncset.done $0x0  }
0x2e: {  	s17 =	simm.s32 $0x200;
	s7 =	simm.s32 $0x0;
	[sflag:s22] =	ssyncadd.s32 $0xFFFFD800  }
.LBB2_2:
0x2f: {  	p6 =	sne.s32 s17, $0xFE00;
	[tilespmem:s7+$0x16470] =	vst v0  }
0x30: {  	[tilespmem:s7+$0x16400] =	vst v0  }
0x31: {  	[tilespmem:s7+$0x16410] =	vst v0  }
.Ltmp2:
0x32: {  	[tilespmem:s7+$0x16420] =	vst v0;
	(pc) =	sbr.rel @p6 .LBB2_2-.Ltmp2, $4  }
0x33: {  	[tilespmem:s7+$0x16430] =	vst v0  }
0x34: {  	[tilespmem:s7+$0x16440] =	vst v0  }
0x35: {  	[tilespmem:s7+$0x16450] =	vst v0  }
0x36: {  	[tilespmem:s7+$0x16460] =	vst v0;
	s7 =	sshra.s32 s17, $0x2;
	s17 =	sadd.s32 $0x200, s17  }
0x37: {  	[tilespmem:s7+$0x16470] =	vst v0  }
0x38: {  	[tilespmem:s7+$0x16400] =	vst v0  }
0x39: {  	[tilespmem:s7+$0x16410] =	vst v0  }
0x3a: {  	[tilespmem:s7+$0x16420] =	vst v0  }
0x3b: {  	[tilespmem:s7+$0x16430] =	vst v0  }
0x3c: {  	[tilespmem:s7+$0x16440] =	vst v0  }
0x3d: {  	[tilespmem:s7+$0x16450] =	vst v0  }
0x3e: {  	[tilespmem:s7+$0x16460] =	vst v0  }
0x3f: {  	[spmem:s6] =	stream.linear.scatter [tilespmem:s23], [sflag:$0x7], $0x4000, $0x38;
	[tilespmem:$0x1E500] =	vst v63  }
0x40: {  	_ =	swait.ge [sflag:s22], $0x4000  }
0x41: {  	[sflag:s22] =	ssyncset.done $0x0  }
0x42: {  	s9 =	rddreg [dreg:$0x5];
	[sflag:s22] =	ssyncadd.s32 $0xFFFFC000  }
0x43: {  	[spmem:s9] =	stream.linear.scatter [tilespmem:s23], [sflag:$0x7], $0x4000, $0x38;
	[tilespmem:$0x1E500] =	vst v63  }
0x44: {  	_ =	swait.ge [sflag:s22], $0x4000  }
0x45: {  	[sflag:s22] =	ssyncset.done $0x0  }
0x46: {  	s17 =	rddreg [dreg:$0x6];
	[sflag:s22] =	ssyncadd.s32 $0xFFFFC000  }
0x47: {  	[spmem:s17] =	stream.linear.scatter [tilespmem:s23], [sflag:$0x7], $0x4000, $0x38;
	[tilespmem:$0x1E500] =	vst v63  }
0x48: {  	_ =	swait.ge [sflag:s22], $0x4000  }
0x49: {  	[sflag:s22] =	ssyncset.done $0x0  }
0x4a: {  	[sflag:s22] =	ssyncadd.s32 $0xFFFFC000  }
0x4b: {  	[spmem:s10] =	stream.linear.scatter [tilespmem:s23], [sflag:$0x7], $0x4000, $0x38;
	[tilespmem:$0x1E500] =	vst v63  }
0x4c: {  	_ =	swait.ge [sflag:s22], $0x4000  }
0x4d: {  	[sflag:s22] =	ssyncset.done $0x0  }
0x4e: {  	[sflag:s22] =	ssyncadd.s32 $0xFFFFC000  }
0x4f: {  	[spmem:s11] =	stream.linear.scatter [tilespmem:s23], [sflag:$0x7], $0x3C00, $0x38;
	[tilespmem:$0x1E500] =	vst v63  }
.Ltmp3:
0x50: {  	_ =	swait.ge [sflag:s22], $0x3C00;
	(pc) =	sbr.rel @p5 .LBB2_7-.Ltmp3, $3  }
0x51: {  	[sflag:s22] =	ssyncset.done $0x0  }
0x52: {  	[sflag:s22] =	ssyncadd.s32 $0xFFFFC400  }
0x53: {  	[bflag:$0x0] =	sbarrier.arrive $0xFFFF;
	_ =	sdelay $0x1  }
0x54: {  	s7 =	simm.s32 $0x0  }
0x55: {  	[tilespmem:s24], [sflag:$0x5] =	stream.linear.gather [hbm4b:s12+s7], $0x80, $0x38;
	[tilespmem:$0x1E500] =	vst v63  }
0x56: {  	_ = 	snop  }
0x57: {  	[tilespmem:s25], [sflag:$0x6] =	stream.linear.gather [hbm4b:s13+s7], $0x80, $0x38;
	[tilespmem:$0x1E500] =	vst v63  }
0x58: {  	_ =	swait.ge [sflag:s26], $0x80  }
0x59: {  	[sflag:s26] =	ssyncset.done $0x0  }
0x5a: {  	[sflag:s26] =	ssyncadd.s32 $0xFFFFFF80  }
0x5b: {  	[tilespmem:s23], [sflag:$0x1] =	stream.indirect.gather [hbm4b:s1+s28], $0x80, s24, s28, $0xb8;
	[tilespmem:$0x1E500] =	vst v63  }
0x5c: {  	_ =	swait.ge [sflag:s29], $0x80  }
0x5d: {  	[sflag:s29] =	ssyncset.done $0x0  }
0x5e: {  	[sflag:s29] =	ssyncadd.s32 $0xFFFFFF80  }
0x5f: {  	[tilespmem:s30], [sflag:$0x2] =	stream.indirect.gather [hbm4b:s1+s28], $0x80, s25, s28, $0xb8;
	[tilespmem:$0x1E500] =	vst v63  }
0x60: {  	_ =	swait.ge [sflag:s31], $0x4000  }
0x61: {  	[sflag:s31] =	ssyncset.done $0x0  }
0x62: {  	s8 =	sadd.s32 $0xFFFFFFF0, s20;
	[sflag:s31] =	ssyncadd.s32 $0xFFFFC000  }
0x63: {  	[tilespmem:s24], [sflag:$0x5] =	stream.linear.gather [hbm4b:s8+s4], $0x80, $0x38;
	[tilespmem:$0x1E500] =	vst v63  }
0x64: {  	s9 =	simm.s32 $0x13C00  }
0x65: {  	[spmem:s3] =	stream.indirect.scatter.add.f32 [tilespmem:s23], [sflag:$0x3], $0x80, s9, s28, $0xb8;
	[tilespmem:$0x1E500] =	vst v63  }
0x66: {  	_ =	swait.ge [sflag:s0], $0x4000  }
0x67: {  	[sflag:s0] =	ssyncset.done $0x0  }
0x68: {  	[sflag:s0] =	ssyncadd.s32 $0xFFFFC000  }
0x69: {  	[tilespmem:s25], [sflag:$0x6] =	stream.linear.gather [hbm4b:s20+s4], $0x80, $0x38;
	[tilespmem:$0x1E500] =	vst v63  }
0x6a: {  	s17 =	simm.s32 $0x13C80  }
0x6b: {  	[spmem:s3] =	stream.indirect.scatter.add.f32 [tilespmem:s30], [sflag:$0x4], $0x80, s17, s28, $0xb8;
	[tilespmem:$0x1E500] =	vst v63  }
0x6c: {  	_ =	swait.ge [sflag:s15], $0x4000  }
0x6d: {  	[sflag:s15] =	ssyncset.done $0x0  }
0x6e: {  	[sflag:s15] =	ssyncadd.s32 $0xFFFFC000  }
0x6f: {  	_ =	swait.ge [sflag:s26], $0x80  }
0x70: {  	[sflag:s26] =	ssyncset.done $0x0  }
0x71: {  	[sflag:s26] =	ssyncadd.s32 $0xFFFFFF80  }
0x72: {  	[tilespmem:s23], [sflag:$0x1] =	stream.indirect.gather [hbm4b:s1+s28], $0x80, s24, s28, $0xb8;
	[tilespmem:$0x1E500] =	vst v63  }
0x73: {  	_ =	swait.ge [sflag:s21], $0x4000  }
0x74: {  	[sflag:s21] =	ssyncset.done $0x0  }
0x75: {  	[sflag:s21] =	ssyncadd.s32 $0xFFFFC000  }
0x76: {  	_ =	swait.ge [sflag:s29], $0x80  }
0x77: {  	[sflag:s29] =	ssyncset.done $0x0  }
0x78: {  	s7 =	sadd.s32 $0x20, s20;
	s17 =	simm.s32 $0x400;
	[sflag:s29] =	ssyncadd.s32 $0xFFFFFF80  }
.LBB2_5:
0x79: {  	[tilespmem:s30], [sflag:$0x2] =	stream.indirect.gather [hbm4b:s1+s28], $0x80, s25, s28, $0xb8;
	[tilespmem:$0x1E500] =	vst v63  }
0x7a: {  	s8 =	smov.u32 s17  }
0x7b: {  	p6 =	sne.s32 s17, $0x9800;
	s17 =	sadd.s32 $0x400, s17;
	_ =	swait.ge [sflag:s31], $0x4000  }
0x7c: {  	[sflag:s31] =	ssyncset.done $0x0  }
0x7d: {  	s9 =	sadd.s32 $0xFFFFFFF0, s7;
	s8 =	sshra.s32 s8, $0x2;
	[sflag:s31] =	ssyncadd.s32 $0xFFFFC000  }
0x7e: {  	[tilespmem:s24], [sflag:$0x5] =	stream.linear.gather [hbm4b:s9+s4], $0x80, $0x38;
	[tilespmem:$0x1E500] =	vst v63  }
0x7f: {  	s9 =	sadd.s32 $0x13C00, s8  }
0x80: {  	[spmem:s3] =	stream.indirect.scatter.add.f32 [tilespmem:s23], [sflag:$0x3], $0x80, s9, s28, $0xb8;
	[tilespmem:$0x1E500] =	vst v63  }
0x81: {  	_ =	swait.ge [sflag:s0], $0x4000  }
0x82: {  	[sflag:s0] =	ssyncset.done $0x0  }
0x83: {  	[sflag:s0] =	ssyncadd.s32 $0xFFFFC000  }
0x84: {  	[tilespmem:s25], [sflag:$0x6] =	stream.linear.gather [hbm4b:s7+s4], $0x80, $0x38;
	[tilespmem:$0x1E500] =	vst v63  }
0x85: {  	s8 =	sadd.s32 $0x13C80, s8  }
0x86: {  	[spmem:s3] =	stream.indirect.scatter.add.f32 [tilespmem:s30], [sflag:$0x4], $0x80, s8, s28, $0xb8;
	[tilespmem:$0x1E500] =	vst v63  }
0x87: {  	_ =	swait.ge [sflag:s15], $0x4000  }
0x88: {  	[sflag:s15] =	ssyncset.done $0x0  }
0x89: {  	[sflag:s15] =	ssyncadd.s32 $0xFFFFC000  }
0x8a: {  	_ =	swait.ge [sflag:s26], $0x80  }
0x8b: {  	[sflag:s26] =	ssyncset.done $0x0  }
0x8c: {  	[sflag:s26] =	ssyncadd.s32 $0xFFFFFF80  }
0x8d: {  	[tilespmem:s23], [sflag:$0x1] =	stream.indirect.gather [hbm4b:s1+s28], $0x80, s24, s28, $0xb8;
	[tilespmem:$0x1E500] =	vst v63  }
0x8e: {  	_ =	swait.ge [sflag:s21], $0x4000  }
.Ltmp4:
0x8f: {  	[sflag:s21] =	ssyncset.done $0x0;
	(pc) =	sbr.rel @p6 .LBB2_5-.Ltmp4, $4  }
0x90: {  	[sflag:s21] =	ssyncadd.s32 $0xFFFFC000  }
0x91: {  	_ =	swait.ge [sflag:s29], $0x80  }
0x92: {  	[sflag:s29] =	ssyncset.done $0x0  }
0x93: {  	s7 =	sadd.s32 $0x20, s7;
	[sflag:s29] =	ssyncadd.s32 $0xFFFFFF80  }
0x94: {  	[tilespmem:s30], [sflag:$0x2] =	stream.indirect.gather [hbm4b:s1+s28], $0x80, s25, s28, $0xb8;
	[tilespmem:$0x1E500] =	vst v63  }
0x95: {  	_ =	swait.ge [sflag:s31], $0x4000  }
0x96: {  	[sflag:s31] =	ssyncset.done $0x0  }
0x97: {  	s7 =	simm.s32 $0x16300;
	[sflag:s31] =	ssyncadd.s32 $0xFFFFC000  }
0x98: {  	[spmem:s3] =	stream.indirect.scatter.add.f32 [tilespmem:s23], [sflag:$0x3], $0x80, s7, s28, $0xb8;
	[tilespmem:$0x1E500] =	vst v63  }
0x99: {  	_ =	swait.ge [sflag:s0], $0x4000  }
0x9a: {  	[sflag:s0] =	ssyncset.done $0x0  }
0x9b: {  	s17 =	simm.s32 $0x16380;
	[sflag:s0] =	ssyncadd.s32 $0xFFFFC000  }
0x9c: {  	[spmem:s3] =	stream.indirect.scatter.add.f32 [tilespmem:s30], [sflag:$0x4], $0x80, s17, s28, $0xb8;
	[tilespmem:$0x1E500] =	vst v63  }
0x9d: {  	_ =	swait.ge [sflag:s15], $0x4000  }
0x9e: {  	[sflag:s15] =	ssyncset.done $0x0  }
0x9f: {  	[sflag:s15] =	ssyncadd.s32 $0xFFFFC000  }
0xa0: {  	_ =	swait.ge [sflag:s21], $0x4000  }
0xa1: {  	[sflag:s21] =	ssyncset.done $0x0  }
0xa2: {  	[sflag:s21] =	ssyncadd.s32 $0xFFFFC000  }
.LBB2_7:
.Ltmp5:
0xa3: {  	(pc) =	sbr.rel @!p1 .LBB2_11-.Ltmp5, $1  }
0xa4: {  	_ =	sdelay $0x3  }
0xa5: {  	s7 =	simm.s32 $0x0  }
0xa6: {  	[tilespmem:s24], [sflag:$0x5] =	stream.linear.gather [hbm4b:s12+s7], $0x80, $0x38;
	[tilespmem:$0x1E500] =	vst v63  }
0xa7: {  	_ = 	snop  }
0xa8: {  	[tilespmem:s25], [sflag:$0x6] =	stream.linear.gather [hbm4b:s13+s7], $0x80, $0x38;
	[tilespmem:$0x1E500] =	vst v63  }
0xa9: {  	_ =	swait.ge [sflag:s26], $0x80  }
0xaa: {  	[sflag:s26] =	ssyncset.done $0x0  }
0xab: {  	[sflag:s26] =	ssyncadd.s32 $0xFFFFFF80  }
0xac: {  	[tilespmem:s23], [sflag:$0x1] =	stream.indirect.gather [hbm4b:s5+s28], $0x80, s24, s28, $0xb8;
	[tilespmem:$0x1E500] =	vst v63  }
0xad: {  	_ =	swait.ge [sflag:s29], $0x80  }
0xae: {  	[sflag:s29] =	ssyncset.done $0x0  }
0xaf: {  	[sflag:s29] =	ssyncadd.s32 $0xFFFFFF80  }
0xb0: {  	[tilespmem:s30], [sflag:$0x2] =	stream.indirect.gather [hbm4b:s5+s28], $0x80, s25, s28, $0xb8;
	[tilespmem:$0x1E500] =	vst v63  }
0xb1: {  	_ =	swait.ge [sflag:s31], $0x4000  }
0xb2: {  	[sflag:s31] =	ssyncset.done $0x0  }
0xb3: {  	s8 =	sadd.s32 $0xFFFFFFF0, s20;
	[sflag:s31] =	ssyncadd.s32 $0xFFFFC000  }
0xb4: {  	[tilespmem:s24], [sflag:$0x5] =	stream.linear.gather [hbm4b:s8+s4], $0x80, $0x38;
	[tilespmem:$0x1E500] =	vst v63  }
0xb5: {  	s9 =	simm.s32 $0x13C00  }
0xb6: {  	[spmem:s3] =	stream.indirect.scatter.add.f32 [tilespmem:s23], [sflag:$0x3], $0x80, s9, s28, $0xb8;
	[tilespmem:$0x1E500] =	vst v63  }
0xb7: {  	_ =	swait.ge [sflag:s0], $0x4000  }
0xb8: {  	[sflag:s0] =	ssyncset.done $0x0  }
0xb9: {  	[sflag:s0] =	ssyncadd.s32 $0xFFFFC000  }
0xba: {  	[tilespmem:s25], [sflag:$0x6] =	stream.linear.gather [hbm4b:s20+s4], $0x80, $0x38;
	[tilespmem:$0x1E500] =	vst v63  }
0xbb: {  	s17 =	simm.s32 $0x13C80  }
0xbc: {  	[spmem:s3] =	stream.indirect.scatter.add.f32 [tilespmem:s30], [sflag:$0x4], $0x80, s17, s28, $0xb8;
	[tilespmem:$0x1E500] =	vst v63  }
0xbd: {  	_ =	swait.ge [sflag:s15], $0x4000  }
0xbe: {  	[sflag:s15] =	ssyncset.done $0x0  }
0xbf: {  	[sflag:s15] =	ssyncadd.s32 $0xFFFFC000  }
0xc0: {  	_ =	swait.ge [sflag:s26], $0x80  }
0xc1: {  	[sflag:s26] =	ssyncset.done $0x0  }
0xc2: {  	[sflag:s26] =	ssyncadd.s32 $0xFFFFFF80  }
0xc3: {  	[tilespmem:s23], [sflag:$0x1] =	stream.indirect.gather [hbm4b:s5+s28], $0x80, s24, s28, $0xb8;
	[tilespmem:$0x1E500] =	vst v63  }
0xc4: {  	_ =	swait.ge [sflag:s21], $0x4000  }
0xc5: {  	[sflag:s21] =	ssyncset.done $0x0  }
0xc6: {  	[sflag:s21] =	ssyncadd.s32 $0xFFFFC000  }
0xc7: {  	_ =	swait.ge [sflag:s29], $0x80  }
0xc8: {  	[sflag:s29] =	ssyncset.done $0x0  }
0xc9: {  	s7 =	sadd.s32 $0x20, s20;
	s17 =	simm.s32 $0x400;
	[sflag:s29] =	ssyncadd.s32 $0xFFFFFF80  }
.LBB2_9:
0xca: {  	[tilespmem:s30], [sflag:$0x2] =	stream.indirect.gather [hbm4b:s5+s28], $0x80, s25, s28, $0xb8;
	[tilespmem:$0x1E500] =	vst v63  }
0xcb: {  	s8 =	smov.u32 s17  }
0xcc: {  	p6 =	sne.s32 s17, $0x9800;
	s17 =	sadd.s32 $0x400, s17;
	_ =	swait.ge [sflag:s31], $0x4000  }
0xcd: {  	[sflag:s31] =	ssyncset.done $0x0  }
0xce: {  	s9 =	sadd.s32 $0xFFFFFFF0, s7;
	s8 =	sshra.s32 s8, $0x2;
	[sflag:s31] =	ssyncadd.s32 $0xFFFFC000  }
0xcf: {  	[tilespmem:s24], [sflag:$0x5] =	stream.linear.gather [hbm4b:s9+s4], $0x80, $0x38;
	[tilespmem:$0x1E500] =	vst v63  }
0xd0: {  	s9 =	sadd.s32 $0x13C00, s8  }
0xd1: {  	[spmem:s3] =	stream.indirect.scatter.add.f32 [tilespmem:s23], [sflag:$0x3], $0x80, s9, s28, $0xb8;
	[tilespmem:$0x1E500] =	vst v63  }
0xd2: {  	_ =	swait.ge [sflag:s0], $0x4000  }
0xd3: {  	[sflag:s0] =	ssyncset.done $0x0  }
0xd4: {  	[sflag:s0] =	ssyncadd.s32 $0xFFFFC000  }
0xd5: {  	[tilespmem:s25], [sflag:$0x6] =	stream.linear.gather [hbm4b:s7+s4], $0x80, $0x38;
	[tilespmem:$0x1E500] =	vst v63  }
0xd6: {  	s8 =	sadd.s32 $0x13C80, s8  }
0xd7: {  	[spmem:s3] =	stream.indirect.scatter.add.f32 [tilespmem:s30], [sflag:$0x4], $0x80, s8, s28, $0xb8;
	[tilespmem:$0x1E500] =	vst v63  }
0xd8: {  	_ =	swait.ge [sflag:s15], $0x4000  }
0xd9: {  	[sflag:s15] =	ssyncset.done $0x0  }
0xda: {  	[sflag:s15] =	ssyncadd.s32 $0xFFFFC000  }
0xdb: {  	_ =	swait.ge [sflag:s26], $0x80  }
0xdc: {  	[sflag:s26] =	ssyncset.done $0x0  }
0xdd: {  	[sflag:s26] =	ssyncadd.s32 $0xFFFFFF80  }
0xde: {  	[tilespmem:s23], [sflag:$0x1] =	stream.indirect.gather [hbm4b:s5+s28], $0x80, s24, s28, $0xb8;
	[tilespmem:$0x1E500] =	vst v63  }
0xdf: {  	_ =	swait.ge [sflag:s21], $0x4000  }
.Ltmp6:
0xe0: {  	[sflag:s21] =	ssyncset.done $0x0;
	(pc) =	sbr.rel @p6 .LBB2_9-.Ltmp6, $4  }
0xe1: {  	[sflag:s21] =	ssyncadd.s32 $0xFFFFC000  }
0xe2: {  	_ =	swait.ge [sflag:s29], $0x80  }
0xe3: {  	[sflag:s29] =	ssyncset.done $0x0  }
0xe4: {  	s7 =	sadd.s32 $0x20, s7;
	[sflag:s29] =	ssyncadd.s32 $0xFFFFFF80  }
0xe5: {  	[tilespmem:s30], [sflag:$0x2] =	stream.indirect.gather [hbm4b:s5+s28], $0x80, s25, s28, $0xb8;
	[tilespmem:$0x1E500] =	vst v63  }
0xe6: {  	_ =	swait.ge [sflag:s31], $0x4000  }
0xe7: {  	[sflag:s31] =	ssyncset.done $0x0  }
0xe8: {  	s7 =	simm.s32 $0x16300;
	[sflag:s31] =	ssyncadd.s32 $0xFFFFC000  }
0xe9: {  	[spmem:s3] =	stream.indirect.scatter.add.f32 [tilespmem:s23], [sflag:$0x3], $0x80, s7, s28, $0xb8;
	[tilespmem:$0x1E500] =	vst v63  }
0xea: {  	_ =	swait.ge [sflag:s0], $0x4000  }
0xeb: {  	[sflag:s0] =	ssyncset.done $0x0  }
0xec: {  	s17 =	simm.s32 $0x16380;
	[sflag:s0] =	ssyncadd.s32 $0xFFFFC000  }
0xed: {  	[spmem:s3] =	stream.indirect.scatter.add.f32 [tilespmem:s30], [sflag:$0x4], $0x80, s17, s28, $0xb8;
	[tilespmem:$0x1E500] =	vst v63  }
0xee: {  	_ =	swait.ge [sflag:s15], $0x4000  }
0xef: {  	[sflag:s15] =	ssyncset.done $0x0  }
0xf0: {  	[sflag:s15] =	ssyncadd.s32 $0xFFFFC000  }
0xf1: {  	_ =	swait.ge [sflag:s21], $0x4000  }
0xf2: {  	[sflag:s21] =	ssyncset.done $0x0  }
0xf3: {  	[sflag:s21] =	ssyncadd.s32 $0xFFFFC000  }
.LBB2_11:
.Ltmp7:
0xf4: {  	(pc) =	sbr.rel @!p2 .LBB2_14-.Ltmp7, $2  }
0xf5: {  	_ =	sdelay $0x1  }
0xf6: {  	[bflag:$0x0] =	sbarrier.arrive $0xFFFF;
	_ =	sdelay $0x1  }
0xf7: {  	s7 =	sshll.u32 s2, $0x6;
	s8 =	sshrl.u32 s6, $0x3  }
.Ltmp8:
0xf8: {  	s9 =	rddreg [dreg:$0x8];
	s7 =	sor.u32 $0x1C07, s7;
	(pc) =	sbr.rel .LBB2_13-.Ltmp8, $4  }
0xf9: {  	[hbm:s9], [sflag:s7] =	dma.local [spmem:s8], $0x2780  }
0xfa: {  	_ =	swait.ge [sflag:s22], $0x2780  }
0xfb: {  	[sflag:s22] =	ssyncset.done $0x0  }
0xfc: {  	p6 =	por $0x0, $0x0;
	[sflag:s22] =	ssyncadd.s32 $0xFFFFD880  }
.LBB2_14:
0xfd: {  	s7 =	sld [smem:$0x7FD];
	_ =	sdelay $0x2  }
0xfe: {  	p3 =	seq.s32 s7, $0x1  }
.Ltmp9:
0xff: {  	_ = 	snop;
	(pc) =	sbr.rel @p3 .LBB2_15-.Ltmp9, $2  }
0x100: {  	_ =	sdelay $0x2  }
0x101: {  	p6 =	por p0, p0  }
.LBB2_13:
0x102: {  	s7 =	sshll.u32 @p4 s2, $0x6  }
0x103: {  	s8 =	sshrl.u32 @p4 s6, $0x3;
	s9 =	rddreg [dreg:$0x9];
	s7 =	sor.u32 @p4 $0x1C07, s7  }
0x104: {  	[hbm:s9], [sflag:s7] =	dma.local @p4 [spmem:s8], $0x2780  }
.Ltmp10:
0x105: {  	_ = 	snop;
	(pc) =	sbr.rel .LBB2_16-.Ltmp10, $4  }
0x106: {  	s7 =	simm.s32 @p4 $0x7  }
0x107: {  	_ =	swait.ge @p4 [sflag:s7], $0x2780  }
0x108: {  	[sflag:s7] =	ssyncset.done @p4 $0x0  }
0x109: {  	[sflag:s7] =	ssyncadd.s32 @p4 $0xFFFFD880  }
.LBB2_17:
0x10a: {  	_ =	sfence.sel $0x180000  }
0x10b: {  	[bflag:$0x0] =	sbarrier.arrive $0xFFFF  }
0x10c: {  	_ =	strace $0x9000004D  }
0x10d: {  	[bflag:$0x2] =	sbarrier.arrive $0xFFFF  }
0x10e: {  	p0 =	sne.s32 s2, $0x0;
	s0 =	rddreg [dreg:$0x3]  }
0x10f: {  	s0 =	sadd.s32 @!p0 $0x100000, s0  }
0x110: {  	[sflag:s0] =	ssyncadd.tile.s32 @!p0 $0x1;
	_ =	shalt  }
.Lfunc_end2:
_tile_overlayer_lowered:
.L_overlay_start_2:
0x111: {  	(tag) =	ssettag $0x2  }
0x112: {  	s0 =	rddreg [dreg:$0x0];
	s2 =	stileid.u32  }
0x113: {  	s1 =	rddreg [dreg:$0x1];
	p0 =	sne.s32 s2, $0x0  }
0x114: {  	s3 =	rddreg [dreg:$0x2];
	[bflag:$0x3] =	sbarrier.arrive $0xFFFF;
	s2 =	simm.s32 @!p0 $0x1C07  }
0x115: {  	[timem:s3], [sflag:s2] =	dma.local @!p0 [hbm:s0], s1  }
0x116: {  	s0 =	simm.s32 @!p0 $0x7  }
0x117: {  	_ =	swait.ge @!p0 [sflag:s0], s1  }
0x118: {  	s1 =	ssub.s32 @!p0 $0x0, s1;
	[sflag:s0] =	ssyncset.done @!p0 $0x0  }
0x119: {  	[sflag:s0] =	ssyncadd.s32 @!p0 s1  }
0x11a: {  	[bflag:$0x3] =	sbarrier.arrive $0xFFFF  }
0x11b: {  	_ =	shalt  }

// kernel: kernel.8.cloned.1.call-start
scs
__scs_entry_jumppad:
0x0: {  	(pc) =	sbr.rel $0x88, $3  }
0x1: {  	(tag) =	ssettag $0x0;
	lr =	simm.s32 $0x1  }
0x2: {  	[smem:$0x3F8F] =	sst lr;
	_ =	strace $0xD0000000  }
0x3: {  	_ = 	snop  }
0x4: {  	_ = 	snop  }
0x5: {  	_ = 	snop  }
0x6: {  	_ = 	snop  }
0x7: {  	_ = 	snop  }
__scs_overlays_trampoline_lowered:
0x8: {  	[smem:$0x3F9E] =	sst s0  }
0x9: {  	[smem:$0x3F9F] =	sst s1  }
0xa: {  	[smem:$0x3FA0] =	sst s2  }
0xb: {  	[smem:$0x3FA1] =	sst s3  }
0xc: {  	[smem:$0x3FA2] =	sst s4  }
0xd: {  	[smem:$0x3FA3] =	sst s5  }
0xe: {  	[smem:$0x3FA4] =	sst s6  }
0xf: {  	[smem:$0x3FA5] =	sst s7  }
0x10: {  	[smem:$0x3FA6] =	sst s8  }
0x11: {  	[smem:$0x3FA7] =	sst s9;
	s0 =	simm.s32 @!p0 $0x0  }
0x12: {  	s1 =	sld [smem:$0x3F8D];
	s0 =	simm.s32 @p0 $0x1  }
0x13: {  	[smem:$0x3FA8] =	sst s0;
	s0 =	simm.s32 @!p1 $0x0  }
0x14: {  	s2 =	sld [smem:$0x3F8C];
	s0 =	simm.s32 @p1 $0x1  }
0x15: {  	[smem:$0x3FA9] =	sst s0;
	s0 =	simm.s32 @!p2 $0x0  }
0x16: {  	s3 =	sld [smem:$0x3FDB];
	s0 =	simm.s32 @p2 $0x1  }
0x17: {  	s4 =	simm.s32 $0x1BF5;
	[smem:$0x3FAB] =	sst s0  }
0x18: {  	s0 =	sld [smem:$0x3F8E];
	_ =	swait.ge [sflag:s4], $0x0  }
0x19: {  	s7 =	sld [smem:$0x3F8F]  }
0x1a: {  	s8 =	sadd.s32 $0xFFFFE003, lr  }
0x1b: {  	s9 =	sadd.s32 $0xFFFFFEF7, lr;
	s5 =	simm.s32 $0xFFFFFFFF;
	p2 =	slt.u32 s8, $0xFFFFF086  }
0x1c: {  	p1 =	slt.u32 s9, $0xF7A;
	s5 =	simm.s32 @!p2 $0x0  }
0x1d: {  	s5 =	simm.s32 @p1 $0x1;
	p0 =	seq.s32 s7, s2  }
0x1e: {  	s7 =	smul.u32 @!p0 $0xF7A, s2;
	p2 =	seq.s32 @!p0 s5, $0x0  }
0x1f: {  	s9 =	smul.u32 $0xF7A, s1;
	s8 =	simm.s32 @!p0 $0x1BF5;
	p2 =	por !p2, p0  }
0x20: {  	[sflag:s8] =	ssyncset.s32 @!p0 $0xFFFFF086;
	s6 =	sadd.s32 @!p0 s3, s7;
	s7 =	simm.s32 @!p0 $0x108  }
0x21: {  	s3 =	sadd.s32 s3, s9;
	s6 =	sadd.s32 @!p0 $0x88, s6;
	s7 =	simm.s32 @p2 $0x1082  }
0x22: {  	[simem:s7], [sflag:s8] =	dma.local @!p0 [hbm:s6], $0xF7A  }
0x23: {  	s9 =	sor.u32 $0xD0000000, s2;
	s6 =	simm.s32 $0x108;
	_ =	swait.ge @!p0 [sflag:s8], $0x0  }
0x24: {  	s3 =	sadd.s32 $0x88, s3;
	s6 =	simm.s32 @!p1 $0x1082;
	[sflag:s4] =	ssyncset.s32 $0xFFFFF086  }
0x25: {  	[simem:s6], [sflag:s4] =	dma.local [hbm:s3], $0xF7A  }
0x26: {  	[smem:$0x3F8F] =	sst s1;
	(tag) =	ssettag s2;
	_ =	strace s9  }
0x27: {  	s1 =	sld [smem:$0x3F9F]  }
0x28: {  	s2 =	sld [smem:$0x3FA0]  }
0x29: {  	s4 =	sld [smem:$0x3FA2]  }
0x2a: {  	p0 =	seq.s32 s5, $0x0;
	s5 =	sld [smem:$0x3FA3]  }
0x2b: {  	s6 =	sld [smem:$0x3FA4]  }
0x2c: {  	s7 =	sld [smem:$0x3FA5]  }
0x2d: {  	s3 =	simm.s32 $0x108;
	s8 =	sld [smem:$0x3FA6]  }
0x2e: {  	s3 =	simm.s32 @!p0 $0x1082;
	s9 =	sld [smem:$0x3FA7]  }
0x2f: {  	lr =	sadd.s32 s0, s3;
	s0 =	sld [smem:$0x3F9E]  }
0x30: {  	s3 =	sld [smem:$0x3FA1]  }
0x31: {  	[smem:$0x3FAA] =	sst s10  }
0x32: {  	s10 =	sld [smem:$0x3FA8];
	_ =	sdelay $0x3  }
0x33: {  	p0 =	seq.s32 s10, $0x1;
	s10 =	sld [smem:$0x3FAA];
	_ =	sdelay $0x3  }
0x34: {  	[smem:$0x3FAA] =	sst s10  }
0x35: {  	s10 =	sld [smem:$0x3FA9];
	_ =	sdelay $0x3  }
0x36: {  	p1 =	seq.s32 s10, $0x1;
	s10 =	sld [smem:$0x3FAA];
	_ =	sdelay $0x3  }
0x37: {  	[smem:$0x3FAA] =	sst s10  }
0x38: {  	s10 =	sld [smem:$0x3FAB]  }
0x39: {  	_ = 	snop;
	(pc) =	sbr.ind lr, $3  }
0x3a: {  	_ = 	snop  }
0x3b: {  	_ = 	snop  }
0x3c: {  	p2 =	seq.s32 s10, $0x1;
	s10 =	sld [smem:$0x3FAA]  }
0x3d: {  	_ =	shalt  }
0x3e: {  	_ =	shalt  }
0x3f: {  	_ =	shalt  }
0x40: {  	_ =	shalt  }
0x41: {  	_ =	shalt  }
0x42: {  	_ =	shalt  }
0x43: {  	_ =	shalt  }
0x44: {  	_ =	shalt  }
0x45: {  	_ =	shalt  }
0x46: {  	_ =	shalt  }
0x47: {  	_ =	shalt  }
0x48: {  	_ =	shalt  }
0x49: {  	_ =	shalt  }
0x4a: {  	_ =	shalt  }
0x4b: {  	_ =	shalt  }
0x4c: {  	_ =	shalt  }
0x4d: {  	_ =	shalt  }
0x4e: {  	_ =	shalt  }
0x4f: {  	_ =	shalt  }
0x50: {  	_ =	shalt  }
0x51: {  	_ =	shalt  }
0x52: {  	_ =	shalt  }
0x53: {  	_ =	shalt  }
0x54: {  	_ =	shalt  }
0x55: {  	_ =	shalt  }
0x56: {  	_ =	shalt  }
0x57: {  	_ =	shalt  }
0x58: {  	_ =	shalt  }
0x59: {  	_ =	shalt  }
0x5a: {  	_ =	shalt  }
0x5b: {  	_ =	shalt  }
0x5c: {  	_ =	shalt  }
0x5d: {  	_ =	shalt  }
0x5e: {  	_ =	shalt  }
0x5f: {  	_ =	shalt  }
0x60: {  	_ =	shalt  }
0x61: {  	_ =	shalt  }
0x62: {  	_ =	shalt  }
0x63: {  	_ =	shalt  }
0x64: {  	_ =	shalt  }
0x65: {  	_ =	shalt  }
0x66: {  	_ =	shalt  }
0x67: {  	_ =	shalt  }
0x68: {  	_ =	shalt  }
0x69: {  	_ =	shalt  }
0x6a: {  	_ =	shalt  }
0x6b: {  	_ =	shalt  }
0x6c: {  	_ =	shalt  }
0x6d: {  	_ =	shalt  }
0x6e: {  	_ =	shalt  }
0x6f: {  	_ =	shalt  }
0x70: {  	_ =	shalt  }
0x71: {  	_ =	shalt  }
0x72: {  	_ =	shalt  }
0x73: {  	_ =	shalt  }
0x74: {  	_ =	shalt  }
0x75: {  	_ =	shalt  }
0x76: {  	_ =	shalt  }
0x77: {  	_ =	shalt  }
0x78: {  	_ =	shalt  }
0x79: {  	_ =	shalt  }
0x7a: {  	_ =	shalt  }
0x7b: {  	_ =	shalt  }
0x7c: {  	_ =	shalt  }
0x7d: {  	_ =	shalt  }
0x7e: {  	_ =	shalt  }
0x7f: {  	_ =	shalt  }
0x80: {  	_ =	shalt  }
0x81: {  	_ =	shalt  }
0x82: {  	_ =	shalt  }
0x83: {  	_ =	shalt  }
0x84: {  	_ =	shalt  }
0x85: {  	_ =	shalt  }
0x86: {  	_ =	shalt  }
0x87: {  	_ =	shalt  }
.Lfunc_end0:
.L_simem_size_0:
called_computation_lowered:
.L_overlay_start_0:
0x88: {  	s2 =	sld [smem:$0x3FD9]  }
0x89: {  	s3 =	sld [smem:$0x3FFE];
	_ =	sdelay $0x1  }
0x8a: {  	s1 =	srdreg.scid  }
0x8b: {  	s0 =	sand.u32 $0x1, s1  }
0x8c: {  	s17 =	sshll.u32 s0, $0xA;
	s2 =	sadd.s32 s3, s2  }
0x8d: {  	s2 =	sadd.s32 s2, s17  }
0x8e: {  	[smem:$0x3FB6] =	sst s2  }
0x8f: {  	_ = 	snop  }
0x90: {  	(tm) =	ssettm $0x1  }
0x91: {  	s18 =	sld [smem:$0x3FFB];
	_ =	sdelay $0x3  }
0x92: {  	_ =	strace s18  }
0x93: {  	s2 =	sld [smem:$0x3FFC];
	_ =	sdelay $0x3  }
0x94: {  	_ =	strace s2  }
0x95: {  	s2 =	sld [smem:$0x3FFD];
	_ =	sdelay $0x3  }
0x96: {  	_ =	strace s2  }
0x97: {  	_ =	strace $0x8FFFFFFF  }
0x98: {  	s19 =	sld [smem:$0x3FDB];
	_ =	sdelay $0x1  }
0x99: {  	s20 =	simm.s32 $_scs_section_size  }
0x9a: {  	s4 =	simm.s32 $_size__tile_overlayer_lowered;
	s5 =	simm.s32 $_tile_overlayer_lowered  }
0x9b: {  	s6 =	simm.s32 $0x1BFF;
	s21 =	sshll.u32 s5, $0x1;
	s3 =	sadd.s32 s20, s19  }
0x9c: {  	s22 =	simm.s32 $0x0;
	s4 =	sshll.u32 s4, $0x1;
	s5 =	sadd.s32 s21, s3  }
0x9d: {  	[timem:s22], [sflag:s6] =	dma.local [hbm:s5], s4  }
0x9e: {  	_ =	swait.ge [sflag:s6], s4  }
0x9f: {  	s4 =	ssub.s32 $0x0, s4;
	[sflag:s6] =	ssyncset.done $0x0  }
0xa0: {  	[sflag:s6] =	ssyncadd.s32 s4;
	_ =	sdelay $0x1  }
0xa1: {  	s23 =	simm.s32 $0x1B8B  }
0xa2: {  	_ =	swait.ge [sflag:s23], $0x1  }
0xa3: {  	[sflag:s23] =	ssyncset.done $0x0  }
0xa4: {  	[sflag:s23] =	ssyncadd.s32 $0xFFFFFFFF  }
0xa5: {  	s4 =	sld [smem:$0x0]  }
0xa6: {  	s5 =	sand.u32 $0xFFFFFFFE, s1  }
0xa7: {  	p0 =	sne.s32 s1, s5  }
0xa8: {  	s5 =	sshll.u32 @p0 s5, $0xE  }
0xa9: {  	s5 =	sadd.s32 @p0 $0x11B8D, s5;
	s6 =	sshll.u32 @p0 s4, $0x11  }
0xaa: {  	s5 =	sor.u32 @p0 s6, s5  }
0xab: {  	[sflag:s5] =	ssyncadd.remote.s32 @p0 $0x1;
	_ =	sdelay $0x1  }
0xac: {  	s5 =	simm.s32 @p0 $0x1B8D  }
0xad: {  	_ =	swait.eq @p0 [sflag:s5], $0x1  }
0xae: {  	[sflag:s5] =	ssyncadd.s32 @p0 $0xFFFFFFFF  }
0xaf: {  	s6 =	sshll.u32 @!p0 s1, $0xE  }
0xb0: {  	s6 =	sor.u32 @!p0 $0x4000, s6;
	s5 =	simm.s32 @!p0 $0x1B8D  }
0xb1: {  	s4 =	sshll.u32 @!p0 s4, $0x11;
	s6 =	sadd.s32 @!p0 $0x11B8D, s6;
	_ =	swait.eq @!p0 [sflag:s5], $0x1  }
0xb2: {  	s4 =	sor.u32 @!p0 s4, s6;
	[sflag:s5] =	ssyncadd.s32 @!p0 $0xFFFFFFFF  }
0xb3: {  	s25 =	simm.s32 $0x1B8E;
	s24 =	sld [smem:$0x3FFE];
	[sflag:s4] =	ssyncadd.remote.s32 @!p0 $0x1  }
0xb4: {  	s26 =	simm.s32 $execute0_lowered;
	[smem:$0x3FD2] =	sst s25  }
0xb5: {  	s5 =	sshll.u32 s26, $0x1;
	_ =	strace $0x80000049;
	[dreg:$0x1] =	wrdreg $0xFFFFFFFF  }
0xb6: {  	s28 =	simm.s32 $_size_execute0_lowered;
	s3 =	sadd.s32 s3, s5;
	[dreg:$0x0] =	wrdreg $0x0  }
0xb7: {  	s5 =	sshll.u32 s28, $0x1;
	[dreg:$0x2] =	wrdreg s3  }
0xb8: {  	[dreg:$0x3] =	wrdreg s5  }
0xb9: {  	[dreg:$0x4] =	wrdreg $0xC0  }
0xba: {  	_ =	task [dreg:s22], $0x5FFFF  }
0xbb: {  	[dreg:$0x1] =	wrdreg $0xFFFFFFFF  }
0xbc: {  	[dreg:$0x0] =	wrdreg $0x60  }
0xbd: {  	[dreg:$0x2] =	wrdreg s24  }
0xbe: {  	[dreg:$0x3] =	wrdreg $0x0  }
0xbf: {  	[dreg:$0x4] =	wrdreg $0x9  }
0xc0: {  	_ =	task.clear_ibuf [dreg:s22], $0x5FFFF;
	_ =	strace $0x90000049  }
0xc1: {  	s29 =	simm.s32 $0x9;
	_ =	strace $0x8000004B  }
0xc2: {  	_ =	swait.ge [sflag:s29], $0x1  }
0xc3: {  	[sflag:s29] =	ssyncadd.s32 $0xFFFFFFFF  }
0xc4: {  	_ =	strace $0x9000004B  }
0xc5: {  	_ =	sfence  }
0xc6: {  	s30 =	sld [smem:$0x0];
	_ =	sdelay $0x2  }
0xc7: {  	s31 =	sshll.u32 s1, $0xD;
	s1 =	sshrl.u32 s1, $0x2  }
0xc8: {  	s4 =	sand.u32 $0x4000, s31;
	s1 =	sadd.s32 s1, s30  }
0xc9: {  	s0 =	sor.u32 s4, s0;
	s1 =	sshll.u32 s1, $0x11  }
0xca: {  	s0 =	sor.u32 s1, s0  }
0xcb: {  	s0 =	sadd.s32 $0x8F2B, s0  }
0xcc: {  	[sflag:s0] =	ssyncadd.remote.s32 $0x1  }
0xcd: {  	_ =	sfence.sel $0xFFFF  }
0xce: {  	[dreg:$0x0] =	wrdreg $0xFFFFFFFF;
	(pc) =	sbr.abs _section_cstart, $3  }
0xcf: {  	[dreg:$0x1] =	wrdreg $0xFFFFFFFF  }
0xd0: {  	_ =	task.clear_ibuf [dreg:s22], $0x2FFFF;
	_ =	strace $0x9FFFFFFF  }
0xd1: {  	(tm) =	ssettm $0x7FFFFFFF  }
tec
execute0_lowered:
.L_overlay_start_1:
0x0: {  	(tag) =	ssettag $0x1  }
0x1: {  	s1 =	srdreg.scid;
	s5 =	rddreg [dreg:$0x0]  }
0x2: {  	s0 =	stileid.u32;
	s2 =	rddreg [dreg:$0x1]  }
0x3: {  	s3 =	simm.s32 $0x0;
	s15 =	simm.s32 $0x13C00;
	s16 =	simm.s32 $0x1  }
0x4: {  	s17 =	simm.s32 $0x19000;
	s18 =	simm.s32 $0x80;
	s19 =	simm.s32 $0x15000  }
0x5: {  	s23 =	simm.s32 $0x0;
	s12 =	sand.u32 $0x1, s1;
	s1 =	rddreg [dreg:$0x2]  }
0x6: {  	s31 =	sshll.u32 s0, $0x1;
	[smem:$0x7FF] =	sst s3;
	s6 =	smul.u32 $0x4F000, s0  }
0x7: {  	p4 =	sne.s32 s0, $0xF;
	p0 =	seq.s32 s0, $0xF;
	s13 =	smul.u32 $0x2780, s0  }
0x8: {  	s22 =	sadd.s32 $0x128400, s2;
	s20 =	sshll.u32 s0, $0x6;
	s4 =	sor.u32 s12, s31  }
0x9: {  	_ =	strace $0x8000004A;
	s8 =	ssub.s32 $0x2, s12;
	p1 =	seq.s32 s12, $0x0  }
0xa: {  	s20 =	sor.u32 $0x1C01, s20;
	s22 =	sshrl.u32 s22, $0x3;
	s4 =	smul.u32 $0x280, s4  }
0xb: {  	s9 =	sshrl.u32 s8, $0x1;
	s6 =	sshrl.u32 s6, $0x2;
	p2 =	por !p1, !p4  }
0xc: {  	p3 =	por !p1, !p0;
	p1 =	seq.s32 s12, $0x1;
	s14 =	ssub.s32 s8, s9  }
0xd: {  	s6 =	sadd.s32 s6, s2;
	p2 =	por !p2, !p2;
	p3 =	por !p3, !p3  }
.Ltmp0:
0xe: {  	p4 =	por !p4, !p1;
	s7 =	sadd.s32 s4, s5;
	(pc) =	sbr.rel .LBB2_1-.Ltmp0, $4  }
0xf: {  	s4 =	sadd.s32 $0x83800, s5;
	s5 =	sadd.s32 $0xAAA00, s5;
	s8 =	sadd.s32 $0x4000, s6  }
0x10: {  	s9 =	sadd.s32 $0x8000, s6;
	s10 =	sadd.s32 $0xC000, s6;
	s11 =	sadd.s32 $0x10000, s6  }
0x11: {  	p4 =	por !p4, !p4;
	s14 =	smax.u32 s14, $0x1;
	s21 =	sshrl.u32 s6, $0x3  }
0x12: {  	v0 =	vimm.f32 $1.000000000e+00;
	v1 =	vimm.f32 $0.0e+00;
	s7 =	sadd.s32 $0x4200, s7;
	s12 =	sadd.s32 s4, s13;
	s13 =	sadd.s32 s5, s13  }
.LBB2_9:
0x13: {  	s25 =	sshll.u32 s25, $0x6  }
0x14: {  	s24 =	sadd.s32 $0x25080, s24;
	s25 =	sor.u32 $0x1C01, s25  }
0x15: {  	[hbm:s24], [sflag:s25] =	dma.local [spmem:s22], $0x2080  }
0x16: {  	_ =	swait.ge [sflag:s16], $0x2080  }
0x17: {  	[sflag:s16] =	ssyncset.done $0x0  }
0x18: {  	[sflag:s16] =	ssyncadd.s32 $0xFFFFDF80  }
.LBB2_10:
0x19: {  	s23 =	sadd.s32 $0x1, s23  }
0x1a: {  	p5 =	sne.s32 s23, s14  }
.Ltmp1:
0x1b: {  	_ = 	snop;
	(pc) =	sbr.rel @!p5 .LBB2_11-.Ltmp1, $1  }
0x1c: {  	_ =	sdelay $0x3  }
.LBB2_1:
0x1d: {  	[tilespmem:s15], [sflag:$0x1] =	stream.linear.gather [hbm4b:s7+s3], $0x1400, $0x38;
	[tilespmem:$0x1D000] =	vst v63  }
0x1e: {  	_ =	swait.ge [sflag:s16], $0x1400  }
0x1f: {  	[sflag:s16] =	ssyncset.done $0x0  }
0x20: {  	s24 =	simm.s32 $0x0;
	s25 =	simm.s32 $0x200;
	[sflag:s16] =	ssyncadd.s32 $0xFFFFEC00  }
.LBB2_2:
0x21: {  	p5 =	sne.s32 s25, $0xFE00;
	[tilespmem:s24+$0x19070] =	vst v1  }
0x22: {  	[tilespmem:s24+$0x15000] =	vst v0  }
0x23: {  	[tilespmem:s24+$0x19000] =	vst v1  }
0x24: {  	[tilespmem:s24+$0x15010] =	vst v0  }
0x25: {  	[tilespmem:s24+$0x19010] =	vst v1  }
0x26: {  	[tilespmem:s24+$0x15020] =	vst v0  }
0x27: {  	[tilespmem:s24+$0x19020] =	vst v1  }
0x28: {  	[tilespmem:s24+$0x15030] =	vst v0  }
0x29: {  	[tilespmem:s24+$0x19030] =	vst v1  }
0x2a: {  	[tilespmem:s24+$0x15040] =	vst v0  }
0x2b: {  	[tilespmem:s24+$0x19040] =	vst v1  }
.Ltmp2:
0x2c: {  	[tilespmem:s24+$0x15050] =	vst v0;
	(pc) =	sbr.rel @p5 .LBB2_2-.Ltmp2, $4  }
0x2d: {  	[tilespmem:s24+$0x19050] =	vst v1  }
0x2e: {  	[tilespmem:s24+$0x15060] =	vst v0  }
0x2f: {  	[tilespmem:s24+$0x19060] =	vst v1  }
0x30: {  	[tilespmem:s24+$0x15070] =	vst v0;
	s24 =	sshra.s32 s25, $0x2;
	s25 =	sadd.s32 $0x200, s25  }
0x31: {  	[tilespmem:s24+$0x19070] =	vst v1  }
0x32: {  	[tilespmem:s24+$0x15000] =	vst v0  }
0x33: {  	[tilespmem:s24+$0x19000] =	vst v1  }
0x34: {  	[tilespmem:s24+$0x15010] =	vst v0  }
0x35: {  	[tilespmem:s24+$0x19010] =	vst v1  }
0x36: {  	[tilespmem:s24+$0x15020] =	vst v0  }
0x37: {  	[tilespmem:s24+$0x19020] =	vst v1  }
0x38: {  	[tilespmem:s24+$0x15030] =	vst v0  }
0x39: {  	[tilespmem:s24+$0x19030] =	vst v1  }
0x3a: {  	[tilespmem:s24+$0x15040] =	vst v0  }
0x3b: {  	[tilespmem:s24+$0x19040] =	vst v1  }
0x3c: {  	[tilespmem:s24+$0x15050] =	vst v0  }
0x3d: {  	[tilespmem:s24+$0x19050] =	vst v1  }
0x3e: {  	[tilespmem:s24+$0x15060] =	vst v0  }
0x3f: {  	[tilespmem:s24+$0x19060] =	vst v1  }
0x40: {  	[tilespmem:s24+$0x15070] =	vst v0  }
0x41: {  	[spmem:s6] =	stream.linear.scatter [tilespmem:s17], [sflag:$0x1], $0x4000, $0x38;
	[tilespmem:$0x1D000] =	vst v63  }
0x42: {  	_ =	swait.ge [sflag:s16], $0x4000  }
0x43: {  	[sflag:s16] =	ssyncset.done $0x0  }
0x44: {  	[sflag:s16] =	ssyncadd.s32 $0xFFFFC000  }
0x45: {  	[spmem:s8] =	stream.linear.scatter [tilespmem:s17], [sflag:$0x1], $0x4000, $0x38;
	[tilespmem:$0x1D000] =	vst v63  }
0x46: {  	_ =	swait.ge [sflag:s16], $0x4000  }
0x47: {  	[sflag:s16] =	ssyncset.done $0x0  }
0x48: {  	[sflag:s16] =	ssyncadd.s32 $0xFFFFC000  }
0x49: {  	[spmem:s9] =	stream.linear.scatter [tilespmem:s17], [sflag:$0x1], $0x4000, $0x38;
	[tilespmem:$0x1D000] =	vst v63  }
0x4a: {  	_ =	swait.ge [sflag:s16], $0x4000  }
0x4b: {  	[sflag:s16] =	ssyncset.done $0x0  }
0x4c: {  	[sflag:s16] =	ssyncadd.s32 $0xFFFFC000  }
0x4d: {  	[spmem:s10] =	stream.linear.scatter [tilespmem:s17], [sflag:$0x1], $0x4000, $0x38;
	[tilespmem:$0x1D000] =	vst v63  }
0x4e: {  	_ =	swait.ge [sflag:s16], $0x4000  }
0x4f: {  	[sflag:s16] =	ssyncset.done $0x0  }
0x50: {  	[sflag:s16] =	ssyncadd.s32 $0xFFFFC000  }
0x51: {  	[spmem:s11] =	stream.linear.scatter [tilespmem:s17], [sflag:$0x1], $0x3C00, $0x38;
	[tilespmem:$0x1D000] =	vst v63  }
0x52: {  	_ =	swait.ge [sflag:s16], $0x3C00  }
0x53: {  	[sflag:s16] =	ssyncset.done $0x0  }
0x54: {  	[sflag:s16] =	ssyncadd.s32 $0xFFFFC400  }
0x55: {  	s31 =	simm.s32 $0x13C00;
	[bflag:$0x0] =	sbarrier.arrive $0xFFFF  }
0x56: {  	[spmem:s2] =	stream.indirect.scatter.add.f32 [tilespmem:s19], [sflag:$0x1], $0x80, s31, s18, $0xb8;
	[tilespmem:$0x1D000] =	vst v63  }
0x57: {  	s24 =	simm.s32 $0x200;
	_ =	swait.ge [sflag:s16], $0x4000  }
.LBB2_4:
0x58: {  	s25 =	sshra.s32 s24, $0x2;
	[sflag:s16] =	ssyncset.done $0x0;
	p5 =	sne.s32 s24, $0x4E00  }
.Ltmp3:
0x59: {  	s25 =	sadd.s32 $0x13C00, s25;
	[sflag:s16] =	ssyncadd.s32 $0xFFFFC000;
	(pc) =	sbr.rel @p5 .LBB2_4-.Ltmp3, $3  }
0x5a: {  	[spmem:s2] =	stream.indirect.scatter.add.f32 [tilespmem:s19], [sflag:$0x1], $0x80, s25, s18, $0xb8;
	[tilespmem:$0x1D000] =	vst v63  }
0x5b: {  	s24 =	sadd.s32 $0x200, s24;
	_ =	sdelay $0x1  }
0x5c: {  	_ =	swait.ge [sflag:s16], $0x4000  }
.Ltmp4:
0x5d: {  	(pc) =	sbr.rel @!p2 .LBB2_7-.Ltmp4, $3  }
0x5e: {  	[sflag:s16] =	ssyncset.done $0x0  }
0x5f: {  	[sflag:s16] =	ssyncadd.s32 $0xFFFFC000  }
0x60: {  	[bflag:$0x0] =	sbarrier.arrive $0xFFFF;
	_ =	sdelay $0x1  }
.Ltmp5:
0x61: {  	(pc) =	sbr.rel .LBB2_8-.Ltmp5, $4  }
0x62: {  	[hbm:s12], [sflag:s20] =	dma.local [spmem:s21], $0x2780  }
0x63: {  	_ =	swait.ge [sflag:s16], $0x2780  }
0x64: {  	[sflag:s16] =	ssyncset.done $0x0  }
0x65: {  	p5 =	por $0x0, $0x0;
	[sflag:s16] =	ssyncadd.s32 $0xFFFFD880  }
.LBB2_7:
.Ltmp6:
0x66: {  	(pc) =	sbr.rel @p3 .LBB2_9-.Ltmp6, $2  }
0x67: {  	_ =	sdelay $0x2  }
0x68: {  	s25 =	simm.s32 $0xF;
	p5 =	por p0, p0;
	s24 =	smov.u32 s4  }
.LBB2_8:
0x69: {  	s24 =	sshll.u32 @p4 s0, $0x6;
	p6 =	por @p4 $0x1, $0x1  }
0x6a: {  	s25 =	sshrl.u32 @p4 s6, $0x3;
	s24 =	sor.u32 @p4 $0x1C01, s24;
	p6 =	por @!p4 p1, p1  }
0x6b: {  	[hbm:s13], [sflag:s24] =	dma.local @p4 [spmem:s25], $0x2780  }
0x6c: {  	p5 =	por !p6, !p5  }
0x6d: {  	p5 =	por !p5, !p5  }
.Ltmp7:
0x6e: {  	_ = 	snop;
	(pc) =	sbr.rel @!p5 .LBB2_10-.Ltmp7, $4  }
.Ltmp8:
0x6f: {  	s24 =	simm.s32 @p4 $0x1;
	(pc) =	sbr.rel @p5 .LBB2_9-.Ltmp8, $4  }
0x70: {  	_ =	swait.ge @p4 [sflag:s24], $0x2780  }
0x71: {  	[sflag:s24] =	ssyncset.done @p4 $0x0  }
0x72: {  	s25 =	stileid.u32;
	[sflag:s24] =	ssyncadd.s32 @p4 $0xFFFFD880;
	s24 =	smov.u32 s5  }
0x73: {  	_ = 	snop  }
.LBB2_11:
0x74: {  	_ =	sfence.sel $0x180000  }
0x75: {  	[bflag:$0x0] =	sbarrier.arrive $0xFFFF  }
0x76: {  	p0 =	sne.s32 s0, $0x0;
	_ =	strace $0x9000004A  }
0x77: {  	s0 =	sadd.s32 @!p0 $0x100000, s1;
	[bflag:$0x2] =	sbarrier.arrive $0xFFFF  }
0x78: {  	[sflag:s0] =	ssyncadd.tile.s32 @!p0 $0x1;
	_ =	shalt  }
.Lfunc_end2:
_tile_overlayer_lowered:
.L_overlay_start_2:
0x79: {  	(tag) =	ssettag $0x2  }
0x7a: {  	s0 =	rddreg [dreg:$0x0];
	s2 =	stileid.u32  }
0x7b: {  	s1 =	rddreg [dreg:$0x1];
	p0 =	sne.s32 s2, $0x0  }
0x7c: {  	s3 =	rddreg [dreg:$0x2];
	[bflag:$0x3] =	sbarrier.arrive $0xFFFF;
	s2 =	simm.s32 @!p0 $0x1C01  }
0x7d: {  	[timem:s3], [sflag:s2] =	dma.local @!p0 [hbm:s0], s1  }
0x7e: {  	s0 =	simm.s32 @!p0 $0x1  }
0x7f: {  	_ =	swait.ge @!p0 [sflag:s0], s1  }
0x80: {  	s1 =	ssub.s32 @!p0 $0x0, s1;
	[sflag:s0] =	ssyncset.done @!p0 $0x0  }
0x81: {  	[sflag:s0] =	ssyncadd.s32 @!p0 s1  }
0x82: {  	[bflag:$0x3] =	sbarrier.arrive $0xFFFF  }
0x83: {  	_ =	shalt  }

</sc_bundles>
